<compile_context>
chip_gen: v7x
topology: tpu7x:2x2x1
jax: 0.10.2.dev20260603
libtpu: 0.0.44.dev20260713+nightly
codegen_flags: <defaults>
</compile_context>

<pallas_src>
import functools

import jax
import jax.numpy as jnp
from jax import lax
from jax.experimental import pallas as pl
from jax.experimental.pallas import tpu as pltpu
from jax.experimental.pallas import tpu_sc as plsc

_N_VOCAB = 1000
_D = 1000
_B = 1024
_T = 20
_NW = 32
_B_PER_W = _B // _NW
_EPC = 1
_ROWS = _EPC * _T
_N_CHUNKS = _B_PER_W // _EPC
_NSC = 16
_LOAD_ROWS = 64
_LOAD_REM = _N_VOCAB - (_NSC - 1) * _LOAD_ROWS


@functools.partial(
    pl.kernel,
    mesh=plsc.VectorSubcoreMesh(core_axis_name="c", subcore_axis_name="s"),
    out_type=jax.ShapeDtypeStruct((_B * _T, _D), jnp.float32),
    compiler_params=pltpu.CompilerParams(use_tc_tiling_on_sc=False),
    scratch_types=[
        pltpu.VMEM((_N_CHUNKS, _ROWS), jnp.int32),
        pltpu.VMEM((2, _ROWS, _D), jnp.float32),
        pltpu.VMEM_SHARED((_N_VOCAB, _D), jnp.float32),
        pltpu.SemaphoreType.DMA,
        pltpu.SemaphoreType.DMA,
        pltpu.SemaphoreType.DMA,
        pltpu.SemaphoreType.DMA,
    ],
)
def _gather_rows(idx_hbm, table_hbm, out_hbm, idx_v, rows_v, table_s, gs0, gs1, ss0, ss1):
    sid = lax.axis_index("s")
    wid = sid * 2 + lax.axis_index("c")
    wbase = wid * _B_PER_W
    @pl.when(sid < _NSC - 1)
    def _():
        pltpu.sync_copy(
            table_hbm.at[pl.ds(sid * _LOAD_ROWS, _LOAD_ROWS)],
            table_s.at[pl.ds(sid * _LOAD_ROWS, _LOAD_ROWS)],
        )

    @pl.when(sid == _NSC - 1)
    def _():
        pltpu.sync_copy(
            table_hbm.at[pl.ds((_NSC - 1) * _LOAD_ROWS, _LOAD_REM)],
            table_s.at[pl.ds((_NSC - 1) * _LOAD_ROWS, _LOAD_REM)],
        )

    pltpu.sync_copy(idx_hbm.at[wid], idx_v)
    plsc.subcore_barrier()
    gsem = [gs0, gs1]
    ssem = [ss0, ss1]
    gcp = [None, None]
    scp = [None, None]

    def gather(c, buf):
        return pltpu.async_copy(
            table_s.at[idx_v.at[c]],
            rows_v.at[buf],
            gsem[buf],
        )

    gcp[0] = gather(0, 0)
    for c in range(_N_CHUNKS):
        b = c % 2
        nb = (c + 1) % 2
        if c + 1 < _N_CHUNKS:
            if scp[nb] is not None:
                scp[nb].wait()
            gcp[nb] = gather(c + 1, nb)
        gcp[b].wait()
        scp[b] = pltpu.async_copy(
            rows_v.at[b], out_hbm.at[pl.ds((wbase + c) * _T, _T)], ssem[b]
        )
    scp[0].wait()
    scp[1].wait()


def kernel(idx, table):
    idx_r = idx.reshape(_NW, _N_CHUNKS, _ROWS)
    return _gather_rows(idx_r, table).reshape(_B, _T, _D)

# --- scband reference (transcript-rebuilt; emitter-appended) ---
"""Pipeline reference for scband-bigram-language-model-44633300140629 (READ-ONLY COPY).

The authoritative reference and input builder live on the scoring server;
editing this copy changes nothing except your own understanding.
"""

import jax, jax.numpy as jnp
import numpy as np

N_VOCAB = 1000
BATCH = 1024
SEQ = 20


def setup_inputs(seed: int = 0) -> dict:
    key = jax.random.key(seed)
    k_idx, k_tab = jax.random.split(key)
    idx = jax.random.randint(k_idx, (BATCH, SEQ), 0, N_VOCAB, dtype=jnp.int32)
    # nn.Embedding default init: N(0, 1)
    table = jax.random.normal(k_tab, (N_VOCAB, N_VOCAB), dtype=jnp.float32)
    return {"idx": idx, "table": table}


def reference(idx, table):
    # BigramLanguageModel forward with targets=None:
    # logits = token_embedding_table(idx) -> gather rows of [n_vocab, n_vocab] table
    logits = jnp.take(table, idx, axis=0)  # [B, T, n_vocab]
    return logits

if __name__ == "__main__":
    import jax
    _d = setup_inputs()
    print(jax.jit(kernel)(*tuple(_d.values())))

</pallas_src>

<mosaic_0001>
#map = affine_map<(d0, d1) -> (0, 0, 0)>
#map1 = affine_map<(d0, d1) -> (0, 0)>
module attributes {stable_mosaic.version = 14 : i64} {
  func.func @_gather_rows(%arg0: i32, %arg1: i32, %arg2: memref<32x32x20xi32, #tpu.memory_space<hbm>>, %arg3: memref<1000x1000xf32, #tpu.memory_space<hbm>>, %arg4: memref<20480x1000xf32, #tpu.memory_space<hbm>>, %arg5: memref<32x20xi32, #tpu.memory_space<vmem>>, %arg6: memref<2x20x1000xf32, #tpu.memory_space<vmem>>, %arg7: memref<1000x1000xf32, #tpu.memory_space<vmem_shared>>, %arg8: memref<!tpu.dma_semaphore, #tpu.memory_space<semaphore_mem>>, %arg9: memref<!tpu.dma_semaphore, #tpu.memory_space<semaphore_mem>>, %arg10: memref<!tpu.dma_semaphore, #tpu.memory_space<semaphore_mem>>, %arg11: memref<!tpu.dma_semaphore, #tpu.memory_space<semaphore_mem>>) attributes {dimension_semantics = [#tpu.dimension_semantics<core_parallel>, #tpu.dimension_semantics<subcore_parallel>], iteration_bounds = array<i64: 2, 16>, scalar_prefetch = 0 : i64, scratch_operands = 7 : i64, tpu.core_type = #tpu.core_type<sc_vector_subcore>, window_params = [{transform_indices = #map}, {transform_indices = #map1}, {transform_indices = #map1}]} {
    %mul3A = arith.constant 2 : i32
    %mul3A_0 = arith.muli %arg1, %mul3A : i32
    %add3A = arith.addi %mul3A_0, %arg0 : i32
    %mul3A_1 = arith.constant 32 : i32
    %mul3A_2 = arith.muli %add3A, %mul3A_1 : i32
    %lt3A = arith.constant 15 : i32
    %lt3A_3 = arith.cmpi slt, %arg1, %lt3A : i32
    %convert_element_type3A = arith.extui %lt3A_3 : i1 to i32
    %cond3A = arith.constant 0 : i32
    %cond3A_4 = arith.cmpi ne, %convert_element_type3A, %cond3A : i32
    scf.if %cond3A_4 {
      %mul3A_1735 = arith.constant 64 : i32
      %mul3A_1736 = arith.muli %arg1, %mul3A_1735 : i32
      %mul3A_1737 = arith.constant 64 : i32
      %mul3A_1738 = arith.muli %arg1, %mul3A_1737 : i32
      "tpu.region"() ({
        %run_scoped3A = tpu.sem_alloc : memref<!tpu.dma_semaphore, #tpu.memory_space<semaphore_mem>>
        %dma_start3A_1739 = arith.constant 0 : i32
        %dma_start3A_1740 = tpu.memref_slice %arg7[%mul3A_1738, %dma_start3A_1739] : memref<1000x1000xf32, #tpu.memory_space<vmem_shared>> -> memref<64x1000xf32, #tpu.memory_space<vmem_shared>>
        %dma_start3A_1741 = arith.constant 0 : i32
        %dma_start3A_1742 = tpu.memref_slice %arg3[%mul3A_1736, %dma_start3A_1741] : memref<1000x1000xf32, #tpu.memory_space<hbm>> -> memref<64x1000xf32, #tpu.memory_space<hbm>>
        tpu.enqueue_dma source(%dma_start3A_1742 : memref<64x1000xf32, #tpu.memory_space<hbm>>) target(%dma_start3A_1740 : memref<64x1000xf32, #tpu.memory_space<vmem_shared>>) target_semaphore(%run_scoped3A : memref<!tpu.dma_semaphore, #tpu.memory_space<semaphore_mem>>)
        %dma_wait3A_1743 = arith.constant 0 : i32
        %dma_wait3A_1744 = tpu.memref_slice %arg7[%mul3A_1738, %dma_wait3A_1743] : memref<1000x1000xf32, #tpu.memory_space<vmem_shared>> -> memref<64x1000xf32, #tpu.memory_space<vmem_shared>>
        %dma_wait3A_1745 = arith.constant 0 : i32
        %dma_wait3A_1746 = tpu.memref_slice %arg3[%mul3A_1736, %dma_wait3A_1745] : memref<1000x1000xf32, #tpu.memory_space<hbm>> -> memref<64x1000xf32, #tpu.memory_space<hbm>>
        tpu.wait_dma2 semaphore(%run_scoped3A : memref<!tpu.dma_semaphore, #tpu.memory_space<semaphore_mem>>) src(%dma_wait3A_1746 : memref<64x1000xf32, #tpu.memory_space<hbm>>) dst(%dma_wait3A_1744 : memref<64x1000xf32, #tpu.memory_space<vmem_shared>>)
        tpu.yield
      }) : () -> ()
    } else {
    }
    %eq3A = arith.constant 15 : i32
    %eq3A_5 = arith.cmpi eq, %arg1, %eq3A : i32
    %convert_element_type3A_6 = arith.extui %eq3A_5 : i1 to i32
    %cond3A_7 = arith.constant 0 : i32
    %cond3A_8 = arith.cmpi ne, %convert_element_type3A_6, %cond3A_7 : i32
    scf.if %cond3A_8 {
      "tpu.region"() ({
        %run_scoped3A = tpu.sem_alloc : memref<!tpu.dma_semaphore, #tpu.memory_space<semaphore_mem>>
        %dma_start3A_1735 = arith.constant 960 : i32
        %dma_start3A_1736 = arith.constant 0 : i32
        %dma_start3A_1737 = tpu.memref_slice %arg7[%dma_start3A_1735, %dma_start3A_1736] : memref<1000x1000xf32, #tpu.memory_space<vmem_shared>> -> memref<40x1000xf32, #tpu.memory_space<vmem_shared>>
        %dma_start3A_1738 = arith.constant 960 : i32
        %dma_start3A_1739 = arith.constant 0 : i32
        %dma_start3A_1740 = tpu.memref_slice %arg3[%dma_start3A_1738, %dma_start3A_1739] : memref<1000x1000xf32, #tpu.memory_space<hbm>> -> memref<40x1000xf32, #tpu.memory_space<hbm>>
        tpu.enqueue_dma source(%dma_start3A_1740 : memref<40x1000xf32, #tpu.memory_space<hbm>>) target(%dma_start3A_1737 : memref<40x1000xf32, #tpu.memory_space<vmem_shared>>) target_semaphore(%run_scoped3A : memref<!tpu.dma_semaphore, #tpu.memory_space<semaphore_mem>>)
        %dma_wait3A_1741 = arith.constant 960 : i32
        %dma_wait3A_1742 = arith.constant 0 : i32
        %dma_wait3A_1743 = tpu.memref_slice %arg7[%dma_wait3A_1741, %dma_wait3A_1742] : memref<1000x1000xf32, #tpu.memory_space<vmem_shared>> -> memref<40x1000xf32, #tpu.memory_space<vmem_shared>>
        %dma_wait3A_1744 = arith.constant 960 : i32
        %dma_wait3A_1745 = arith.constant 0 : i32
        %dma_wait3A_1746 = tpu.memref_slice %arg3[%dma_wait3A_1744, %dma_wait3A_1745] : memref<1000x1000xf32, #tpu.memory_space<hbm>> -> memref<40x1000xf32, #tpu.memory_space<hbm>>
        tpu.wait_dma2 semaphore(%run_scoped3A : memref<!tpu.dma_semaphore, #tpu.memory_space<semaphore_mem>>) src(%dma_wait3A_1746 : memref<40x1000xf32, #tpu.memory_space<hbm>>) dst(%dma_wait3A_1743 : memref<40x1000xf32, #tpu.memory_space<vmem_shared>>)
        tpu.yield
      }) : () -> ()
    } else {
    }
    "tpu.region"() ({
      %run_scoped3A = tpu.sem_alloc : memref<!tpu.dma_semaphore, #tpu.memory_space<semaphore_mem>>
      %dma_start3A_1735 = arith.constant 0 : i32
      %dma_start3A_1736 = arith.constant 0 : i32
      %dma_start3A_1737 = tpu.memref_slice %arg2[%add3A, %dma_start3A_1735, %dma_start3A_1736] : memref<32x32x20xi32, #tpu.memory_space<hbm>> -> memref<1x32x20xi32, #tpu.memory_space<hbm>>
      %dma_start3A_1738 = tpu.memref_squeeze %dma_start3A_1737 : memref<1x32x20xi32, #tpu.memory_space<hbm>> -> memref<32x20xi32, #tpu.memory_space<hbm>>
      %dma_start3A_1739 = arith.constant 0 : i32
      %dma_start3A_1740 = arith.constant 0 : i32
      %dma_start3A_1741 = tpu.memref_slice %arg2[%add3A, %dma_start3A_1739, %dma_start3A_1740] : memref<32x32x20xi32, #tpu.memory_space<hbm>> -> memref<1x32x20xi32, #tpu.memory_space<hbm>>
      %dma_start3A_1742 = tpu.memref_squeeze %dma_start3A_1741 : memref<1x32x20xi32, #tpu.memory_space<hbm>> -> memref<32x20xi32, #tpu.memory_space<hbm>>
      tpu.enqueue_dma source(%dma_start3A_1742 : memref<32x20xi32, #tpu.memory_space<hbm>>) target(%arg5 : memref<32x20xi32, #tpu.memory_space<vmem>>) target_semaphore(%run_scoped3A : memref<!tpu.dma_semaphore, #tpu.memory_space<semaphore_mem>>)
      %dma_wait3A_1743 = arith.constant 0 : i32
      %dma_wait3A_1744 = arith.constant 0 : i32
      %dma_wait3A_1745 = tpu.memref_slice %arg2[%add3A, %dma_wait3A_1743, %dma_wait3A_1744] : memref<32x32x20xi32, #tpu.memory_space<hbm>> -> memref<1x32x20xi32, #tpu.memory_space<hbm>>
      %dma_wait3A_1746 = tpu.memref_squeeze %dma_wait3A_1745 : memref<1x32x20xi32, #tpu.memory_space<hbm>> -> memref<32x20xi32, #tpu.memory_space<hbm>>
      %dma_wait3A_1747 = arith.constant 0 : i32
      %dma_wait3A_1748 = arith.constant 0 : i32
      %dma_wait3A_1749 = tpu.memref_slice %arg2[%add3A, %dma_wait3A_1747, %dma_wait3A_1748] : memref<32x32x20xi32, #tpu.memory_space<hbm>> -> memref<1x32x20xi32, #tpu.memory_space<hbm>>
      %dma_wait3A_1750 = tpu.memref_squeeze %dma_wait3A_1749 : memref<1x32x20xi32, #tpu.memory_space<hbm>> -> memref<32x20xi32, #tpu.memory_space<hbm>>
      tpu.wait_dma2 semaphore(%run_scoped3A : memref<!tpu.dma_semaphore, #tpu.memory_space<semaphore_mem>>) src(%dma_wait3A_1750 : memref<32x20xi32, #tpu.memory_space<hbm>>) dst(%arg5 : memref<32x20xi32, #tpu.memory_space<vmem>>)
      tpu.yield
    }) : () -> ()
    %barrier3A = arith.constant 0 : index
    tpu.barrier barrier_id(%barrier3A)
    %dma_start3A = arith.constant 0 : i32
    %dma_start3A_9 = arith.constant 0 : i32
    %dma_start3A_10 = arith.constant 0 : i32
    %dma_start3A_11 = arith.constant 0 : i32
    %dma_start3A_12 = tpu.memref_slice %arg6[%dma_start3A_9, %dma_start3A_10, %dma_start3A_11] : memref<2x20x1000xf32, #tpu.memory_space<vmem>> -> memref<1x20x1000xf32, #tpu.memory_space<vmem>>
    %dma_start3A_13 = tpu.memref_squeeze %dma_start3A_12 : memref<1x20x1000xf32, #tpu.memory_space<vmem>> -> memref<20x1000xf32, #tpu.memory_space<vmem>>
    %dma_start3A_14 = arith.constant 0 : i32
    %dma_start3A_15 = tpu.memref_slice %arg5[%dma_start3A, %dma_start3A_14] : memref<32x20xi32, #tpu.memory_space<vmem>> -> memref<1x20xi32, #tpu.memory_space<vmem>>
    %dma_start3A_16 = tpu.memref_squeeze %dma_start3A_15 : memref<1x20xi32, #tpu.memory_space<vmem>> -> memref<20xi32, #tpu.memory_space<vmem>>
    %dma_start3A_17 = arith.constant 0 : i32
    %dma_start3A_18 = arith.constant 0 : i32
    %dma_start3A_19 = tpu.memref_slice %arg7[%dma_start3A_17, %dma_start3A_18] : memref<1000x1000xf32, #tpu.memory_space<vmem_shared>> -> memref<1000x1000xf32, #tpu.memory_space<vmem_shared>>
    tpu.enqueue_indirect_dma source(%dma_start3A_19 : memref<1000x1000xf32, #tpu.memory_space<vmem_shared>>) target(%dma_start3A_13 : memref<20x1000xf32, #tpu.memory_space<vmem>>) offsets(%dma_start3A_16 : memref<20xi32, #tpu.memory_space<vmem>>) semaphore(%arg8 : memref<!tpu.dma_semaphore, #tpu.memory_space<semaphore_mem>>)
    %dma_start3A_20 = arith.constant 1 : i32
    %dma_start3A_21 = arith.constant 1 : i32
    %dma_start3A_22 = arith.constant 0 : i32
    %dma_start3A_23 = arith.constant 0 : i32
    %dma_start3A_24 = tpu.memref_slice %arg6[%dma_start3A_21, %dma_start3A_22, %dma_start3A_23] : memref<2x20x1000xf32, #tpu.memory_space<vmem>> -> memref<1x20x1000xf32, #tpu.memory_space<vmem>>
    %dma_start3A_25 = tpu.memref_squeeze %dma_start3A_24 : memref<1x20x1000xf32, #tpu.memory_space<vmem>> -> memref<20x1000xf32, #tpu.memory_space<vmem>>
    %dma_start3A_26 = arith.constant 0 : i32
    %dma_start3A_27 = tpu.memref_slice %arg5[%dma_start3A_20, %dma_start3A_26] : memref<32x20xi32, #tpu.memory_space<vmem>> -> memref<1x20xi32, #tpu.memory_space<vmem>>
    %dma_start3A_28 = tpu.memref_squeeze %dma_start3A_27 : memref<1x20xi32, #tpu.memory_space<vmem>> -> memref<20xi32, #tpu.memory_space<vmem>>
    %dma_start3A_29 = arith.constant 0 : i32
    %dma_start3A_30 = arith.constant 0 : i32
    %dma_start3A_31 = tpu.memref_slice %arg7[%dma_start3A_29, %dma_start3A_30] : memref<1000x1000xf32, #tpu.memory_space<vmem_shared>> -> memref<1000x1000xf32, #tpu.memory_space<vmem_shared>>
    tpu.enqueue_indirect_dma source(%dma_start3A_31 : memref<1000x1000xf32, #tpu.memory_space<vmem_shared>>) target(%dma_start3A_25 : memref<20x1000xf32, #tpu.memory_space<vmem>>) offsets(%dma_start3A_28 : memref<20xi32, #tpu.memory_space<vmem>>) semaphore(%arg9 : memref<!tpu.dma_semaphore, #tpu.memory_space<semaphore_mem>>)
    %dma_wait3A = arith.constant 0 : i32
    %dma_wait3A_32 = arith.constant 0 : i32
    %dma_wait3A_33 = arith.constant 0 : i32
    %dma_wait3A_34 = arith.constant 0 : i32
    %dma_wait3A_35 = tpu.memref_slice %arg6[%dma_wait3A_32, %dma_wait3A_33, %dma_wait3A_34] : memref<2x20x1000xf32, #tpu.memory_space<vmem>> -> memref<1x20x1000xf32, #tpu.memory_space<vmem>>
    %dma_wait3A_36 = tpu.memref_squeeze %dma_wait3A_35 : memref<1x20x1000xf32, #tpu.memory_space<vmem>> -> memref<20x1000xf32, #tpu.memory_space<vmem>>
    %dma_wait3A_37 = arith.constant 0 : i32
    %dma_wait3A_38 = tpu.memref_slice %arg5[%dma_wait3A, %dma_wait3A_37] : memref<32x20xi32, #tpu.memory_space<vmem>> -> memref<1x20xi32, #tpu.memory_space<vmem>>
    %dma_wait3A_39 = tpu.memref_squeeze %dma_wait3A_38 : memref<1x20xi32, #tpu.memory_space<vmem>> -> memref<20xi32, #tpu.memory_space<vmem>>
    %dma_wait3A_40 = arith.constant 0 : i32
    %dma_wait3A_41 = arith.constant 0 : i32
    %dma_wait3A_42 = tpu.memref_slice %arg7[%dma_wait3A_40, %dma_wait3A_41] : memref<1000x1000xf32, #tpu.memory_space<vmem_shared>> -> memref<1000x1000xf32, #tpu.memory_space<vmem_shared>>
    tpu.wait_indirect_dma semaphore(%arg8 : memref<!tpu.dma_semaphore, #tpu.memory_space<semaphore_mem>>) src(%dma_wait3A_42 : memref<1000x1000xf32, #tpu.memory_space<vmem_shared>>) dst(%dma_wait3A_36 : memref<20x1000xf32, #tpu.memory_space<vmem>>)
    %add3A_43 = arith.constant 0 : i32
    %add3A_44 = arith.addi %mul3A_2, %add3A_43 : i32
    %mul3A_45 = arith.constant 20 : i32
    %mul3A_46 = arith.muli %add3A_44, %mul3A_45 : i32
    %dma_start3A_47 = arith.constant 0 : i32
    %dma_start3A_48 = arith.constant 0 : i32
    %dma_start3A_49 = arith.constant 0 : i32
    %dma_start3A_50 = tpu.memref_slice %arg6[%dma_start3A_47, %dma_start3A_48, %dma_start3A_49] : memref<2x20x1000xf32, #tpu.memory_space<vmem>> -> memref<1x20x1000xf32, #tpu.memory_space<vmem>>
    %dma_start3A_51 = tpu.memref_squeeze %dma_start3A_50 : memref<1x20x1000xf32, #tpu.memory_space<vmem>> -> memref<20x1000xf32, #tpu.memory_space<vmem>>
    %dma_start3A_52 = arith.constant 0 : i32
    %dma_start3A_53 = tpu.memref_slice %arg4[%mul3A_46, %dma_start3A_52] : memref<20480x1000xf32, #tpu.memory_space<hbm>> -> memref<20x1000xf32, #tpu.memory_space<hbm>>
    %dma_start3A_54 = arith.constant 0 : i32
    %dma_start3A_55 = tpu.memref_slice %arg4[%mul3A_46, %dma_start3A_54] : memref<20480x1000xf32, #tpu.memory_space<hbm>> -> memref<20x1000xf32, #tpu.memory_space<hbm>>
    %dma_start3A_56 = arith.constant 0 : i32
    %dma_start3A_57 = arith.constant 0 : i32
    %dma_start3A_58 = tpu.memref_slice %arg6[%dma_start3A_47, %dma_start3A_56, %dma_start3A_57] : memref<2x20x1000xf32, #tpu.memory_space<vmem>> -> memref<1x20x1000xf32, #tpu.memory_space<vmem>>
    %dma_start3A_59 = tpu.memref_squeeze %dma_start3A_58 : memref<1x20x1000xf32, #tpu.memory_space<vmem>> -> memref<20x1000xf32, #tpu.memory_space<vmem>>
    tpu.enqueue_dma source(%dma_start3A_59 : memref<20x1000xf32, #tpu.memory_space<vmem>>) target(%dma_start3A_55 : memref<20x1000xf32, #tpu.memory_space<hbm>>) target_semaphore(%arg10 : memref<!tpu.dma_semaphore, #tpu.memory_space<semaphore_mem>>)
    %dma_wait3A_60 = arith.constant 0 : i32
    %dma_wait3A_61 = arith.constant 0 : i32
    %dma_wait3A_62 = arith.constant 0 : i32
    %dma_wait3A_63 = tpu.memref_slice %arg6[%dma_wait3A_60, %dma_wait3A_61, %dma_wait3A_62] : memref<2x20x1000xf32, #tpu.memory_space<vmem>> -> memref<1x20x1000xf32, #tpu.memory_space<vmem>>
    %dma_wait3A_64 = tpu.memref_squeeze %dma_wait3A_63 : memref<1x20x1000xf32, #tpu.memory_space<vmem>> -> memref<20x1000xf32, #tpu.memory_space<vmem>>
    %dma_wait3A_65 = arith.constant 0 : i32
    %dma_wait3A_66 = tpu.memref_slice %arg4[%mul3A_46, %dma_wait3A_65] : memref<20480x1000xf32, #tpu.memory_space<hbm>> -> memref<20x1000xf32, #tpu.memory_space<hbm>>
    %dma_wait3A_67 = arith.constant 0 : i32
    %dma_wait3A_68 = tpu.memref_slice %arg4[%mul3A_46, %dma_wait3A_67] : memref<20480x1000xf32, #tpu.memory_space<hbm>> -> memref<20x1000xf32, #tpu.memory_space<hbm>>
    %dma_wait3A_69 = arith.constant 0 : i32
    %dma_wait3A_70 = arith.constant 0 : i32
    %dma_wait3A_71 = tpu.memref_slice %arg6[%dma_wait3A_60, %dma_wait3A_69, %dma_wait3A_70] : memref<2x20x1000xf32, #tpu.memory_space<vmem>> -> memref<1x20x1000xf32, #tpu.memory_space<vmem>>
    %dma_wait3A_72 = tpu.memref_squeeze %dma_wait3A_71 : memref<1x20x1000xf32, #tpu.memory_space<vmem>> -> memref<20x1000xf32, #tpu.memory_space<vmem>>
    tpu.wait_dma2 semaphore(%arg10 : memref<!tpu.dma_semaphore, #tpu.memory_space<semaphore_mem>>) src(%dma_wait3A_72 : memref<20x1000xf32, #tpu.memory_space<vmem>>) dst(%dma_wait3A_68 : memref<20x1000xf32, #tpu.memory_space<hbm>>)
    %dma_start3A_73 = arith.constant 2 : i32
    %dma_start3A_74 = arith.constant 0 : i32
    %dma_start3A_75 = arith.constant 0 : i32
    %dma_start3A_76 = arith.constant 0 : i32
    %dma_start3A_77 = tpu.memref_slice %arg6[%dma_start3A_74, %dma_start3A_75, %dma_start3A_76] : memref<2x20x1000xf32, #tpu.memory_space<vmem>> -> memref<1x20x1000xf32, #tpu.memory_space<vmem>>
    %dma_start3A_78 = tpu.memref_squeeze %dma_start3A_77 : memref<1x20x1000xf32, #tpu.memory_space<vmem>> -> memref<20x1000xf32, #tpu.memory_space<vmem>>
    %dma_start3A_79 = arith.constant 0 : i32
    %dma_start3A_80 = tpu.memref_slice %arg5[%dma_start3A_73, %dma_start3A_79] : memref<32x20xi32, #tpu.memory_space<vmem>> -> memref<1x20xi32, #tpu.memory_space<vmem>>
    %dma_start3A_81 = tpu.memref_squeeze %dma_start3A_80 : memref<1x20xi32, #tpu.memory_space<vmem>> -> memref<20xi32, #tpu.memory_space<vmem>>
    %dma_start3A_82 = arith.constant 0 : i32
    %dma_start3A_83 = arith.constant 0 : i32
    %dma_start3A_84 = tpu.memref_slice %arg7[%dma_start3A_82, %dma_start3A_83] : memref<1000x1000xf32, #tpu.memory_space<vmem_shared>> -> memref<1000x1000xf32, #tpu.memory_space<vmem_shared>>
    tpu.enqueue_indirect_dma source(%dma_start3A_84 : memref<1000x1000xf32, #tpu.memory_space<vmem_shared>>) target(%dma_start3A_78 : memref<20x1000xf32, #tpu.memory_space<vmem>>) offsets(%dma_start3A_81 : memref<20xi32, #tpu.memory_space<vmem>>) semaphore(%arg8 : memref<!tpu.dma_semaphore, #tpu.memory_space<semaphore_mem>>)
    %dma_wait3A_85 = arith.constant 1 : i32
    %dma_wait3A_86 = arith.constant 1 : i32
    %dma_wait3A_87 = arith.constant 0 : i32
    %dma_wait3A_88 = arith.constant 0 : i32
    %dma_wait3A_89 = tpu.memref_slice %arg6[%dma_wait3A_86, %dma_wait3A_87, %dma_wait3A_88] : memref<2x20x1000xf32, #tpu.memory_space<vmem>> -> memref<1x20x1000xf32, #tpu.memory_space<vmem>>
    %dma_wait3A_90 = tpu.memref_squeeze %dma_wait3A_89 : memref<1x20x1000xf32, #tpu.memory_space<vmem>> -> memref<20x1000xf32, #tpu.memory_space<vmem>>
    %dma_wait3A_91 = arith.constant 0 : i32
    %dma_wait3A_92 = tpu.memref_slice %arg5[%dma_wait3A_85, %dma_wait3A_91] : memref<32x20xi32, #tpu.memory_space<vmem>> -> memref<1x20xi32, #tpu.memory_space<vmem>>
    %dma_wait3A_93 = tpu.memref_squeeze %dma_wait3A_92 : memref<1x20xi32, #tpu.memory_space<vmem>> -> memref<20xi32, #tpu.memory_space<vmem>>
    %dma_wait3A_94 = arith.constant 0 : i32
    %dma_wait3A_95 = arith.constant 0 : i32
    %dma_wait3A_96 = tpu.memref_slice %arg7[%dma_wait3A_94, %dma_wait3A_95] : memref<1000x1000xf32, #tpu.memory_space<vmem_shared>> -> memref<1000x1000xf32, #tpu.memory_space<vmem_shared>>
    tpu.wait_indirect_dma semaphore(%arg9 : memref<!tpu.dma_semaphore, #tpu.memory_space<semaphore_mem>>) src(%dma_wait3A_96 : memref<1000x1000xf32, #tpu.memory_space<vmem_shared>>) dst(%dma_wait3A_90 : memref<20x1000xf32, #tpu.memory_space<vmem>>)
    %add3A_97 = arith.constant 1 : i32
    %add3A_98 = arith.addi %mul3A_2, %add3A_97 : i32
    %mul3A_99 = arith.constant 20 : i32
    %mul3A_100 = arith.muli %add3A_98, %mul3A_99 : i32
    %dma_start3A_101 = arith.constant 1 : i32
    %dma_start3A_102 = arith.constant 0 : i32
    %dma_start3A_103 = arith.constant 0 : i32
    %dma_start3A_104 = tpu.memref_slice %arg6[%dma_start3A_101, %dma_start3A_102, %dma_start3A_103] : memref<2x20x1000xf32, #tpu.memory_space<vmem>> -> memref<1x20x1000xf32, #tpu.memory_space<vmem>>
    %dma_start3A_105 = tpu.memref_squeeze %dma_start3A_104 : memref<1x20x1000xf32, #tpu.memory_space<vmem>> -> memref<20x1000xf32, #tpu.memory_space<vmem>>
    %dma_start3A_106 = arith.constant 0 : i32
    %dma_start3A_107 = tpu.memref_slice %arg4[%mul3A_100, %dma_start3A_106] : memref<20480x1000xf32, #tpu.memory_space<hbm>> -> memref<20x1000xf32, #tpu.memory_space<hbm>>
    %dma_start3A_108 = arith.constant 0 : i32
    %dma_start3A_109 = tpu.memref_slice %arg4[%mul3A_100, %dma_start3A_108] : memref<20480x1000xf32, #tpu.memory_space<hbm>> -> memref<20x1000xf32, #tpu.memory_space<hbm>>
    %dma_start3A_110 = arith.constant 0 : i32
    %dma_start3A_111 = arith.constant 0 : i32
    %dma_start3A_112 = tpu.memref_slice %arg6[%dma_start3A_101, %dma_start3A_110, %dma_start3A_111] : memref<2x20x1000xf32, #tpu.memory_space<vmem>> -> memref<1x20x1000xf32, #tpu.memory_space<vmem>>
    %dma_start3A_113 = tpu.memref_squeeze %dma_start3A_112 : memref<1x20x1000xf32, #tpu.memory_space<vmem>> -> memref<20x1000xf32, #tpu.memory_space<vmem>>
    tpu.enqueue_dma source(%dma_start3A_113 : memref<20x1000xf32, #tpu.memory_space<vmem>>) target(%dma_start3A_109 : memref<20x1000xf32, #tpu.memory_space<hbm>>) target_semaphore(%arg11 : memref<!tpu.dma_semaphore, #tpu.memory_space<semaphore_mem>>)
    %dma_wait3A_114 = arith.constant 1 : i32
    %dma_wait3A_115 = arith.constant 0 : i32
    %dma_wait3A_116 = arith.constant 0 : i32
    %dma_wait3A_117 = tpu.memref_slice %arg6[%dma_wait3A_114, %dma_wait3A_115, %dma_wait3A_116] : memref<2x20x1000xf32, #tpu.memory_space<vmem>> -> memref<1x20x1000xf32, #tpu.memory_space<vmem>>
    %dma_wait3A_118 = tpu.memref_squeeze %dma_wait3A_117 : memref<1x20x1000xf32, #tpu.memory_space<vmem>> -> memref<20x1000xf32, #tpu.memory_space<vmem>>
    %dma_wait3A_119 = arith.constant 0 : i32
    %dma_wait3A_120 = tpu.memref_slice %arg4[%mul3A_100, %dma_wait3A_119] : memref<20480x1000xf32, #tpu.memory_space<hbm>> -> memref<20x1000xf32, #tpu.memory_space<hbm>>
    %dma_wait3A_121 = arith.constant 0 : i32
    %dma_wait3A_122 = tpu.memref_slice %arg4[%mul3A_100, %dma_wait3A_121] : memref<20480x1000xf32, #tpu.memory_space<hbm>> -> memref<20x1000xf32, #tpu.memory_space<hbm>>
    %dma_wait3A_123 = arith.constant 0 : i32
    %dma_wait3A_124 = arith.constant 0 : i32
    %dma_wait3A_125 = tpu.memref_slice %arg6[%dma_wait3A_114, %dma_wait3A_123, %dma_wait3A_124] : memref<2x20x1000xf32, #tpu.memory_space<vmem>> -> memref<1x20x1000xf32, #tpu.memory_space<vmem>>
    %dma_wait3A_126 = tpu.memref_squeeze %dma_wait3A_125 : memref<1x20x1000xf32, #tpu.memory_space<vmem>> -> memref<20x1000xf32, #tpu.memory_space<vmem>>
    tpu.wait_dma2 semaphore(%arg11 : memref<!tpu.dma_semaphore, #tpu.memory_space<semaphore_mem>>) src(%dma_wait3A_126 : memref<20x1000xf32, #tpu.memory_space<vmem>>) dst(%dma_wait3A_122 : memref<20x1000xf32, #tpu.memory_space<hbm>>)
    %dma_start3A_127 = arith.constant 3 : i32
    %dma_start3A_128 = arith.constant 1 : i32
    %dma_start3A_129 = arith.constant 0 : i32
    %dma_start3A_130 = arith.constant 0 : i32
    %dma_start3A_131 = tpu.memref_slice %arg6[%dma_start3A_128, %dma_start3A_129, %dma_start3A_130] : memref<2x20x1000xf32, #tpu.memory_space<vmem>> -> memref<1x20x1000xf32, #tpu.memory_space<vmem>>
    %dma_start3A_132 = tpu.memref_squeeze %dma_start3A_131 : memref<1x20x1000xf32, #tpu.memory_space<vmem>> -> memref<20x1000xf32, #tpu.memory_space<vmem>>
    %dma_start3A_133 = arith.constant 0 : i32
    %dma_start3A_134 = tpu.memref_slice %arg5[%dma_start3A_127, %dma_start3A_133] : memref<32x20xi32, #tpu.memory_space<vmem>> -> memref<1x20xi32, #tpu.memory_space<vmem>>
    %dma_start3A_135 = tpu.memref_squeeze %dma_start3A_134 : memref<1x20xi32, #tpu.memory_space<vmem>> -> memref<20xi32, #tpu.memory_space<vmem>>
    %dma_start3A_136 = arith.constant 0 : i32
    %dma_start3A_137 = arith.constant 0 : i32
    %dma_start3A_138 = tpu.memref_slice %arg7[%dma_start3A_136, %dma_start3A_137] : memref<1000x1000xf32, #tpu.memory_space<vmem_shared>> -> memref<1000x1000xf32, #tpu.memory_space<vmem_shared>>
    tpu.enqueue_indirect_dma source(%dma_start3A_138 : memref<1000x1000xf32, #tpu.memory_space<vmem_shared>>) target(%dma_start3A_132 : memref<20x1000xf32, #tpu.memory_space<vmem>>) offsets(%dma_start3A_135 : memref<20xi32, #tpu.memory_space<vmem>>) semaphore(%arg9 : memref<!tpu.dma_semaphore, #tpu.memory_space<semaphore_mem>>)
    %dma_wait3A_139 = arith.constant 2 : i32
    %dma_wait3A_140 = arith.constant 0 : i32
    %dma_wait3A_141 = arith.constant 0 : i32
    %dma_wait3A_142 = arith.constant 0 : i32
    %dma_wait3A_143 = tpu.memref_slice %arg6[%dma_wait3A_140, %dma_wait3A_141, %dma_wait3A_142] : memref<2x20x1000xf32, #tpu.memory_space<vmem>> -> memref<1x20x1000xf32, #tpu.memory_space<vmem>>
    %dma_wait3A_144 = tpu.memref_squeeze %dma_wait3A_143 : memref<1x20x1000xf32, #tpu.memory_space<vmem>> -> memref<20x1000xf32, #tpu.memory_space<vmem>>
    %dma_wait3A_145 = arith.constant 0 : i32
    %dma_wait3A_146 = tpu.memref_slice %arg5[%dma_wait3A_139, %dma_wait3A_145] : memref<32x20xi32, #tpu.memory_space<vmem>> -> memref<1x20xi32, #tpu.memory_space<vmem>>
    %dma_wait3A_147 = tpu.memref_squeeze %dma_wait3A_146 : memref<1x20xi32, #tpu.memory_space<vmem>> -> memref<20xi32, #tpu.memory_space<vmem>>
    %dma_wait3A_148 = arith.constant 0 : i32
    %dma_wait3A_149 = arith.constant 0 : i32
    %dma_wait3A_150 = tpu.memref_slice %arg7[%dma_wait3A_148, %dma_wait3A_149] : memref<1000x1000xf32, #tpu.memory_space<vmem_shared>> -> memref<1000x1000xf32, #tpu.memory_space<vmem_shared>>
    tpu.wait_indirect_dma semaphore(%arg8 : memref<!tpu.dma_semaphore, #tpu.memory_space<semaphore_mem>>) src(%dma_wait3A_150 : memref<1000x1000xf32, #tpu.memory_space<vmem_shared>>) dst(%dma_wait3A_144 : memref<20x1000xf32, #tpu.memory_space<vmem>>)
    %add3A_151 = arith.constant 2 : i32
    %add3A_152 = arith.addi %mul3A_2, %add3A_151 : i32
    %mul3A_153 = arith.constant 20 : i32
    %mul3A_154 = arith.muli %add3A_152, %mul3A_153 : i32
    %dma_start3A_155 = arith.constant 0 : i32
    %dma_start3A_156 = arith.constant 0 : i32
    %dma_start3A_157 = arith.constant 0 : i32
    %dma_start3A_158 = tpu.memref_slice %arg6[%dma_start3A_155, %dma_start3A_156, %dma_start3A_157] : memref<2x20x1000xf32, #tpu.memory_space<vmem>> -> memref<1x20x1000xf32, #tpu.memory_space<vmem>>
    %dma_start3A_159 = tpu.memref_squeeze %dma_start3A_158 : memref<1x20x1000xf32, #tpu.memory_space<vmem>> -> memref<20x1000xf32, #tpu.memory_space<vmem>>
    %dma_start3A_160 = arith.constant 0 : i32
    %dma_start3A_161 = tpu.memref_slice %arg4[%mul3A_154, %dma_start3A_160] : memref<20480x1000xf32, #tpu.memory_space<hbm>> -> memref<20x1000xf32, #tpu.memory_space<hbm>>
    %dma_start3A_162 = arith.constant 0 : i32
    %dma_start3A_163 = tpu.memref_slice %arg4[%mul3A_154, %dma_start3A_162] : memref<20480x1000xf32, #tpu.memory_space<hbm>> -> memref<20x1000xf32, #tpu.memory_space<hbm>>
    %dma_start3A_164 = arith.constant 0 : i32
    %dma_start3A_165 = arith.constant 0 : i32
    %dma_start3A_166 = tpu.memref_slice %arg6[%dma_start3A_155, %dma_start3A_164, %dma_start3A_165] : memref<2x20x1000xf32, #tpu.memory_space<vmem>> -> memref<1x20x1000xf32, #tpu.memory_space<vmem>>
    %dma_start3A_167 = tpu.memref_squeeze %dma_start3A_166 : memref<1x20x1000xf32, #tpu.memory_space<vmem>> -> memref<20x1000xf32, #tpu.memory_space<vmem>>
    tpu.enqueue_dma source(%dma_start3A_167 : memref<20x1000xf32, #tpu.memory_space<vmem>>) target(%dma_start3A_163 : memref<20x1000xf32, #tpu.memory_space<hbm>>) target_semaphore(%arg10 : memref<!tpu.dma_semaphore, #tpu.memory_space<semaphore_mem>>)
    %dma_wait3A_168 = arith.constant 0 : i32
    %dma_wait3A_169 = arith.constant 0 : i32
    %dma_wait3A_170 = arith.constant 0 : i32
    %dma_wait3A_171 = tpu.memref_slice %arg6[%dma_wait3A_168, %dma_wait3A_169, %dma_wait3A_170] : memref<2x20x1000xf32, #tpu.memory_space<vmem>> -> memref<1x20x1000xf32, #tpu.memory_space<vmem>>
    %dma_wait3A_172 = tpu.memref_squeeze %dma_wait3A_171 : memref<1x20x1000xf32, #tpu.memory_space<vmem>> -> memref<20x1000xf32, #tpu.memory_space<vmem>>
    %dma_wait3A_173 = arith.constant 0 : i32
    %dma_wait3A_174 = tpu.memref_slice %arg4[%mul3A_154, %dma_wait3A_173] : memref<20480x1000xf32, #tpu.memory_space<hbm>> -> memref<20x1000xf32, #tpu.memory_space<hbm>>
    %dma_wait3A_175 = arith.constant 0 : i32
    %dma_wait3A_176 = tpu.memref_slice %arg4[%mul3A_154, %dma_wait3A_175] : memref<20480x1000xf32, #tpu.memory_space<hbm>> -> memref<20x1000xf32, #tpu.memory_space<hbm>>
    %dma_wait3A_177 = arith.constant 0 : i32
    %dma_wait3A_178 = arith.constant 0 : i32
    %dma_wait3A_179 = tpu.memref_slice %arg6[%dma_wait3A_168, %dma_wait3A_177, %dma_wait3A_178] : memref<2x20x1000xf32, #tpu.memory_space<vmem>> -> memref<1x20x1000xf32, #tpu.memory_space<vmem>>
    %dma_wait3A_180 = tpu.memref_squeeze %dma_wait3A_179 : memref<1x20x1000xf32, #tpu.memory_space<vmem>> -> memref<20x1000xf32, #tpu.memory_space<vmem>>
    tpu.wait_dma2 semaphore(%arg10 : memref<!tpu.dma_semaphore, #tpu.memory_space<semaphore_mem>>) src(%dma_wait3A_180 : memref<20x1000xf32, #tpu.memory_space<vmem>>) dst(%dma_wait3A_176 : memref<20x1000xf32, #tpu.memory_space<hbm>>)
    %dma_start3A_181 = arith.constant 4 : i32
    %dma_start3A_182 = arith.constant 0 : i32
    %dma_start3A_183 = arith.constant 0 : i32
    %dma_start3A_184 = arith.constant 0 : i32
    %dma_start3A_185 = tpu.memref_slice %arg6[%dma_start3A_182, %dma_start3A_183, %dma_start3A_184] : memref<2x20x1000xf32, #tpu.memory_space<vmem>> -> memref<1x20x1000xf32, #tpu.memory_space<vmem>>
    %dma_start3A_186 = tpu.memref_squeeze %dma_start3A_185 : memref<1x20x1000xf32, #tpu.memory_space<vmem>> -> memref<20x1000xf32, #tpu.memory_space<vmem>>
    %dma_start3A_187 = arith.constant 0 : i32
    %dma_start3A_188 = tpu.memref_slice %arg5[%dma_start3A_181, %dma_start3A_187] : memref<32x20xi32, #tpu.memory_space<vmem>> -> memref<1x20xi32, #tpu.memory_space<vmem>>
    %dma_start3A_189 = tpu.memref_squeeze %dma_start3A_188 : memref<1x20xi32, #tpu.memory_space<vmem>> -> memref<20xi32, #tpu.memory_space<vmem>>
    %dma_start3A_190 = arith.constant 0 : i32
    %dma_start3A_191 = arith.constant 0 : i32
    %dma_start3A_192 = tpu.memref_slice %arg7[%dma_start3A_190, %dma_start3A_191] : memref<1000x1000xf32, #tpu.memory_space<vmem_shared>> -> memref<1000x1000xf32, #tpu.memory_space<vmem_shared>>
    tpu.enqueue_indirect_dma source(%dma_start3A_192 : memref<1000x1000xf32, #tpu.memory_space<vmem_shared>>) target(%dma_start3A_186 : memref<20x1000xf32, #tpu.memory_space<vmem>>) offsets(%dma_start3A_189 : memref<20xi32, #tpu.memory_space<vmem>>) semaphore(%arg8 : memref<!tpu.dma_semaphore, #tpu.memory_space<semaphore_mem>>)
    %dma_wait3A_193 = arith.constant 3 : i32
    %dma_wait3A_194 = arith.constant 1 : i32
    %dma_wait3A_195 = arith.constant 0 : i32
    %dma_wait3A_196 = arith.constant 0 : i32
    %dma_wait3A_197 = tpu.memref_slice %arg6[%dma_wait3A_194, %dma_wait3A_195, %dma_wait3A_196] : memref<2x20x1000xf32, #tpu.memory_space<vmem>> -> memref<1x20x1000xf32, #tpu.memory_space<vmem>>
    %dma_wait3A_198 = tpu.memref_squeeze %dma_wait3A_197 : memref<1x20x1000xf32, #tpu.memory_space<vmem>> -> memref<20x1000xf32, #tpu.memory_space<vmem>>
    %dma_wait3A_199 = arith.constant 0 : i32
    %dma_wait3A_200 = tpu.memref_slice %arg5[%dma_wait3A_193, %dma_wait3A_199] : memref<32x20xi32, #tpu.memory_space<vmem>> -> memref<1x20xi32, #tpu.memory_space<vmem>>
    %dma_wait3A_201 = tpu.memref_squeeze %dma_wait3A_200 : memref<1x20xi32, #tpu.memory_space<vmem>> -> memref<20xi32, #tpu.memory_space<vmem>>
    %dma_wait3A_202 = arith.constant 0 : i32
    %dma_wait3A_203 = arith.constant 0 : i32
    %dma_wait3A_204 = tpu.memref_slice %arg7[%dma_wait3A_202, %dma_wait3A_203] : memref<1000x1000xf32, #tpu.memory_space<vmem_shared>> -> memref<1000x1000xf32, #tpu.memory_space<vmem_shared>>
    tpu.wait_indirect_dma semaphore(%arg9 : memref<!tpu.dma_semaphore, #tpu.memory_space<semaphore_mem>>) src(%dma_wait3A_204 : memref<1000x1000xf32, #tpu.memory_space<vmem_shared>>) dst(%dma_wait3A_198 : memref<20x1000xf32, #tpu.memory_space<vmem>>)
    %add3A_205 = arith.constant 3 : i32
    %add3A_206 = arith.addi %mul3A_2, %add3A_205 : i32
    %mul3A_207 = arith.constant 20 : i32
    %mul3A_208 = arith.muli %add3A_206, %mul3A_207 : i32
    %dma_start3A_209 = arith.constant 1 : i32
    %dma_start3A_210 = arith.constant 0 : i32
    %dma_start3A_211 = arith.constant 0 : i32
    %dma_start3A_212 = tpu.memref_slice %arg6[%dma_start3A_209, %dma_start3A_210, %dma_start3A_211] : memref<2x20x1000xf32, #tpu.memory_space<vmem>> -> memref<1x20x1000xf32, #tpu.memory_space<vmem>>
    %dma_start3A_213 = tpu.memref_squeeze %dma_start3A_212 : memref<1x20x1000xf32, #tpu.memory_space<vmem>> -> memref<20x1000xf32, #tpu.memory_space<vmem>>
    %dma_start3A_214 = arith.constant 0 : i32
    %dma_start3A_215 = tpu.memref_slice %arg4[%mul3A_208, %dma_start3A_214] : memref<20480x1000xf32, #tpu.memory_space<hbm>> -> memref<20x1000xf32, #tpu.memory_space<hbm>>
    %dma_start3A_216 = arith.constant 0 : i32
    %dma_start3A_217 = tpu.memref_slice %arg4[%mul3A_208, %dma_start3A_216] : memref<20480x1000xf32, #tpu.memory_space<hbm>> -> memref<20x1000xf32, #tpu.memory_space<hbm>>
    %dma_start3A_218 = arith.constant 0 : i32
    %dma_start3A_219 = arith.constant 0 : i32
    %dma_start3A_220 = tpu.memref_slice %arg6[%dma_start3A_209, %dma_start3A_218, %dma_start3A_219] : memref<2x20x1000xf32, #tpu.memory_space<vmem>> -> memref<1x20x1000xf32, #tpu.memory_space<vmem>>
    %dma_start3A_221 = tpu.memref_squeeze %dma_start3A_220 : memref<1x20x1000xf32, #tpu.memory_space<vmem>> -> memref<20x1000xf32, #tpu.memory_space<vmem>>
    tpu.enqueue_dma source(%dma_start3A_221 : memref<20x1000xf32, #tpu.memory_space<vmem>>) target(%dma_start3A_217 : memref<20x1000xf32, #tpu.memory_space<hbm>>) target_semaphore(%arg11 : memref<!tpu.dma_semaphore, #tpu.memory_space<semaphore_mem>>)
    %dma_wait3A_222 = arith.constant 1 : i32
    %dma_wait3A_223 = arith.constant 0 : i32
    %dma_wait3A_224 = arith.constant 0 : i32
    %dma_wait3A_225 = tpu.memref_slice %arg6[%dma_wait3A_222, %dma_wait3A_223, %dma_wait3A_224] : memref<2x20x1000xf32, #tpu.memory_space<vmem>> -> memref<1x20x1000xf32, #tpu.memory_space<vmem>>
    %dma_wait3A_226 = tpu.memref_squeeze %dma_wait3A_225 : memref<1x20x1000xf32, #tpu.memory_space<vmem>> -> memref<20x1000xf32, #tpu.memory_space<vmem>>
    %dma_wait3A_227 = arith.constant 0 : i32
    %dma_wait3A_228 = tpu.memref_slice %arg4[%mul3A_208, %dma_wait3A_227] : memref<20480x1000xf32, #tpu.memory_space<hbm>> -> memref<20x1000xf32, #tpu.memory_space<hbm>>
    %dma_wait3A_229 = arith.constant 0 : i32
    %dma_wait3A_230 = tpu.memref_slice %arg4[%mul3A_208, %dma_wait3A_229] : memref<20480x1000xf32, #tpu.memory_space<hbm>> -> memref<20x1000xf32, #tpu.memory_space<hbm>>
    %dma_wait3A_231 = arith.constant 0 : i32
    %dma_wait3A_232 = arith.constant 0 : i32
    %dma_wait3A_233 = tpu.memref_slice %arg6[%dma_wait3A_222, %dma_wait3A_231, %dma_wait3A_232] : memref<2x20x1000xf32, #tpu.memory_space<vmem>> -> memref<1x20x1000xf32, #tpu.memory_space<vmem>>
    %dma_wait3A_234 = tpu.memref_squeeze %dma_wait3A_233 : memref<1x20x1000xf32, #tpu.memory_space<vmem>> -> memref<20x1000xf32, #tpu.memory_space<vmem>>
    tpu.wait_dma2 semaphore(%arg11 : memref<!tpu.dma_semaphore, #tpu.memory_space<semaphore_mem>>) src(%dma_wait3A_234 : memref<20x1000xf32, #tpu.memory_space<vmem>>) dst(%dma_wait3A_230 : memref<20x1000xf32, #tpu.memory_space<hbm>>)
    %dma_start3A_235 = arith.constant 5 : i32
    %dma_start3A_236 = arith.constant 1 : i32
    %dma_start3A_237 = arith.constant 0 : i32
    %dma_start3A_238 = arith.constant 0 : i32
    %dma_start3A_239 = tpu.memref_slice %arg6[%dma_start3A_236, %dma_start3A_237, %dma_start3A_238] : memref<2x20x1000xf32, #tpu.memory_space<vmem>> -> memref<1x20x1000xf32, #tpu.memory_space<vmem>>
    %dma_start3A_240 = tpu.memref_squeeze %dma_start3A_239 : memref<1x20x1000xf32, #tpu.memory_space<vmem>> -> memref<20x1000xf32, #tpu.memory_space<vmem>>
    %dma_start3A_241 = arith.constant 0 : i32
    %dma_start3A_242 = tpu.memref_slice %arg5[%dma_start3A_235, %dma_start3A_241] : memref<32x20xi32, #tpu.memory_space<vmem>> -> memref<1x20xi32, #tpu.memory_space<vmem>>
    %dma_start3A_243 = tpu.memref_squeeze %dma_start3A_242 : memref<1x20xi32, #tpu.memory_space<vmem>> -> memref<20xi32, #tpu.memory_space<vmem>>
    %dma_start3A_244 = arith.constant 0 : i32
    %dma_start3A_245 = arith.constant 0 : i32
    %dma_start3A_246 = tpu.memref_slice %arg7[%dma_start3A_244, %dma_start3A_245] : memref<1000x1000xf32, #tpu.memory_space<vmem_shared>> -> memref<1000x1000xf32, #tpu.memory_space<vmem_shared>>
    tpu.enqueue_indirect_dma source(%dma_start3A_246 : memref<1000x1000xf32, #tpu.memory_space<vmem_shared>>) target(%dma_start3A_240 : memref<20x1000xf32, #tpu.memory_space<vmem>>) offsets(%dma_start3A_243 : memref<20xi32, #tpu.memory_space<vmem>>) semaphore(%arg9 : memref<!tpu.dma_semaphore, #tpu.memory_space<semaphore_mem>>)
    %dma_wait3A_247 = arith.constant 4 : i32
    %dma_wait3A_248 = arith.constant 0 : i32
    %dma_wait3A_249 = arith.constant 0 : i32
    %dma_wait3A_250 = arith.constant 0 : i32
    %dma_wait3A_251 = tpu.memref_slice %arg6[%dma_wait3A_248, %dma_wait3A_249, %dma_wait3A_250] : memref<2x20x1000xf32, #tpu.memory_space<vmem>> -> memref<1x20x1000xf32, #tpu.memory_space<vmem>>
    %dma_wait3A_252 = tpu.memref_squeeze %dma_wait3A_251 : memref<1x20x1000xf32, #tpu.memory_space<vmem>> -> memref<20x1000xf32, #tpu.memory_space<vmem>>
    %dma_wait3A_253 = arith.constant 0 : i32
    %dma_wait3A_254 = tpu.memref_slice %arg5[%dma_wait3A_247, %dma_wait3A_253] : memref<32x20xi32, #tpu.memory_space<vmem>> -> memref<1x20xi32, #tpu.memory_space<vmem>>
    %dma_wait3A_255 = tpu.memref_squeeze %dma_wait3A_254 : memref<1x20xi32, #tpu.memory_space<vmem>> -> memref<20xi32, #tpu.memory_space<vmem>>
    %dma_wait3A_256 = arith.constant 0 : i32
    %dma_wait3A_257 = arith.constant 0 : i32
    %dma_wait3A_258 = tpu.memref_slice %arg7[%dma_wait3A_256, %dma_wait3A_257] : memref<1000x1000xf32, #tpu.memory_space<vmem_shared>> -> memref<1000x1000xf32, #tpu.memory_space<vmem_shared>>
    tpu.wait_indirect_dma semaphore(%arg8 : memref<!tpu.dma_semaphore, #tpu.memory_space<semaphore_mem>>) src(%dma_wait3A_258 : memref<1000x1000xf32, #tpu.memory_space<vmem_shared>>) dst(%dma_wait3A_252 : memref<20x1000xf32, #tpu.memory_space<vmem>>)
    %add3A_259 = arith.constant 4 : i32
    %add3A_260 = arith.addi %mul3A_2, %add3A_259 : i32
    %mul3A_261 = arith.constant 20 : i32
    %mul3A_262 = arith.muli %add3A_260, %mul3A_261 : i32
    %dma_start3A_263 = arith.constant 0 : i32
    %dma_start3A_264 = arith.constant 0 : i32
    %dma_start3A_265 = arith.constant 0 : i32
    %dma_start3A_266 = tpu.memref_slice %arg6[%dma_start3A_263, %dma_start3A_264, %dma_start3A_265] : memref<2x20x1000xf32, #tpu.memory_space<vmem>> -> memref<1x20x1000xf32, #tpu.memory_space<vmem>>
    %dma_start3A_267 = tpu.memref_squeeze %dma_start3A_266 : memref<1x20x1000xf32, #tpu.memory_space<vmem>> -> memref<20x1000xf32, #tpu.memory_space<vmem>>
    %dma_start3A_268 = arith.constant 0 : i32
    %dma_start3A_269 = tpu.memref_slice %arg4[%mul3A_262, %dma_start3A_268] : memref<20480x1000xf32, #tpu.memory_space<hbm>> -> memref<20x1000xf32, #tpu.memory_space<hbm>>
    %dma_start3A_270 = arith.constant 0 : i32
    %dma_start3A_271 = tpu.memref_slice %arg4[%mul3A_262, %dma_start3A_270] : memref<20480x1000xf32, #tpu.memory_space<hbm>> -> memref<20x1000xf32, #tpu.memory_space<hbm>>
    %dma_start3A_272 = arith.constant 0 : i32
    %dma_start3A_273 = arith.constant 0 : i32
    %dma_start3A_274 = tpu.memref_slice %arg6[%dma_start3A_263, %dma_start3A_272, %dma_start3A_273] : memref<2x20x1000xf32, #tpu.memory_space<vmem>> -> memref<1x20x1000xf32, #tpu.memory_space<vmem>>
    %dma_start3A_275 = tpu.memref_squeeze %dma_start3A_274 : memref<1x20x1000xf32, #tpu.memory_space<vmem>> -> memref<20x1000xf32, #tpu.memory_space<vmem>>
    tpu.enqueue_dma source(%dma_start3A_275 : memref<20x1000xf32, #tpu.memory_space<vmem>>) target(%dma_start3A_271 : memref<20x1000xf32, #tpu.memory_space<hbm>>) target_semaphore(%arg10 : memref<!tpu.dma_semaphore, #tpu.memory_space<semaphore_mem>>)
    %dma_wait3A_276 = arith.constant 0 : i32
    %dma_wait3A_277 = arith.constant 0 : i32
    %dma_wait3A_278 = arith.constant 0 : i32
    %dma_wait3A_279 = tpu.memref_slice %arg6[%dma_wait3A_276, %dma_wait3A_277, %dma_wait3A_278] : memref<2x20x1000xf32, #tpu.memory_space<vmem>> -> memref<1x20x1000xf32, #tpu.memory_space<vmem>>
    %dma_wait3A_280 = tpu.memref_squeeze %dma_wait3A_279 : memref<1x20x1000xf32, #tpu.memory_space<vmem>> -> memref<20x1000xf32, #tpu.memory_space<vmem>>
    %dma_wait3A_281 = arith.constant 0 : i32
    %dma_wait3A_282 = tpu.memref_slice %arg4[%mul3A_262, %dma_wait3A_281] : memref<20480x1000xf32, #tpu.memory_space<hbm>> -> memref<20x1000xf32, #tpu.memory_space<hbm>>
    %dma_wait3A_283 = arith.constant 0 : i32
    %dma_wait3A_284 = tpu.memref_slice %arg4[%mul3A_262, %dma_wait3A_283] : memref<20480x1000xf32, #tpu.memory_space<hbm>> -> memref<20x1000xf32, #tpu.memory_space<hbm>>
    %dma_wait3A_285 = arith.constant 0 : i32
    %dma_wait3A_286 = arith.constant 0 : i32
    %dma_wait3A_287 = tpu.memref_slice %arg6[%dma_wait3A_276, %dma_wait3A_285, %dma_wait3A_286] : memref<2x20x1000xf32, #tpu.memory_space<vmem>> -> memref<1x20x1000xf32, #tpu.memory_space<vmem>>
    %dma_wait3A_288 = tpu.memref_squeeze %dma_wait3A_287 : memref<1x20x1000xf32, #tpu.memory_space<vmem>> -> memref<20x1000xf32, #tpu.memory_space<vmem>>
    tpu.wait_dma2 semaphore(%arg10 : memref<!tpu.dma_semaphore, #tpu.memory_space<semaphore_mem>>) src(%dma_wait3A_288 : memref<20x1000xf32, #tpu.memory_space<vmem>>) dst(%dma_wait3A_284 : memref<20x1000xf32, #tpu.memory_space<hbm>>)
    %dma_start3A_289 = arith.constant 6 : i32
    %dma_start3A_290 = arith.constant 0 : i32
    %dma_start3A_291 = arith.constant 0 : i32
    %dma_start3A_292 = arith.constant 0 : i32
    %dma_start3A_293 = tpu.memref_slice %arg6[%dma_start3A_290, %dma_start3A_291, %dma_start3A_292] : memref<2x20x1000xf32, #tpu.memory_space<vmem>> -> memref<1x20x1000xf32, #tpu.memory_space<vmem>>
    %dma_start3A_294 = tpu.memref_squeeze %dma_start3A_293 : memref<1x20x1000xf32, #tpu.memory_space<vmem>> -> memref<20x1000xf32, #tpu.memory_space<vmem>>
    %dma_start3A_295 = arith.constant 0 : i32
    %dma_start3A_296 = tpu.memref_slice %arg5[%dma_start3A_289, %dma_start3A_295] : memref<32x20xi32, #tpu.memory_space<vmem>> -> memref<1x20xi32, #tpu.memory_space<vmem>>
    %dma_start3A_297 = tpu.memref_squeeze %dma_start3A_296 : memref<1x20xi32, #tpu.memory_space<vmem>> -> memref<20xi32, #tpu.memory_space<vmem>>
    %dma_start3A_298 = arith.constant 0 : i32
    %dma_start3A_299 = arith.constant 0 : i32
    %dma_start3A_300 = tpu.memref_slice %arg7[%dma_start3A_298, %dma_start3A_299] : memref<1000x1000xf32, #tpu.memory_space<vmem_shared>> -> memref<1000x1000xf32, #tpu.memory_space<vmem_shared>>
    tpu.enqueue_indirect_dma source(%dma_start3A_300 : memref<1000x1000xf32, #tpu.memory_space<vmem_shared>>) target(%dma_start3A_294 : memref<20x1000xf32, #tpu.memory_space<vmem>>) offsets(%dma_start3A_297 : memref<20xi32, #tpu.memory_space<vmem>>) semaphore(%arg8 : memref<!tpu.dma_semaphore, #tpu.memory_space<semaphore_mem>>)
    %dma_wait3A_301 = arith.constant 5 : i32
    %dma_wait3A_302 = arith.constant 1 : i32
    %dma_wait3A_303 = arith.constant 0 : i32
    %dma_wait3A_304 = arith.constant 0 : i32
    %dma_wait3A_305 = tpu.memref_slice %arg6[%dma_wait3A_302, %dma_wait3A_303, %dma_wait3A_304] : memref<2x20x1000xf32, #tpu.memory_space<vmem>> -> memref<1x20x1000xf32, #tpu.memory_space<vmem>>
    %dma_wait3A_306 = tpu.memref_squeeze %dma_wait3A_305 : memref<1x20x1000xf32, #tpu.memory_space<vmem>> -> memref<20x1000xf32, #tpu.memory_space<vmem>>
    %dma_wait3A_307 = arith.constant 0 : i32
    %dma_wait3A_308 = tpu.memref_slice %arg5[%dma_wait3A_301, %dma_wait3A_307] : memref<32x20xi32, #tpu.memory_space<vmem>> -> memref<1x20xi32, #tpu.memory_space<vmem>>
    %dma_wait3A_309 = tpu.memref_squeeze %dma_wait3A_308 : memref<1x20xi32, #tpu.memory_space<vmem>> -> memref<20xi32, #tpu.memory_space<vmem>>
    %dma_wait3A_310 = arith.constant 0 : i32
    %dma_wait3A_311 = arith.constant 0 : i32
    %dma_wait3A_312 = tpu.memref_slice %arg7[%dma_wait3A_310, %dma_wait3A_311] : memref<1000x1000xf32, #tpu.memory_space<vmem_shared>> -> memref<1000x1000xf32, #tpu.memory_space<vmem_shared>>
    tpu.wait_indirect_dma semaphore(%arg9 : memref<!tpu.dma_semaphore, #tpu.memory_space<semaphore_mem>>) src(%dma_wait3A_312 : memref<1000x1000xf32, #tpu.memory_space<vmem_shared>>) dst(%dma_wait3A_306 : memref<20x1000xf32, #tpu.memory_space<vmem>>)
    %add3A_313 = arith.constant 5 : i32
    %add3A_314 = arith.addi %mul3A_2, %add3A_313 : i32
    %mul3A_315 = arith.constant 20 : i32
    %mul3A_316 = arith.muli %add3A_314, %mul3A_315 : i32
    %dma_start3A_317 = arith.constant 1 : i32
    %dma_start3A_318 = arith.constant 0 : i32
    %dma_start3A_319 = arith.constant 0 : i32
    %dma_start3A_320 = tpu.memref_slice %arg6[%dma_start3A_317, %dma_start3A_318, %dma_start3A_319] : memref<2x20x1000xf32, #tpu.memory_space<vmem>> -> memref<1x20x1000xf32, #tpu.memory_space<vmem>>
    %dma_start3A_321 = tpu.memref_squeeze %dma_start3A_320 : memref<1x20x1000xf32, #tpu.memory_space<vmem>> -> memref<20x1000xf32, #tpu.memory_space<vmem>>
    %dma_start3A_322 = arith.constant 0 : i32
    %dma_start3A_323 = tpu.memref_slice %arg4[%mul3A_316, %dma_start3A_322] : memref<20480x1000xf32, #tpu.memory_space<hbm>> -> memref<20x1000xf32, #tpu.memory_space<hbm>>
    %dma_start3A_324 = arith.constant 0 : i32
    %dma_start3A_325 = tpu.memref_slice %arg4[%mul3A_316, %dma_start3A_324] : memref<20480x1000xf32, #tpu.memory_space<hbm>> -> memref<20x1000xf32, #tpu.memory_space<hbm>>
    %dma_start3A_326 = arith.constant 0 : i32
    %dma_start3A_327 = arith.constant 0 : i32
    %dma_start3A_328 = tpu.memref_slice %arg6[%dma_start3A_317, %dma_start3A_326, %dma_start3A_327] : memref<2x20x1000xf32, #tpu.memory_space<vmem>> -> memref<1x20x1000xf32, #tpu.memory_space<vmem>>
    %dma_start3A_329 = tpu.memref_squeeze %dma_start3A_328 : memref<1x20x1000xf32, #tpu.memory_space<vmem>> -> memref<20x1000xf32, #tpu.memory_space<vmem>>
    tpu.enqueue_dma source(%dma_start3A_329 : memref<20x1000xf32, #tpu.memory_space<vmem>>) target(%dma_start3A_325 : memref<20x1000xf32, #tpu.memory_space<hbm>>) target_semaphore(%arg11 : memref<!tpu.dma_semaphore, #tpu.memory_space<semaphore_mem>>)
    %dma_wait3A_330 = arith.constant 1 : i32
    %dma_wait3A_331 = arith.constant 0 : i32
    %dma_wait3A_332 = arith.constant 0 : i32
    %dma_wait3A_333 = tpu.memref_slice %arg6[%dma_wait3A_330, %dma_wait3A_331, %dma_wait3A_332] : memref<2x20x1000xf32, #tpu.memory_space<vmem>> -> memref<1x20x1000xf32, #tpu.memory_space<vmem>>
    %dma_wait3A_334 = tpu.memref_squeeze %dma_wait3A_333 : memref<1x20x1000xf32, #tpu.memory_space<vmem>> -> memref<20x1000xf32, #tpu.memory_space<vmem>>
    %dma_wait3A_335 = arith.constant 0 : i32
    %dma_wait3A_336 = tpu.memref_slice %arg4[%mul3A_316, %dma_wait3A_335] : memref<20480x1000xf32, #tpu.memory_space<hbm>> -> memref<20x1000xf32, #tpu.memory_space<hbm>>
    %dma_wait3A_337 = arith.constant 0 : i32
    %dma_wait3A_338 = tpu.memref_slice %arg4[%mul3A_316, %dma_wait3A_337] : memref<20480x1000xf32, #tpu.memory_space<hbm>> -> memref<20x1000xf32, #tpu.memory_space<hbm>>
    %dma_wait3A_339 = arith.constant 0 : i32
    %dma_wait3A_340 = arith.constant 0 : i32
    %dma_wait3A_341 = tpu.memref_slice %arg6[%dma_wait3A_330, %dma_wait3A_339, %dma_wait3A_340] : memref<2x20x1000xf32, #tpu.memory_space<vmem>> -> memref<1x20x1000xf32, #tpu.memory_space<vmem>>
    %dma_wait3A_342 = tpu.memref_squeeze %dma_wait3A_341 : memref<1x20x1000xf32, #tpu.memory_space<vmem>> -> memref<20x1000xf32, #tpu.memory_space<vmem>>
    tpu.wait_dma2 semaphore(%arg11 : memref<!tpu.dma_semaphore, #tpu.memory_space<semaphore_mem>>) src(%dma_wait3A_342 : memref<20x1000xf32, #tpu.memory_space<vmem>>) dst(%dma_wait3A_338 : memref<20x1000xf32, #tpu.memory_space<hbm>>)
    %dma_start3A_343 = arith.constant 7 : i32
    %dma_start3A_344 = arith.constant 1 : i32
    %dma_start3A_345 = arith.constant 0 : i32
    %dma_start3A_346 = arith.constant 0 : i32
    %dma_start3A_347 = tpu.memref_slice %arg6[%dma_start3A_344, %dma_start3A_345, %dma_start3A_346] : memref<2x20x1000xf32, #tpu.memory_space<vmem>> -> memref<1x20x1000xf32, #tpu.memory_space<vmem>>
    %dma_start3A_348 = tpu.memref_squeeze %dma_start3A_347 : memref<1x20x1000xf32, #tpu.memory_space<vmem>> -> memref<20x1000xf32, #tpu.memory_space<vmem>>
    %dma_start3A_349 = arith.constant 0 : i32
    %dma_start3A_350 = tpu.memref_slice %arg5[%dma_start3A_343, %dma_start3A_349] : memref<32x20xi32, #tpu.memory_space<vmem>> -> memref<1x20xi32, #tpu.memory_space<vmem>>
    %dma_start3A_351 = tpu.memref_squeeze %dma_start3A_350 : memref<1x20xi32, #tpu.memory_space<vmem>> -> memref<20xi32, #tpu.memory_space<vmem>>
    %dma_start3A_352 = arith.constant 0 : i32
    %dma_start3A_353 = arith.constant 0 : i32
    %dma_start3A_354 = tpu.memref_slice %arg7[%dma_start3A_352, %dma_start3A_353] : memref<1000x1000xf32, #tpu.memory_space<vmem_shared>> -> memref<1000x1000xf32, #tpu.memory_space<vmem_shared>>
    tpu.enqueue_indirect_dma source(%dma_start3A_354 : memref<1000x1000xf32, #tpu.memory_space<vmem_shared>>) target(%dma_start3A_348 : memref<20x1000xf32, #tpu.memory_space<vmem>>) offsets(%dma_start3A_351 : memref<20xi32, #tpu.memory_space<vmem>>) semaphore(%arg9 : memref<!tpu.dma_semaphore, #tpu.memory_space<semaphore_mem>>)
    %dma_wait3A_355 = arith.constant 6 : i32
    %dma_wait3A_356 = arith.constant 0 : i32
    %dma_wait3A_357 = arith.constant 0 : i32
    %dma_wait3A_358 = arith.constant 0 : i32
    %dma_wait3A_359 = tpu.memref_slice %arg6[%dma_wait3A_356, %dma_wait3A_357, %dma_wait3A_358] : memref<2x20x1000xf32, #tpu.memory_space<vmem>> -> memref<1x20x1000xf32, #tpu.memory_space<vmem>>
    %dma_wait3A_360 = tpu.memref_squeeze %dma_wait3A_359 : memref<1x20x1000xf32, #tpu.memory_space<vmem>> -> memref<20x1000xf32, #tpu.memory_space<vmem>>
    %dma_wait3A_361 = arith.constant 0 : i32
    %dma_wait3A_362 = tpu.memref_slice %arg5[%dma_wait3A_355, %dma_wait3A_361] : memref<32x20xi32, #tpu.memory_space<vmem>> -> memref<1x20xi32, #tpu.memory_space<vmem>>
    %dma_wait3A_363 = tpu.memref_squeeze %dma_wait3A_362 : memref<1x20xi32, #tpu.memory_space<vmem>> -> memref<20xi32, #tpu.memory_space<vmem>>
    %dma_wait3A_364 = arith.constant 0 : i32
    %dma_wait3A_365 = arith.constant 0 : i32
    %dma_wait3A_366 = tpu.memref_slice %arg7[%dma_wait3A_364, %dma_wait3A_365] : memref<1000x1000xf32, #tpu.memory_space<vmem_shared>> -> memref<1000x1000xf32, #tpu.memory_space<vmem_shared>>
    tpu.wait_indirect_dma semaphore(%arg8 : memref<!tpu.dma_semaphore, #tpu.memory_space<semaphore_mem>>) src(%dma_wait3A_366 : memref<1000x1000xf32, #tpu.memory_space<vmem_shared>>) dst(%dma_wait3A_360 : memref<20x1000xf32, #tpu.memory_space<vmem>>)
    %add3A_367 = arith.constant 6 : i32
    %add3A_368 = arith.addi %mul3A_2, %add3A_367 : i32
    %mul3A_369 = arith.constant 20 : i32
    %mul3A_370 = arith.muli %add3A_368, %mul3A_369 : i32
    %dma_start3A_371 = arith.constant 0 : i32
    %dma_start3A_372 = arith.constant 0 : i32
    %dma_start3A_373 = arith.constant 0 : i32
    %dma_start3A_374 = tpu.memref_slice %arg6[%dma_start3A_371, %dma_start3A_372, %dma_start3A_373] : memref<2x20x1000xf32, #tpu.memory_space<vmem>> -> memref<1x20x1000xf32, #tpu.memory_space<vmem>>
    %dma_start3A_375 = tpu.memref_squeeze %dma_start3A_374 : memref<1x20x1000xf32, #tpu.memory_space<vmem>> -> memref<20x1000xf32, #tpu.memory_space<vmem>>
    %dma_start3A_376 = arith.constant 0 : i32
    %dma_start3A_377 = tpu.memref_slice %arg4[%mul3A_370, %dma_start3A_376] : memref<20480x1000xf32, #tpu.memory_space<hbm>> -> memref<20x1000xf32, #tpu.memory_space<hbm>>
    %dma_start3A_378 = arith.constant 0 : i32
    %dma_start3A_379 = tpu.memref_slice %arg4[%mul3A_370, %dma_start3A_378] : memref<20480x1000xf32, #tpu.memory_space<hbm>> -> memref<20x1000xf32, #tpu.memory_space<hbm>>
    %dma_start3A_380 = arith.constant 0 : i32
    %dma_start3A_381 = arith.constant 0 : i32
    %dma_start3A_382 = tpu.memref_slice %arg6[%dma_start3A_371, %dma_start3A_380, %dma_start3A_381] : memref<2x20x1000xf32, #tpu.memory_space<vmem>> -> memref<1x20x1000xf32, #tpu.memory_space<vmem>>
    %dma_start3A_383 = tpu.memref_squeeze %dma_start3A_382 : memref<1x20x1000xf32, #tpu.memory_space<vmem>> -> memref<20x1000xf32, #tpu.memory_space<vmem>>
    tpu.enqueue_dma source(%dma_start3A_383 : memref<20x1000xf32, #tpu.memory_space<vmem>>) target(%dma_start3A_379 : memref<20x1000xf32, #tpu.memory_space<hbm>>) target_semaphore(%arg10 : memref<!tpu.dma_semaphore, #tpu.memory_space<semaphore_mem>>)
    %dma_wait3A_384 = arith.constant 0 : i32
    %dma_wait3A_385 = arith.constant 0 : i32
    %dma_wait3A_386 = arith.constant 0 : i32
    %dma_wait3A_387 = tpu.memref_slice %arg6[%dma_wait3A_384, %dma_wait3A_385, %dma_wait3A_386] : memref<2x20x1000xf32, #tpu.memory_space<vmem>> -> memref<1x20x1000xf32, #tpu.memory_space<vmem>>
    %dma_wait3A_388 = tpu.memref_squeeze %dma_wait3A_387 : memref<1x20x1000xf32, #tpu.memory_space<vmem>> -> memref<20x1000xf32, #tpu.memory_space<vmem>>
    %dma_wait3A_389 = arith.constant 0 : i32
    %dma_wait3A_390 = tpu.memref_slice %arg4[%mul3A_370, %dma_wait3A_389] : memref<20480x1000xf32, #tpu.memory_space<hbm>> -> memref<20x1000xf32, #tpu.memory_space<hbm>>
    %dma_wait3A_391 = arith.constant 0 : i32
    %dma_wait3A_392 = tpu.memref_slice %arg4[%mul3A_370, %dma_wait3A_391] : memref<20480x1000xf32, #tpu.memory_space<hbm>> -> memref<20x1000xf32, #tpu.memory_space<hbm>>
    %dma_wait3A_393 = arith.constant 0 : i32
    %dma_wait3A_394 = arith.constant 0 : i32
    %dma_wait3A_395 = tpu.memref_slice %arg6[%dma_wait3A_384, %dma_wait3A_393, %dma_wait3A_394] : memref<2x20x1000xf32, #tpu.memory_space<vmem>> -> memref<1x20x1000xf32, #tpu.memory_space<vmem>>
    %dma_wait3A_396 = tpu.memref_squeeze %dma_wait3A_395 : memref<1x20x1000xf32, #tpu.memory_space<vmem>> -> memref<20x1000xf32, #tpu.memory_space<vmem>>
    tpu.wait_dma2 semaphore(%arg10 : memref<!tpu.dma_semaphore, #tpu.memory_space<semaphore_mem>>) src(%dma_wait3A_396 : memref<20x1000xf32, #tpu.memory_space<vmem>>) dst(%dma_wait3A_392 : memref<20x1000xf32, #tpu.memory_space<hbm>>)
    %dma_start3A_397 = arith.constant 8 : i32
    %dma_start3A_398 = arith.constant 0 : i32
    %dma_start3A_399 = arith.constant 0 : i32
    %dma_start3A_400 = arith.constant 0 : i32
    %dma_start3A_401 = tpu.memref_slice %arg6[%dma_start3A_398, %dma_start3A_399, %dma_start3A_400] : memref<2x20x1000xf32, #tpu.memory_space<vmem>> -> memref<1x20x1000xf32, #tpu.memory_space<vmem>>
    %dma_start3A_402 = tpu.memref_squeeze %dma_start3A_401 : memref<1x20x1000xf32, #tpu.memory_space<vmem>> -> memref<20x1000xf32, #tpu.memory_space<vmem>>
    %dma_start3A_403 = arith.constant 0 : i32
    %dma_start3A_404 = tpu.memref_slice %arg5[%dma_start3A_397, %dma_start3A_403] : memref<32x20xi32, #tpu.memory_space<vmem>> -> memref<1x20xi32, #tpu.memory_space<vmem>>
    %dma_start3A_405 = tpu.memref_squeeze %dma_start3A_404 : memref<1x20xi32, #tpu.memory_space<vmem>> -> memref<20xi32, #tpu.memory_space<vmem>>
    %dma_start3A_406 = arith.constant 0 : i32
    %dma_start3A_407 = arith.constant 0 : i32
    %dma_start3A_408 = tpu.memref_slice %arg7[%dma_start3A_406, %dma_start3A_407] : memref<1000x1000xf32, #tpu.memory_space<vmem_shared>> -> memref<1000x1000xf32, #tpu.memory_space<vmem_shared>>
    tpu.enqueue_indirect_dma source(%dma_start3A_408 : memref<1000x1000xf32, #tpu.memory_space<vmem_shared>>) target(%dma_start3A_402 : memref<20x1000xf32, #tpu.memory_space<vmem>>) offsets(%dma_start3A_405 : memref<20xi32, #tpu.memory_space<vmem>>) semaphore(%arg8 : memref<!tpu.dma_semaphore, #tpu.memory_space<semaphore_mem>>)
    %dma_wait3A_409 = arith.constant 7 : i32
    %dma_wait3A_410 = arith.constant 1 : i32
    %dma_wait3A_411 = arith.constant 0 : i32
    %dma_wait3A_412 = arith.constant 0 : i32
    %dma_wait3A_413 = tpu.memref_slice %arg6[%dma_wait3A_410, %dma_wait3A_411, %dma_wait3A_412] : memref<2x20x1000xf32, #tpu.memory_space<vmem>> -> memref<1x20x1000xf32, #tpu.memory_space<vmem>>
    %dma_wait3A_414 = tpu.memref_squeeze %dma_wait3A_413 : memref<1x20x1000xf32, #tpu.memory_space<vmem>> -> memref<20x1000xf32, #tpu.memory_space<vmem>>
    %dma_wait3A_415 = arith.constant 0 : i32
    %dma_wait3A_416 = tpu.memref_slice %arg5[%dma_wait3A_409, %dma_wait3A_415] : memref<32x20xi32, #tpu.memory_space<vmem>> -> memref<1x20xi32, #tpu.memory_space<vmem>>
    %dma_wait3A_417 = tpu.memref_squeeze %dma_wait3A_416 : memref<1x20xi32, #tpu.memory_space<vmem>> -> memref<20xi32, #tpu.memory_space<vmem>>
    %dma_wait3A_418 = arith.constant 0 : i32
    %dma_wait3A_419 = arith.constant 0 : i32
    %dma_wait3A_420 = tpu.memref_slice %arg7[%dma_wait3A_418, %dma_wait3A_419] : memref<1000x1000xf32, #tpu.memory_space<vmem_shared>> -> memref<1000x1000xf32, #tpu.memory_space<vmem_shared>>
    tpu.wait_indirect_dma semaphore(%arg9 : memref<!tpu.dma_semaphore, #tpu.memory_space<semaphore_mem>>) src(%dma_wait3A_420 : memref<1000x1000xf32, #tpu.memory_space<vmem_shared>>) dst(%dma_wait3A_414 : memref<20x1000xf32, #tpu.memory_space<vmem>>)
    %add3A_421 = arith.constant 7 : i32
    %add3A_422 = arith.addi %mul3A_2, %add3A_421 : i32
    %mul3A_423 = arith.constant 20 : i32
    %mul3A_424 = arith.muli %add3A_422, %mul3A_423 : i32
    %dma_start3A_425 = arith.constant 1 : i32
    %dma_start3A_426 = arith.constant 0 : i32
    %dma_start3A_427 = arith.constant 0 : i32
    %dma_start3A_428 = tpu.memref_slice %arg6[%dma_start3A_425, %dma_start3A_426, %dma_start3A_427] : memref<2x20x1000xf32, #tpu.memory_space<vmem>> -> memref<1x20x1000xf32, #tpu.memory_space<vmem>>
    %dma_start3A_429 = tpu.memref_squeeze %dma_start3A_428 : memref<1x20x1000xf32, #tpu.memory_space<vmem>> -> memref<20x1000xf32, #tpu.memory_space<vmem>>
    %dma_start3A_430 = arith.constant 0 : i32
    %dma_start3A_431 = tpu.memref_slice %arg4[%mul3A_424, %dma_start3A_430] : memref<20480x1000xf32, #tpu.memory_space<hbm>> -> memref<20x1000xf32, #tpu.memory_space<hbm>>
    %dma_start3A_432 = arith.constant 0 : i32
    %dma_start3A_433 = tpu.memref_slice %arg4[%mul3A_424, %dma_start3A_432] : memref<20480x1000xf32, #tpu.memory_space<hbm>> -> memref<20x1000xf32, #tpu.memory_space<hbm>>
    %dma_start3A_434 = arith.constant 0 : i32
    %dma_start3A_435 = arith.constant 0 : i32
    %dma_start3A_436 = tpu.memref_slice %arg6[%dma_start3A_425, %dma_start3A_434, %dma_start3A_435] : memref<2x20x1000xf32, #tpu.memory_space<vmem>> -> memref<1x20x1000xf32, #tpu.memory_space<vmem>>
    %dma_start3A_437 = tpu.memref_squeeze %dma_start3A_436 : memref<1x20x1000xf32, #tpu.memory_space<vmem>> -> memref<20x1000xf32, #tpu.memory_space<vmem>>
    tpu.enqueue_dma source(%dma_start3A_437 : memref<20x1000xf32, #tpu.memory_space<vmem>>) target(%dma_start3A_433 : memref<20x1000xf32, #tpu.memory_space<hbm>>) target_semaphore(%arg11 : memref<!tpu.dma_semaphore, #tpu.memory_space<semaphore_mem>>)
    %dma_wait3A_438 = arith.constant 1 : i32
    %dma_wait3A_439 = arith.constant 0 : i32
    %dma_wait3A_440 = arith.constant 0 : i32
    %dma_wait3A_441 = tpu.memref_slice %arg6[%dma_wait3A_438, %dma_wait3A_439, %dma_wait3A_440] : memref<2x20x1000xf32, #tpu.memory_space<vmem>> -> memref<1x20x1000xf32, #tpu.memory_space<vmem>>
    %dma_wait3A_442 = tpu.memref_squeeze %dma_wait3A_441 : memref<1x20x1000xf32, #tpu.memory_space<vmem>> -> memref<20x1000xf32, #tpu.memory_space<vmem>>
    %dma_wait3A_443 = arith.constant 0 : i32
    %dma_wait3A_444 = tpu.memref_slice %arg4[%mul3A_424, %dma_wait3A_443] : memref<20480x1000xf32, #tpu.memory_space<hbm>> -> memref<20x1000xf32, #tpu.memory_space<hbm>>
    %dma_wait3A_445 = arith.constant 0 : i32
    %dma_wait3A_446 = tpu.memref_slice %arg4[%mul3A_424, %dma_wait3A_445] : memref<20480x1000xf32, #tpu.memory_space<hbm>> -> memref<20x1000xf32, #tpu.memory_space<hbm>>
    %dma_wait3A_447 = arith.constant 0 : i32
    %dma_wait3A_448 = arith.constant 0 : i32
    %dma_wait3A_449 = tpu.memref_slice %arg6[%dma_wait3A_438, %dma_wait3A_447, %dma_wait3A_448] : memref<2x20x1000xf32, #tpu.memory_space<vmem>> -> memref<1x20x1000xf32, #tpu.memory_space<vmem>>
    %dma_wait3A_450 = tpu.memref_squeeze %dma_wait3A_449 : memref<1x20x1000xf32, #tpu.memory_space<vmem>> -> memref<20x1000xf32, #tpu.memory_space<vmem>>
    tpu.wait_dma2 semaphore(%arg11 : memref<!tpu.dma_semaphore, #tpu.memory_space<semaphore_mem>>) src(%dma_wait3A_450 : memref<20x1000xf32, #tpu.memory_space<vmem>>) dst(%dma_wait3A_446 : memref<20x1000xf32, #tpu.memory_space<hbm>>)
    %dma_start3A_451 = arith.constant 9 : i32
    %dma_start3A_452 = arith.constant 1 : i32
    %dma_start3A_453 = arith.constant 0 : i32
    %dma_start3A_454 = arith.constant 0 : i32
    %dma_start3A_455 = tpu.memref_slice %arg6[%dma_start3A_452, %dma_start3A_453, %dma_start3A_454] : memref<2x20x1000xf32, #tpu.memory_space<vmem>> -> memref<1x20x1000xf32, #tpu.memory_space<vmem>>
    %dma_start3A_456 = tpu.memref_squeeze %dma_start3A_455 : memref<1x20x1000xf32, #tpu.memory_space<vmem>> -> memref<20x1000xf32, #tpu.memory_space<vmem>>
    %dma_start3A_457 = arith.constant 0 : i32
    %dma_start3A_458 = tpu.memref_slice %arg5[%dma_start3A_451, %dma_start3A_457] : memref<32x20xi32, #tpu.memory_space<vmem>> -> memref<1x20xi32, #tpu.memory_space<vmem>>
    %dma_start3A_459 = tpu.memref_squeeze %dma_start3A_458 : memref<1x20xi32, #tpu.memory_space<vmem>> -> memref<20xi32, #tpu.memory_space<vmem>>
    %dma_start3A_460 = arith.constant 0 : i32
    %dma_start3A_461 = arith.constant 0 : i32
    %dma_start3A_462 = tpu.memref_slice %arg7[%dma_start3A_460, %dma_start3A_461] : memref<1000x1000xf32, #tpu.memory_space<vmem_shared>> -> memref<1000x1000xf32, #tpu.memory_space<vmem_shared>>
    tpu.enqueue_indirect_dma source(%dma_start3A_462 : memref<1000x1000xf32, #tpu.memory_space<vmem_shared>>) target(%dma_start3A_456 : memref<20x1000xf32, #tpu.memory_space<vmem>>) offsets(%dma_start3A_459 : memref<20xi32, #tpu.memory_space<vmem>>) semaphore(%arg9 : memref<!tpu.dma_semaphore, #tpu.memory_space<semaphore_mem>>)
    %dma_wait3A_463 = arith.constant 8 : i32
    %dma_wait3A_464 = arith.constant 0 : i32
    %dma_wait3A_465 = arith.constant 0 : i32
    %dma_wait3A_466 = arith.constant 0 : i32
    %dma_wait3A_467 = tpu.memref_slice %arg6[%dma_wait3A_464, %dma_wait3A_465, %dma_wait3A_466] : memref<2x20x1000xf32, #tpu.memory_space<vmem>> -> memref<1x20x1000xf32, #tpu.memory_space<vmem>>
    %dma_wait3A_468 = tpu.memref_squeeze %dma_wait3A_467 : memref<1x20x1000xf32, #tpu.memory_space<vmem>> -> memref<20x1000xf32, #tpu.memory_space<vmem>>
    %dma_wait3A_469 = arith.constant 0 : i32
    %dma_wait3A_470 = tpu.memref_slice %arg5[%dma_wait3A_463, %dma_wait3A_469] : memref<32x20xi32, #tpu.memory_space<vmem>> -> memref<1x20xi32, #tpu.memory_space<vmem>>
    %dma_wait3A_471 = tpu.memref_squeeze %dma_wait3A_470 : memref<1x20xi32, #tpu.memory_space<vmem>> -> memref<20xi32, #tpu.memory_space<vmem>>
    %dma_wait3A_472 = arith.constant 0 : i32
    %dma_wait3A_473 = arith.constant 0 : i32
    %dma_wait3A_474 = tpu.memref_slice %arg7[%dma_wait3A_472, %dma_wait3A_473] : memref<1000x1000xf32, #tpu.memory_space<vmem_shared>> -> memref<1000x1000xf32, #tpu.memory_space<vmem_shared>>
    tpu.wait_indirect_dma semaphore(%arg8 : memref<!tpu.dma_semaphore, #tpu.memory_space<semaphore_mem>>) src(%dma_wait3A_474 : memref<1000x1000xf32, #tpu.memory_space<vmem_shared>>) dst(%dma_wait3A_468 : memref<20x1000xf32, #tpu.memory_space<vmem>>)
    %add3A_475 = arith.constant 8 : i32
    %add3A_476 = arith.addi %mul3A_2, %add3A_475 : i32
    %mul3A_477 = arith.constant 20 : i32
    %mul3A_478 = arith.muli %add3A_476, %mul3A_477 : i32
    %dma_start3A_479 = arith.constant 0 : i32
    %dma_start3A_480 = arith.constant 0 : i32
    %dma_start3A_481 = arith.constant 0 : i32
    %dma_start3A_482 = tpu.memref_slice %arg6[%dma_start3A_479, %dma_start3A_480, %dma_start3A_481] : memref<2x20x1000xf32, #tpu.memory_space<vmem>> -> memref<1x20x1000xf32, #tpu.memory_space<vmem>>
    %dma_start3A_483 = tpu.memref_squeeze %dma_start3A_482 : memref<1x20x1000xf32, #tpu.memory_space<vmem>> -> memref<20x1000xf32, #tpu.memory_space<vmem>>
    %dma_start3A_484 = arith.constant 0 : i32
    %dma_start3A_485 = tpu.memref_slice %arg4[%mul3A_478, %dma_start3A_484] : memref<20480x1000xf32, #tpu.memory_space<hbm>> -> memref<20x1000xf32, #tpu.memory_space<hbm>>
    %dma_start3A_486 = arith.constant 0 : i32
    %dma_start3A_487 = tpu.memref_slice %arg4[%mul3A_478, %dma_start3A_486] : memref<20480x1000xf32, #tpu.memory_space<hbm>> -> memref<20x1000xf32, #tpu.memory_space<hbm>>
    %dma_start3A_488 = arith.constant 0 : i32
    %dma_start3A_489 = arith.constant 0 : i32
    %dma_start3A_490 = tpu.memref_slice %arg6[%dma_start3A_479, %dma_start3A_488, %dma_start3A_489] : memref<2x20x1000xf32, #tpu.memory_space<vmem>> -> memref<1x20x1000xf32, #tpu.memory_space<vmem>>
    %dma_start3A_491 = tpu.memref_squeeze %dma_start3A_490 : memref<1x20x1000xf32, #tpu.memory_space<vmem>> -> memref<20x1000xf32, #tpu.memory_space<vmem>>
    tpu.enqueue_dma source(%dma_start3A_491 : memref<20x1000xf32, #tpu.memory_space<vmem>>) target(%dma_start3A_487 : memref<20x1000xf32, #tpu.memory_space<hbm>>) target_semaphore(%arg10 : memref<!tpu.dma_semaphore, #tpu.memory_space<semaphore_mem>>)
    %dma_wait3A_492 = arith.constant 0 : i32
    %dma_wait3A_493 = arith.constant 0 : i32
    %dma_wait3A_494 = arith.constant 0 : i32
    %dma_wait3A_495 = tpu.memref_slice %arg6[%dma_wait3A_492, %dma_wait3A_493, %dma_wait3A_494] : memref<2x20x1000xf32, #tpu.memory_space<vmem>> -> memref<1x20x1000xf32, #tpu.memory_space<vmem>>
    %dma_wait3A_496 = tpu.memref_squeeze %dma_wait3A_495 : memref<1x20x1000xf32, #tpu.memory_space<vmem>> -> memref<20x1000xf32, #tpu.memory_space<vmem>>
    %dma_wait3A_497 = arith.constant 0 : i32
    %dma_wait3A_498 = tpu.memref_slice %arg4[%mul3A_478, %dma_wait3A_497] : memref<20480x1000xf32, #tpu.memory_space<hbm>> -> memref<20x1000xf32, #tpu.memory_space<hbm>>
    %dma_wait3A_499 = arith.constant 0 : i32
    %dma_wait3A_500 = tpu.memref_slice %arg4[%mul3A_478, %dma_wait3A_499] : memref<20480x1000xf32, #tpu.memory_space<hbm>> -> memref<20x1000xf32, #tpu.memory_space<hbm>>
    %dma_wait3A_501 = arith.constant 0 : i32
    %dma_wait3A_502 = arith.constant 0 : i32
    %dma_wait3A_503 = tpu.memref_slice %arg6[%dma_wait3A_492, %dma_wait3A_501, %dma_wait3A_502] : memref<2x20x1000xf32, #tpu.memory_space<vmem>> -> memref<1x20x1000xf32, #tpu.memory_space<vmem>>
    %dma_wait3A_504 = tpu.memref_squeeze %dma_wait3A_503 : memref<1x20x1000xf32, #tpu.memory_space<vmem>> -> memref<20x1000xf32, #tpu.memory_space<vmem>>
    tpu.wait_dma2 semaphore(%arg10 : memref<!tpu.dma_semaphore, #tpu.memory_space<semaphore_mem>>) src(%dma_wait3A_504 : memref<20x1000xf32, #tpu.memory_space<vmem>>) dst(%dma_wait3A_500 : memref<20x1000xf32, #tpu.memory_space<hbm>>)
    %dma_start3A_505 = arith.constant 10 : i32
    %dma_start3A_506 = arith.constant 0 : i32
    %dma_start3A_507 = arith.constant 0 : i32
    %dma_start3A_508 = arith.constant 0 : i32
    %dma_start3A_509 = tpu.memref_slice %arg6[%dma_start3A_506, %dma_start3A_507, %dma_start3A_508] : memref<2x20x1000xf32, #tpu.memory_space<vmem>> -> memref<1x20x1000xf32, #tpu.memory_space<vmem>>
    %dma_start3A_510 = tpu.memref_squeeze %dma_start3A_509 : memref<1x20x1000xf32, #tpu.memory_space<vmem>> -> memref<20x1000xf32, #tpu.memory_space<vmem>>
    %dma_start3A_511 = arith.constant 0 : i32
    %dma_start3A_512 = tpu.memref_slice %arg5[%dma_start3A_505, %dma_start3A_511] : memref<32x20xi32, #tpu.memory_space<vmem>> -> memref<1x20xi32, #tpu.memory_space<vmem>>
    %dma_start3A_513 = tpu.memref_squeeze %dma_start3A_512 : memref<1x20xi32, #tpu.memory_space<vmem>> -> memref<20xi32, #tpu.memory_space<vmem>>
    %dma_start3A_514 = arith.constant 0 : i32
    %dma_start3A_515 = arith.constant 0 : i32
    %dma_start3A_516 = tpu.memref_slice %arg7[%dma_start3A_514, %dma_start3A_515] : memref<1000x1000xf32, #tpu.memory_space<vmem_shared>> -> memref<1000x1000xf32, #tpu.memory_space<vmem_shared>>
    tpu.enqueue_indirect_dma source(%dma_start3A_516 : memref<1000x1000xf32, #tpu.memory_space<vmem_shared>>) target(%dma_start3A_510 : memref<20x1000xf32, #tpu.memory_space<vmem>>) offsets(%dma_start3A_513 : memref<20xi32, #tpu.memory_space<vmem>>) semaphore(%arg8 : memref<!tpu.dma_semaphore, #tpu.memory_space<semaphore_mem>>)
    %dma_wait3A_517 = arith.constant 9 : i32
    %dma_wait3A_518 = arith.constant 1 : i32
    %dma_wait3A_519 = arith.constant 0 : i32
    %dma_wait3A_520 = arith.constant 0 : i32
    %dma_wait3A_521 = tpu.memref_slice %arg6[%dma_wait3A_518, %dma_wait3A_519, %dma_wait3A_520] : memref<2x20x1000xf32, #tpu.memory_space<vmem>> -> memref<1x20x1000xf32, #tpu.memory_space<vmem>>
    %dma_wait3A_522 = tpu.memref_squeeze %dma_wait3A_521 : memref<1x20x1000xf32, #tpu.memory_space<vmem>> -> memref<20x1000xf32, #tpu.memory_space<vmem>>
    %dma_wait3A_523 = arith.constant 0 : i32
    %dma_wait3A_524 = tpu.memref_slice %arg5[%dma_wait3A_517, %dma_wait3A_523] : memref<32x20xi32, #tpu.memory_space<vmem>> -> memref<1x20xi32, #tpu.memory_space<vmem>>
    %dma_wait3A_525 = tpu.memref_squeeze %dma_wait3A_524 : memref<1x20xi32, #tpu.memory_space<vmem>> -> memref<20xi32, #tpu.memory_space<vmem>>
    %dma_wait3A_526 = arith.constant 0 : i32
    %dma_wait3A_527 = arith.constant 0 : i32
    %dma_wait3A_528 = tpu.memref_slice %arg7[%dma_wait3A_526, %dma_wait3A_527] : memref<1000x1000xf32, #tpu.memory_space<vmem_shared>> -> memref<1000x1000xf32, #tpu.memory_space<vmem_shared>>
    tpu.wait_indirect_dma semaphore(%arg9 : memref<!tpu.dma_semaphore, #tpu.memory_space<semaphore_mem>>) src(%dma_wait3A_528 : memref<1000x1000xf32, #tpu.memory_space<vmem_shared>>) dst(%dma_wait3A_522 : memref<20x1000xf32, #tpu.memory_space<vmem>>)
    %add3A_529 = arith.constant 9 : i32
    %add3A_530 = arith.addi %mul3A_2, %add3A_529 : i32
    %mul3A_531 = arith.constant 20 : i32
    %mul3A_532 = arith.muli %add3A_530, %mul3A_531 : i32
    %dma_start3A_533 = arith.constant 1 : i32
    %dma_start3A_534 = arith.constant 0 : i32
    %dma_start3A_535 = arith.constant 0 : i32
    %dma_start3A_536 = tpu.memref_slice %arg6[%dma_start3A_533, %dma_start3A_534, %dma_start3A_535] : memref<2x20x1000xf32, #tpu.memory_space<vmem>> -> memref<1x20x1000xf32, #tpu.memory_space<vmem>>
    %dma_start3A_537 = tpu.memref_squeeze %dma_start3A_536 : memref<1x20x1000xf32, #tpu.memory_space<vmem>> -> memref<20x1000xf32, #tpu.memory_space<vmem>>
    %dma_start3A_538 = arith.constant 0 : i32
    %dma_start3A_539 = tpu.memref_slice %arg4[%mul3A_532, %dma_start3A_538] : memref<20480x1000xf32, #tpu.memory_space<hbm>> -> memref<20x1000xf32, #tpu.memory_space<hbm>>
    %dma_start3A_540 = arith.constant 0 : i32
    %dma_start3A_541 = tpu.memref_slice %arg4[%mul3A_532, %dma_start3A_540] : memref<20480x1000xf32, #tpu.memory_space<hbm>> -> memref<20x1000xf32, #tpu.memory_space<hbm>>
    %dma_start3A_542 = arith.constant 0 : i32
    %dma_start3A_543 = arith.constant 0 : i32
    %dma_start3A_544 = tpu.memref_slice %arg6[%dma_start3A_533, %dma_start3A_542, %dma_start3A_543] : memref<2x20x1000xf32, #tpu.memory_space<vmem>> -> memref<1x20x1000xf32, #tpu.memory_space<vmem>>
    %dma_start3A_545 = tpu.memref_squeeze %dma_start3A_544 : memref<1x20x1000xf32, #tpu.memory_space<vmem>> -> memref<20x1000xf32, #tpu.memory_space<vmem>>
    tpu.enqueue_dma source(%dma_start3A_545 : memref<20x1000xf32, #tpu.memory_space<vmem>>) target(%dma_start3A_541 : memref<20x1000xf32, #tpu.memory_space<hbm>>) target_semaphore(%arg11 : memref<!tpu.dma_semaphore, #tpu.memory_space<semaphore_mem>>)
    %dma_wait3A_546 = arith.constant 1 : i32
    %dma_wait3A_547 = arith.constant 0 : i32
    %dma_wait3A_548 = arith.constant 0 : i32
    %dma_wait3A_549 = tpu.memref_slice %arg6[%dma_wait3A_546, %dma_wait3A_547, %dma_wait3A_548] : memref<2x20x1000xf32, #tpu.memory_space<vmem>> -> memref<1x20x1000xf32, #tpu.memory_space<vmem>>
    %dma_wait3A_550 = tpu.memref_squeeze %dma_wait3A_549 : memref<1x20x1000xf32, #tpu.memory_space<vmem>> -> memref<20x1000xf32, #tpu.memory_space<vmem>>
    %dma_wait3A_551 = arith.constant 0 : i32
    %dma_wait3A_552 = tpu.memref_slice %arg4[%mul3A_532, %dma_wait3A_551] : memref<20480x1000xf32, #tpu.memory_space<hbm>> -> memref<20x1000xf32, #tpu.memory_space<hbm>>
    %dma_wait3A_553 = arith.constant 0 : i32
    %dma_wait3A_554 = tpu.memref_slice %arg4[%mul3A_532, %dma_wait3A_553] : memref<20480x1000xf32, #tpu.memory_space<hbm>> -> memref<20x1000xf32, #tpu.memory_space<hbm>>
    %dma_wait3A_555 = arith.constant 0 : i32
    %dma_wait3A_556 = arith.constant 0 : i32
    %dma_wait3A_557 = tpu.memref_slice %arg6[%dma_wait3A_546, %dma_wait3A_555, %dma_wait3A_556] : memref<2x20x1000xf32, #tpu.memory_space<vmem>> -> memref<1x20x1000xf32, #tpu.memory_space<vmem>>
    %dma_wait3A_558 = tpu.memref_squeeze %dma_wait3A_557 : memref<1x20x1000xf32, #tpu.memory_space<vmem>> -> memref<20x1000xf32, #tpu.memory_space<vmem>>
    tpu.wait_dma2 semaphore(%arg11 : memref<!tpu.dma_semaphore, #tpu.memory_space<semaphore_mem>>) src(%dma_wait3A_558 : memref<20x1000xf32, #tpu.memory_space<vmem>>) dst(%dma_wait3A_554 : memref<20x1000xf32, #tpu.memory_space<hbm>>)
    %dma_start3A_559 = arith.constant 11 : i32
    %dma_start3A_560 = arith.constant 1 : i32
    %dma_start3A_561 = arith.constant 0 : i32
    %dma_start3A_562 = arith.constant 0 : i32
    %dma_start3A_563 = tpu.memref_slice %arg6[%dma_start3A_560, %dma_start3A_561, %dma_start3A_562] : memref<2x20x1000xf32, #tpu.memory_space<vmem>> -> memref<1x20x1000xf32, #tpu.memory_space<vmem>>
    %dma_start3A_564 = tpu.memref_squeeze %dma_start3A_563 : memref<1x20x1000xf32, #tpu.memory_space<vmem>> -> memref<20x1000xf32, #tpu.memory_space<vmem>>
    %dma_start3A_565 = arith.constant 0 : i32
    %dma_start3A_566 = tpu.memref_slice %arg5[%dma_start3A_559, %dma_start3A_565] : memref<32x20xi32, #tpu.memory_space<vmem>> -> memref<1x20xi32, #tpu.memory_space<vmem>>
    %dma_start3A_567 = tpu.memref_squeeze %dma_start3A_566 : memref<1x20xi32, #tpu.memory_space<vmem>> -> memref<20xi32, #tpu.memory_space<vmem>>
    %dma_start3A_568 = arith.constant 0 : i32
    %dma_start3A_569 = arith.constant 0 : i32
    %dma_start3A_570 = tpu.memref_slice %arg7[%dma_start3A_568, %dma_start3A_569] : memref<1000x1000xf32, #tpu.memory_space<vmem_shared>> -> memref<1000x1000xf32, #tpu.memory_space<vmem_shared>>
    tpu.enqueue_indirect_dma source(%dma_start3A_570 : memref<1000x1000xf32, #tpu.memory_space<vmem_shared>>) target(%dma_start3A_564 : memref<20x1000xf32, #tpu.memory_space<vmem>>) offsets(%dma_start3A_567 : memref<20xi32, #tpu.memory_space<vmem>>) semaphore(%arg9 : memref<!tpu.dma_semaphore, #tpu.memory_space<semaphore_mem>>)
    %dma_wait3A_571 = arith.constant 10 : i32
    %dma_wait3A_572 = arith.constant 0 : i32
    %dma_wait3A_573 = arith.constant 0 : i32
    %dma_wait3A_574 = arith.constant 0 : i32
    %dma_wait3A_575 = tpu.memref_slice %arg6[%dma_wait3A_572, %dma_wait3A_573, %dma_wait3A_574] : memref<2x20x1000xf32, #tpu.memory_space<vmem>> -> memref<1x20x1000xf32, #tpu.memory_space<vmem>>
    %dma_wait3A_576 = tpu.memref_squeeze %dma_wait3A_575 : memref<1x20x1000xf32, #tpu.memory_space<vmem>> -> memref<20x1000xf32, #tpu.memory_space<vmem>>
    %dma_wait3A_577 = arith.constant 0 : i32
    %dma_wait3A_578 = tpu.memref_slice %arg5[%dma_wait3A_571, %dma_wait3A_577] : memref<32x20xi32, #tpu.memory_space<vmem>> -> memref<1x20xi32, #tpu.memory_space<vmem>>
    %dma_wait3A_579 = tpu.memref_squeeze %dma_wait3A_578 : memref<1x20xi32, #tpu.memory_space<vmem>> -> memref<20xi32, #tpu.memory_space<vmem>>
    %dma_wait3A_580 = arith.constant 0 : i32
    %dma_wait3A_581 = arith.constant 0 : i32
    %dma_wait3A_582 = tpu.memref_slice %arg7[%dma_wait3A_580, %dma_wait3A_581] : memref<1000x1000xf32, #tpu.memory_space<vmem_shared>> -> memref<1000x1000xf32, #tpu.memory_space<vmem_shared>>
    tpu.wait_indirect_dma semaphore(%arg8 : memref<!tpu.dma_semaphore, #tpu.memory_space<semaphore_mem>>) src(%dma_wait3A_582 : memref<1000x1000xf32, #tpu.memory_space<vmem_shared>>) dst(%dma_wait3A_576 : memref<20x1000xf32, #tpu.memory_space<vmem>>)
    %add3A_583 = arith.constant 10 : i32
    %add3A_584 = arith.addi %mul3A_2, %add3A_583 : i32
    %mul3A_585 = arith.constant 20 : i32
    %mul3A_586 = arith.muli %add3A_584, %mul3A_585 : i32
    %dma_start3A_587 = arith.constant 0 : i32
    %dma_start3A_588 = arith.constant 0 : i32
    %dma_start3A_589 = arith.constant 0 : i32
    %dma_start3A_590 = tpu.memref_slice %arg6[%dma_start3A_587, %dma_start3A_588, %dma_start3A_589] : memref<2x20x1000xf32, #tpu.memory_space<vmem>> -> memref<1x20x1000xf32, #tpu.memory_space<vmem>>
    %dma_start3A_591 = tpu.memref_squeeze %dma_start3A_590 : memref<1x20x1000xf32, #tpu.memory_space<vmem>> -> memref<20x1000xf32, #tpu.memory_space<vmem>>
    %dma_start3A_592 = arith.constant 0 : i32
    %dma_start3A_593 = tpu.memref_slice %arg4[%mul3A_586, %dma_start3A_592] : memref<20480x1000xf32, #tpu.memory_space<hbm>> -> memref<20x1000xf32, #tpu.memory_space<hbm>>
    %dma_start3A_594 = arith.constant 0 : i32
    %dma_start3A_595 = tpu.memref_slice %arg4[%mul3A_586, %dma_start3A_594] : memref<20480x1000xf32, #tpu.memory_space<hbm>> -> memref<20x1000xf32, #tpu.memory_space<hbm>>
    %dma_start3A_596 = arith.constant 0 : i32
    %dma_start3A_597 = arith.constant 0 : i32
    %dma_start3A_598 = tpu.memref_slice %arg6[%dma_start3A_587, %dma_start3A_596, %dma_start3A_597] : memref<2x20x1000xf32, #tpu.memory_space<vmem>> -> memref<1x20x1000xf32, #tpu.memory_space<vmem>>
    %dma_start3A_599 = tpu.memref_squeeze %dma_start3A_598 : memref<1x20x1000xf32, #tpu.memory_space<vmem>> -> memref<20x1000xf32, #tpu.memory_space<vmem>>
    tpu.enqueue_dma source(%dma_start3A_599 : memref<20x1000xf32, #tpu.memory_space<vmem>>) target(%dma_start3A_595 : memref<20x1000xf32, #tpu.memory_space<hbm>>) target_semaphore(%arg10 : memref<!tpu.dma_semaphore, #tpu.memory_space<semaphore_mem>>)
    %dma_wait3A_600 = arith.constant 0 : i32
    %dma_wait3A_601 = arith.constant 0 : i32
    %dma_wait3A_602 = arith.constant 0 : i32
    %dma_wait3A_603 = tpu.memref_slice %arg6[%dma_wait3A_600, %dma_wait3A_601, %dma_wait3A_602] : memref<2x20x1000xf32, #tpu.memory_space<vmem>> -> memref<1x20x1000xf32, #tpu.memory_space<vmem>>
    %dma_wait3A_604 = tpu.memref_squeeze %dma_wait3A_603 : memref<1x20x1000xf32, #tpu.memory_space<vmem>> -> memref<20x1000xf32, #tpu.memory_space<vmem>>
    %dma_wait3A_605 = arith.constant 0 : i32
    %dma_wait3A_606 = tpu.memref_slice %arg4[%mul3A_586, %dma_wait3A_605] : memref<20480x1000xf32, #tpu.memory_space<hbm>> -> memref<20x1000xf32, #tpu.memory_space<hbm>>
    %dma_wait3A_607 = arith.constant 0 : i32
    %dma_wait3A_608 = tpu.memref_slice %arg4[%mul3A_586, %dma_wait3A_607] : memref<20480x1000xf32, #tpu.memory_space<hbm>> -> memref<20x1000xf32, #tpu.memory_space<hbm>>
    %dma_wait3A_609 = arith.constant 0 : i32
    %dma_wait3A_610 = arith.constant 0 : i32
    %dma_wait3A_611 = tpu.memref_slice %arg6[%dma_wait3A_600, %dma_wait3A_609, %dma_wait3A_610] : memref<2x20x1000xf32, #tpu.memory_space<vmem>> -> memref<1x20x1000xf32, #tpu.memory_space<vmem>>
    %dma_wait3A_612 = tpu.memref_squeeze %dma_wait3A_611 : memref<1x20x1000xf32, #tpu.memory_space<vmem>> -> memref<20x1000xf32, #tpu.memory_space<vmem>>
    tpu.wait_dma2 semaphore(%arg10 : memref<!tpu.dma_semaphore, #tpu.memory_space<semaphore_mem>>) src(%dma_wait3A_612 : memref<20x1000xf32, #tpu.memory_space<vmem>>) dst(%dma_wait3A_608 : memref<20x1000xf32, #tpu.memory_space<hbm>>)
    %dma_start3A_613 = arith.constant 12 : i32
    %dma_start3A_614 = arith.constant 0 : i32
    %dma_start3A_615 = arith.constant 0 : i32
    %dma_start3A_616 = arith.constant 0 : i32
    %dma_start3A_617 = tpu.memref_slice %arg6[%dma_start3A_614, %dma_start3A_615, %dma_start3A_616] : memref<2x20x1000xf32, #tpu.memory_space<vmem>> -> memref<1x20x1000xf32, #tpu.memory_space<vmem>>
    %dma_start3A_618 = tpu.memref_squeeze %dma_start3A_617 : memref<1x20x1000xf32, #tpu.memory_space<vmem>> -> memref<20x1000xf32, #tpu.memory_space<vmem>>
    %dma_start3A_619 = arith.constant 0 : i32
    %dma_start3A_620 = tpu.memref_slice %arg5[%dma_start3A_613, %dma_start3A_619] : memref<32x20xi32, #tpu.memory_space<vmem>> -> memref<1x20xi32, #tpu.memory_space<vmem>>
    %dma_start3A_621 = tpu.memref_squeeze %dma_start3A_620 : memref<1x20xi32, #tpu.memory_space<vmem>> -> memref<20xi32, #tpu.memory_space<vmem>>
    %dma_start3A_622 = arith.constant 0 : i32
    %dma_start3A_623 = arith.constant 0 : i32
    %dma_start3A_624 = tpu.memref_slice %arg7[%dma_start3A_622, %dma_start3A_623] : memref<1000x1000xf32, #tpu.memory_space<vmem_shared>> -> memref<1000x1000xf32, #tpu.memory_space<vmem_shared>>
    tpu.enqueue_indirect_dma source(%dma_start3A_624 : memref<1000x1000xf32, #tpu.memory_space<vmem_shared>>) target(%dma_start3A_618 : memref<20x1000xf32, #tpu.memory_space<vmem>>) offsets(%dma_start3A_621 : memref<20xi32, #tpu.memory_space<vmem>>) semaphore(%arg8 : memref<!tpu.dma_semaphore, #tpu.memory_space<semaphore_mem>>)
    %dma_wait3A_625 = arith.constant 11 : i32
    %dma_wait3A_626 = arith.constant 1 : i32
    %dma_wait3A_627 = arith.constant 0 : i32
    %dma_wait3A_628 = arith.constant 0 : i32
    %dma_wait3A_629 = tpu.memref_slice %arg6[%dma_wait3A_626, %dma_wait3A_627, %dma_wait3A_628] : memref<2x20x1000xf32, #tpu.memory_space<vmem>> -> memref<1x20x1000xf32, #tpu.memory_space<vmem>>
    %dma_wait3A_630 = tpu.memref_squeeze %dma_wait3A_629 : memref<1x20x1000xf32, #tpu.memory_space<vmem>> -> memref<20x1000xf32, #tpu.memory_space<vmem>>
    %dma_wait3A_631 = arith.constant 0 : i32
    %dma_wait3A_632 = tpu.memref_slice %arg5[%dma_wait3A_625, %dma_wait3A_631] : memref<32x20xi32, #tpu.memory_space<vmem>> -> memref<1x20xi32, #tpu.memory_space<vmem>>
    %dma_wait3A_633 = tpu.memref_squeeze %dma_wait3A_632 : memref<1x20xi32, #tpu.memory_space<vmem>> -> memref<20xi32, #tpu.memory_space<vmem>>
    %dma_wait3A_634 = arith.constant 0 : i32
    %dma_wait3A_635 = arith.constant 0 : i32
    %dma_wait3A_636 = tpu.memref_slice %arg7[%dma_wait3A_634, %dma_wait3A_635] : memref<1000x1000xf32, #tpu.memory_space<vmem_shared>> -> memref<1000x1000xf32, #tpu.memory_space<vmem_shared>>
    tpu.wait_indirect_dma semaphore(%arg9 : memref<!tpu.dma_semaphore, #tpu.memory_space<semaphore_mem>>) src(%dma_wait3A_636 : memref<1000x1000xf32, #tpu.memory_space<vmem_shared>>) dst(%dma_wait3A_630 : memref<20x1000xf32, #tpu.memory_space<vmem>>)
    %add3A_637 = arith.constant 11 : i32
    %add3A_638 = arith.addi %mul3A_2, %add3A_637 : i32
    %mul3A_639 = arith.constant 20 : i32
    %mul3A_640 = arith.muli %add3A_638, %mul3A_639 : i32
    %dma_start3A_641 = arith.constant 1 : i32
    %dma_start3A_642 = arith.constant 0 : i32
    %dma_start3A_643 = arith.constant 0 : i32
    %dma_start3A_644 = tpu.memref_slice %arg6[%dma_start3A_641, %dma_start3A_642, %dma_start3A_643] : memref<2x20x1000xf32, #tpu.memory_space<vmem>> -> memref<1x20x1000xf32, #tpu.memory_space<vmem>>
    %dma_start3A_645 = tpu.memref_squeeze %dma_start3A_644 : memref<1x20x1000xf32, #tpu.memory_space<vmem>> -> memref<20x1000xf32, #tpu.memory_space<vmem>>
    %dma_start3A_646 = arith.constant 0 : i32
    %dma_start3A_647 = tpu.memref_slice %arg4[%mul3A_640, %dma_start3A_646] : memref<20480x1000xf32, #tpu.memory_space<hbm>> -> memref<20x1000xf32, #tpu.memory_space<hbm>>
    %dma_start3A_648 = arith.constant 0 : i32
    %dma_start3A_649 = tpu.memref_slice %arg4[%mul3A_640, %dma_start3A_648] : memref<20480x1000xf32, #tpu.memory_space<hbm>> -> memref<20x1000xf32, #tpu.memory_space<hbm>>
    %dma_start3A_650 = arith.constant 0 : i32
    %dma_start3A_651 = arith.constant 0 : i32
    %dma_start3A_652 = tpu.memref_slice %arg6[%dma_start3A_641, %dma_start3A_650, %dma_start3A_651] : memref<2x20x1000xf32, #tpu.memory_space<vmem>> -> memref<1x20x1000xf32, #tpu.memory_space<vmem>>
    %dma_start3A_653 = tpu.memref_squeeze %dma_start3A_652 : memref<1x20x1000xf32, #tpu.memory_space<vmem>> -> memref<20x1000xf32, #tpu.memory_space<vmem>>
    tpu.enqueue_dma source(%dma_start3A_653 : memref<20x1000xf32, #tpu.memory_space<vmem>>) target(%dma_start3A_649 : memref<20x1000xf32, #tpu.memory_space<hbm>>) target_semaphore(%arg11 : memref<!tpu.dma_semaphore, #tpu.memory_space<semaphore_mem>>)
    %dma_wait3A_654 = arith.constant 1 : i32
    %dma_wait3A_655 = arith.constant 0 : i32
    %dma_wait3A_656 = arith.constant 0 : i32
    %dma_wait3A_657 = tpu.memref_slice %arg6[%dma_wait3A_654, %dma_wait3A_655, %dma_wait3A_656] : memref<2x20x1000xf32, #tpu.memory_space<vmem>> -> memref<1x20x1000xf32, #tpu.memory_space<vmem>>
    %dma_wait3A_658 = tpu.memref_squeeze %dma_wait3A_657 : memref<1x20x1000xf32, #tpu.memory_space<vmem>> -> memref<20x1000xf32, #tpu.memory_space<vmem>>
    %dma_wait3A_659 = arith.constant 0 : i32
    %dma_wait3A_660 = tpu.memref_slice %arg4[%mul3A_640, %dma_wait3A_659] : memref<20480x1000xf32, #tpu.memory_space<hbm>> -> memref<20x1000xf32, #tpu.memory_space<hbm>>
    %dma_wait3A_661 = arith.constant 0 : i32
    %dma_wait3A_662 = tpu.memref_slice %arg4[%mul3A_640, %dma_wait3A_661] : memref<20480x1000xf32, #tpu.memory_space<hbm>> -> memref<20x1000xf32, #tpu.memory_space<hbm>>
    %dma_wait3A_663 = arith.constant 0 : i32
    %dma_wait3A_664 = arith.constant 0 : i32
    %dma_wait3A_665 = tpu.memref_slice %arg6[%dma_wait3A_654, %dma_wait3A_663, %dma_wait3A_664] : memref<2x20x1000xf32, #tpu.memory_space<vmem>> -> memref<1x20x1000xf32, #tpu.memory_space<vmem>>
    %dma_wait3A_666 = tpu.memref_squeeze %dma_wait3A_665 : memref<1x20x1000xf32, #tpu.memory_space<vmem>> -> memref<20x1000xf32, #tpu.memory_space<vmem>>
    tpu.wait_dma2 semaphore(%arg11 : memref<!tpu.dma_semaphore, #tpu.memory_space<semaphore_mem>>) src(%dma_wait3A_666 : memref<20x1000xf32, #tpu.memory_space<vmem>>) dst(%dma_wait3A_662 : memref<20x1000xf32, #tpu.memory_space<hbm>>)
    %dma_start3A_667 = arith.constant 13 : i32
    %dma_start3A_668 = arith.constant 1 : i32
    %dma_start3A_669 = arith.constant 0 : i32
    %dma_start3A_670 = arith.constant 0 : i32
    %dma_start3A_671 = tpu.memref_slice %arg6[%dma_start3A_668, %dma_start3A_669, %dma_start3A_670] : memref<2x20x1000xf32, #tpu.memory_space<vmem>> -> memref<1x20x1000xf32, #tpu.memory_space<vmem>>
    %dma_start3A_672 = tpu.memref_squeeze %dma_start3A_671 : memref<1x20x1000xf32, #tpu.memory_space<vmem>> -> memref<20x1000xf32, #tpu.memory_space<vmem>>
    %dma_start3A_673 = arith.constant 0 : i32
    %dma_start3A_674 = tpu.memref_slice %arg5[%dma_start3A_667, %dma_start3A_673] : memref<32x20xi32, #tpu.memory_space<vmem>> -> memref<1x20xi32, #tpu.memory_space<vmem>>
    %dma_start3A_675 = tpu.memref_squeeze %dma_start3A_674 : memref<1x20xi32, #tpu.memory_space<vmem>> -> memref<20xi32, #tpu.memory_space<vmem>>
    %dma_start3A_676 = arith.constant 0 : i32
    %dma_start3A_677 = arith.constant 0 : i32
    %dma_start3A_678 = tpu.memref_slice %arg7[%dma_start3A_676, %dma_start3A_677] : memref<1000x1000xf32, #tpu.memory_space<vmem_shared>> -> memref<1000x1000xf32, #tpu.memory_space<vmem_shared>>
    tpu.enqueue_indirect_dma source(%dma_start3A_678 : memref<1000x1000xf32, #tpu.memory_space<vmem_shared>>) target(%dma_start3A_672 : memref<20x1000xf32, #tpu.memory_space<vmem>>) offsets(%dma_start3A_675 : memref<20xi32, #tpu.memory_space<vmem>>) semaphore(%arg9 : memref<!tpu.dma_semaphore, #tpu.memory_space<semaphore_mem>>)
    %dma_wait3A_679 = arith.constant 12 : i32
    %dma_wait3A_680 = arith.constant 0 : i32
    %dma_wait3A_681 = arith.constant 0 : i32
    %dma_wait3A_682 = arith.constant 0 : i32
    %dma_wait3A_683 = tpu.memref_slice %arg6[%dma_wait3A_680, %dma_wait3A_681, %dma_wait3A_682] : memref<2x20x1000xf32, #tpu.memory_space<vmem>> -> memref<1x20x1000xf32, #tpu.memory_space<vmem>>
    %dma_wait3A_684 = tpu.memref_squeeze %dma_wait3A_683 : memref<1x20x1000xf32, #tpu.memory_space<vmem>> -> memref<20x1000xf32, #tpu.memory_space<vmem>>
    %dma_wait3A_685 = arith.constant 0 : i32
    %dma_wait3A_686 = tpu.memref_slice %arg5[%dma_wait3A_679, %dma_wait3A_685] : memref<32x20xi32, #tpu.memory_space<vmem>> -> memref<1x20xi32, #tpu.memory_space<vmem>>
    %dma_wait3A_687 = tpu.memref_squeeze %dma_wait3A_686 : memref<1x20xi32, #tpu.memory_space<vmem>> -> memref<20xi32, #tpu.memory_space<vmem>>
    %dma_wait3A_688 = arith.constant 0 : i32
    %dma_wait3A_689 = arith.constant 0 : i32
    %dma_wait3A_690 = tpu.memref_slice %arg7[%dma_wait3A_688, %dma_wait3A_689] : memref<1000x1000xf32, #tpu.memory_space<vmem_shared>> -> memref<1000x1000xf32, #tpu.memory_space<vmem_shared>>
    tpu.wait_indirect_dma semaphore(%arg8 : memref<!tpu.dma_semaphore, #tpu.memory_space<semaphore_mem>>) src(%dma_wait3A_690 : memref<1000x1000xf32, #tpu.memory_space<vmem_shared>>) dst(%dma_wait3A_684 : memref<20x1000xf32, #tpu.memory_space<vmem>>)
    %add3A_691 = arith.constant 12 : i32
    %add3A_692 = arith.addi %mul3A_2, %add3A_691 : i32
    %mul3A_693 = arith.constant 20 : i32
    %mul3A_694 = arith.muli %add3A_692, %mul3A_693 : i32
    %dma_start3A_695 = arith.constant 0 : i32
    %dma_start3A_696 = arith.constant 0 : i32
    %dma_start3A_697 = arith.constant 0 : i32
    %dma_start3A_698 = tpu.memref_slice %arg6[%dma_start3A_695, %dma_start3A_696, %dma_start3A_697] : memref<2x20x1000xf32, #tpu.memory_space<vmem>> -> memref<1x20x1000xf32, #tpu.memory_space<vmem>>
    %dma_start3A_699 = tpu.memref_squeeze %dma_start3A_698 : memref<1x20x1000xf32, #tpu.memory_space<vmem>> -> memref<20x1000xf32, #tpu.memory_space<vmem>>
    %dma_start3A_700 = arith.constant 0 : i32
    %dma_start3A_701 = tpu.memref_slice %arg4[%mul3A_694, %dma_start3A_700] : memref<20480x1000xf32, #tpu.memory_space<hbm>> -> memref<20x1000xf32, #tpu.memory_space<hbm>>
    %dma_start3A_702 = arith.constant 0 : i32
    %dma_start3A_703 = tpu.memref_slice %arg4[%mul3A_694, %dma_start3A_702] : memref<20480x1000xf32, #tpu.memory_space<hbm>> -> memref<20x1000xf32, #tpu.memory_space<hbm>>
    %dma_start3A_704 = arith.constant 0 : i32
    %dma_start3A_705 = arith.constant 0 : i32
    %dma_start3A_706 = tpu.memref_slice %arg6[%dma_start3A_695, %dma_start3A_704, %dma_start3A_705] : memref<2x20x1000xf32, #tpu.memory_space<vmem>> -> memref<1x20x1000xf32, #tpu.memory_space<vmem>>
    %dma_start3A_707 = tpu.memref_squeeze %dma_start3A_706 : memref<1x20x1000xf32, #tpu.memory_space<vmem>> -> memref<20x1000xf32, #tpu.memory_space<vmem>>
    tpu.enqueue_dma source(%dma_start3A_707 : memref<20x1000xf32, #tpu.memory_space<vmem>>) target(%dma_start3A_703 : memref<20x1000xf32, #tpu.memory_space<hbm>>) target_semaphore(%arg10 : memref<!tpu.dma_semaphore, #tpu.memory_space<semaphore_mem>>)
    %dma_wait3A_708 = arith.constant 0 : i32
    %dma_wait3A_709 = arith.constant 0 : i32
    %dma_wait3A_710 = arith.constant 0 : i32
    %dma_wait3A_711 = tpu.memref_slice %arg6[%dma_wait3A_708, %dma_wait3A_709, %dma_wait3A_710] : memref<2x20x1000xf32, #tpu.memory_space<vmem>> -> memref<1x20x1000xf32, #tpu.memory_space<vmem>>
    %dma_wait3A_712 = tpu.memref_squeeze %dma_wait3A_711 : memref<1x20x1000xf32, #tpu.memory_space<vmem>> -> memref<20x1000xf32, #tpu.memory_space<vmem>>
    %dma_wait3A_713 = arith.constant 0 : i32
    %dma_wait3A_714 = tpu.memref_slice %arg4[%mul3A_694, %dma_wait3A_713] : memref<20480x1000xf32, #tpu.memory_space<hbm>> -> memref<20x1000xf32, #tpu.memory_space<hbm>>
    %dma_wait3A_715 = arith.constant 0 : i32
    %dma_wait3A_716 = tpu.memref_slice %arg4[%mul3A_694, %dma_wait3A_715] : memref<20480x1000xf32, #tpu.memory_space<hbm>> -> memref<20x1000xf32, #tpu.memory_space<hbm>>
    %dma_wait3A_717 = arith.constant 0 : i32
    %dma_wait3A_718 = arith.constant 0 : i32
    %dma_wait3A_719 = tpu.memref_slice %arg6[%dma_wait3A_708, %dma_wait3A_717, %dma_wait3A_718] : memref<2x20x1000xf32, #tpu.memory_space<vmem>> -> memref<1x20x1000xf32, #tpu.memory_space<vmem>>
    %dma_wait3A_720 = tpu.memref_squeeze %dma_wait3A_719 : memref<1x20x1000xf32, #tpu.memory_space<vmem>> -> memref<20x1000xf32, #tpu.memory_space<vmem>>
    tpu.wait_dma2 semaphore(%arg10 : memref<!tpu.dma_semaphore, #tpu.memory_space<semaphore_mem>>) src(%dma_wait3A_720 : memref<20x1000xf32, #tpu.memory_space<vmem>>) dst(%dma_wait3A_716 : memref<20x1000xf32, #tpu.memory_space<hbm>>)
    %dma_start3A_721 = arith.constant 14 : i32
    %dma_start3A_722 = arith.constant 0 : i32
    %dma_start3A_723 = arith.constant 0 : i32
    %dma_start3A_724 = arith.constant 0 : i32
    %dma_start3A_725 = tpu.memref_slice %arg6[%dma_start3A_722, %dma_start3A_723, %dma_start3A_724] : memref<2x20x1000xf32, #tpu.memory_space<vmem>> -> memref<1x20x1000xf32, #tpu.memory_space<vmem>>
    %dma_start3A_726 = tpu.memref_squeeze %dma_start3A_725 : memref<1x20x1000xf32, #tpu.memory_space<vmem>> -> memref<20x1000xf32, #tpu.memory_space<vmem>>
    %dma_start3A_727 = arith.constant 0 : i32
    %dma_start3A_728 = tpu.memref_slice %arg5[%dma_start3A_721, %dma_start3A_727] : memref<32x20xi32, #tpu.memory_space<vmem>> -> memref<1x20xi32, #tpu.memory_space<vmem>>
    %dma_start3A_729 = tpu.memref_squeeze %dma_start3A_728 : memref<1x20xi32, #tpu.memory_space<vmem>> -> memref<20xi32, #tpu.memory_space<vmem>>
    %dma_start3A_730 = arith.constant 0 : i32
    %dma_start3A_731 = arith.constant 0 : i32
    %dma_start3A_732 = tpu.memref_slice %arg7[%dma_start3A_730, %dma_start3A_731] : memref<1000x1000xf32, #tpu.memory_space<vmem_shared>> -> memref<1000x1000xf32, #tpu.memory_space<vmem_shared>>
    tpu.enqueue_indirect_dma source(%dma_start3A_732 : memref<1000x1000xf32, #tpu.memory_space<vmem_shared>>) target(%dma_start3A_726 : memref<20x1000xf32, #tpu.memory_space<vmem>>) offsets(%dma_start3A_729 : memref<20xi32, #tpu.memory_space<vmem>>) semaphore(%arg8 : memref<!tpu.dma_semaphore, #tpu.memory_space<semaphore_mem>>)
    %dma_wait3A_733 = arith.constant 13 : i32
    %dma_wait3A_734 = arith.constant 1 : i32
    %dma_wait3A_735 = arith.constant 0 : i32
    %dma_wait3A_736 = arith.constant 0 : i32
    %dma_wait3A_737 = tpu.memref_slice %arg6[%dma_wait3A_734, %dma_wait3A_735, %dma_wait3A_736] : memref<2x20x1000xf32, #tpu.memory_space<vmem>> -> memref<1x20x1000xf32, #tpu.memory_space<vmem>>
    %dma_wait3A_738 = tpu.memref_squeeze %dma_wait3A_737 : memref<1x20x1000xf32, #tpu.memory_space<vmem>> -> memref<20x1000xf32, #tpu.memory_space<vmem>>
    %dma_wait3A_739 = arith.constant 0 : i32
    %dma_wait3A_740 = tpu.memref_slice %arg5[%dma_wait3A_733, %dma_wait3A_739] : memref<32x20xi32, #tpu.memory_space<vmem>> -> memref<1x20xi32, #tpu.memory_space<vmem>>
    %dma_wait3A_741 = tpu.memref_squeeze %dma_wait3A_740 : memref<1x20xi32, #tpu.memory_space<vmem>> -> memref<20xi32, #tpu.memory_space<vmem>>
    %dma_wait3A_742 = arith.constant 0 : i32
    %dma_wait3A_743 = arith.constant 0 : i32
    %dma_wait3A_744 = tpu.memref_slice %arg7[%dma_wait3A_742, %dma_wait3A_743] : memref<1000x1000xf32, #tpu.memory_space<vmem_shared>> -> memref<1000x1000xf32, #tpu.memory_space<vmem_shared>>
    tpu.wait_indirect_dma semaphore(%arg9 : memref<!tpu.dma_semaphore, #tpu.memory_space<semaphore_mem>>) src(%dma_wait3A_744 : memref<1000x1000xf32, #tpu.memory_space<vmem_shared>>) dst(%dma_wait3A_738 : memref<20x1000xf32, #tpu.memory_space<vmem>>)
    %add3A_745 = arith.constant 13 : i32
    %add3A_746 = arith.addi %mul3A_2, %add3A_745 : i32
    %mul3A_747 = arith.constant 20 : i32
    %mul3A_748 = arith.muli %add3A_746, %mul3A_747 : i32
    %dma_start3A_749 = arith.constant 1 : i32
    %dma_start3A_750 = arith.constant 0 : i32
    %dma_start3A_751 = arith.constant 0 : i32
    %dma_start3A_752 = tpu.memref_slice %arg6[%dma_start3A_749, %dma_start3A_750, %dma_start3A_751] : memref<2x20x1000xf32, #tpu.memory_space<vmem>> -> memref<1x20x1000xf32, #tpu.memory_space<vmem>>
    %dma_start3A_753 = tpu.memref_squeeze %dma_start3A_752 : memref<1x20x1000xf32, #tpu.memory_space<vmem>> -> memref<20x1000xf32, #tpu.memory_space<vmem>>
    %dma_start3A_754 = arith.constant 0 : i32
    %dma_start3A_755 = tpu.memref_slice %arg4[%mul3A_748, %dma_start3A_754] : memref<20480x1000xf32, #tpu.memory_space<hbm>> -> memref<20x1000xf32, #tpu.memory_space<hbm>>
    %dma_start3A_756 = arith.constant 0 : i32
    %dma_start3A_757 = tpu.memref_slice %arg4[%mul3A_748, %dma_start3A_756] : memref<20480x1000xf32, #tpu.memory_space<hbm>> -> memref<20x1000xf32, #tpu.memory_space<hbm>>
    %dma_start3A_758 = arith.constant 0 : i32
    %dma_start3A_759 = arith.constant 0 : i32
    %dma_start3A_760 = tpu.memref_slice %arg6[%dma_start3A_749, %dma_start3A_758, %dma_start3A_759] : memref<2x20x1000xf32, #tpu.memory_space<vmem>> -> memref<1x20x1000xf32, #tpu.memory_space<vmem>>
    %dma_start3A_761 = tpu.memref_squeeze %dma_start3A_760 : memref<1x20x1000xf32, #tpu.memory_space<vmem>> -> memref<20x1000xf32, #tpu.memory_space<vmem>>
    tpu.enqueue_dma source(%dma_start3A_761 : memref<20x1000xf32, #tpu.memory_space<vmem>>) target(%dma_start3A_757 : memref<20x1000xf32, #tpu.memory_space<hbm>>) target_semaphore(%arg11 : memref<!tpu.dma_semaphore, #tpu.memory_space<semaphore_mem>>)
    %dma_wait3A_762 = arith.constant 1 : i32
    %dma_wait3A_763 = arith.constant 0 : i32
    %dma_wait3A_764 = arith.constant 0 : i32
    %dma_wait3A_765 = tpu.memref_slice %arg6[%dma_wait3A_762, %dma_wait3A_763, %dma_wait3A_764] : memref<2x20x1000xf32, #tpu.memory_space<vmem>> -> memref<1x20x1000xf32, #tpu.memory_space<vmem>>
    %dma_wait3A_766 = tpu.memref_squeeze %dma_wait3A_765 : memref<1x20x1000xf32, #tpu.memory_space<vmem>> -> memref<20x1000xf32, #tpu.memory_space<vmem>>
    %dma_wait3A_767 = arith.constant 0 : i32
    %dma_wait3A_768 = tpu.memref_slice %arg4[%mul3A_748, %dma_wait3A_767] : memref<20480x1000xf32, #tpu.memory_space<hbm>> -> memref<20x1000xf32, #tpu.memory_space<hbm>>
    %dma_wait3A_769 = arith.constant 0 : i32
    %dma_wait3A_770 = tpu.memref_slice %arg4[%mul3A_748, %dma_wait3A_769] : memref<20480x1000xf32, #tpu.memory_space<hbm>> -> memref<20x1000xf32, #tpu.memory_space<hbm>>
    %dma_wait3A_771 = arith.constant 0 : i32
    %dma_wait3A_772 = arith.constant 0 : i32
    %dma_wait3A_773 = tpu.memref_slice %arg6[%dma_wait3A_762, %dma_wait3A_771, %dma_wait3A_772] : memref<2x20x1000xf32, #tpu.memory_space<vmem>> -> memref<1x20x1000xf32, #tpu.memory_space<vmem>>
    %dma_wait3A_774 = tpu.memref_squeeze %dma_wait3A_773 : memref<1x20x1000xf32, #tpu.memory_space<vmem>> -> memref<20x1000xf32, #tpu.memory_space<vmem>>
    tpu.wait_dma2 semaphore(%arg11 : memref<!tpu.dma_semaphore, #tpu.memory_space<semaphore_mem>>) src(%dma_wait3A_774 : memref<20x1000xf32, #tpu.memory_space<vmem>>) dst(%dma_wait3A_770 : memref<20x1000xf32, #tpu.memory_space<hbm>>)
    %dma_start3A_775 = arith.constant 15 : i32
    %dma_start3A_776 = arith.constant 1 : i32
    %dma_start3A_777 = arith.constant 0 : i32
    %dma_start3A_778 = arith.constant 0 : i32
    %dma_start3A_779 = tpu.memref_slice %arg6[%dma_start3A_776, %dma_start3A_777, %dma_start3A_778] : memref<2x20x1000xf32, #tpu.memory_space<vmem>> -> memref<1x20x1000xf32, #tpu.memory_space<vmem>>
    %dma_start3A_780 = tpu.memref_squeeze %dma_start3A_779 : memref<1x20x1000xf32, #tpu.memory_space<vmem>> -> memref<20x1000xf32, #tpu.memory_space<vmem>>
    %dma_start3A_781 = arith.constant 0 : i32
    %dma_start3A_782 = tpu.memref_slice %arg5[%dma_start3A_775, %dma_start3A_781] : memref<32x20xi32, #tpu.memory_space<vmem>> -> memref<1x20xi32, #tpu.memory_space<vmem>>
    %dma_start3A_783 = tpu.memref_squeeze %dma_start3A_782 : memref<1x20xi32, #tpu.memory_space<vmem>> -> memref<20xi32, #tpu.memory_space<vmem>>
    %dma_start3A_784 = arith.constant 0 : i32
    %dma_start3A_785 = arith.constant 0 : i32
    %dma_start3A_786 = tpu.memref_slice %arg7[%dma_start3A_784, %dma_start3A_785] : memref<1000x1000xf32, #tpu.memory_space<vmem_shared>> -> memref<1000x1000xf32, #tpu.memory_space<vmem_shared>>
    tpu.enqueue_indirect_dma source(%dma_start3A_786 : memref<1000x1000xf32, #tpu.memory_space<vmem_shared>>) target(%dma_start3A_780 : memref<20x1000xf32, #tpu.memory_space<vmem>>) offsets(%dma_start3A_783 : memref<20xi32, #tpu.memory_space<vmem>>) semaphore(%arg9 : memref<!tpu.dma_semaphore, #tpu.memory_space<semaphore_mem>>)
    %dma_wait3A_787 = arith.constant 14 : i32
    %dma_wait3A_788 = arith.constant 0 : i32
    %dma_wait3A_789 = arith.constant 0 : i32
    %dma_wait3A_790 = arith.constant 0 : i32
    %dma_wait3A_791 = tpu.memref_slice %arg6[%dma_wait3A_788, %dma_wait3A_789, %dma_wait3A_790] : memref<2x20x1000xf32, #tpu.memory_space<vmem>> -> memref<1x20x1000xf32, #tpu.memory_space<vmem>>
    %dma_wait3A_792 = tpu.memref_squeeze %dma_wait3A_791 : memref<1x20x1000xf32, #tpu.memory_space<vmem>> -> memref<20x1000xf32, #tpu.memory_space<vmem>>
    %dma_wait3A_793 = arith.constant 0 : i32
    %dma_wait3A_794 = tpu.memref_slice %arg5[%dma_wait3A_787, %dma_wait3A_793] : memref<32x20xi32, #tpu.memory_space<vmem>> -> memref<1x20xi32, #tpu.memory_space<vmem>>
    %dma_wait3A_795 = tpu.memref_squeeze %dma_wait3A_794 : memref<1x20xi32, #tpu.memory_space<vmem>> -> memref<20xi32, #tpu.memory_space<vmem>>
    %dma_wait3A_796 = arith.constant 0 : i32
    %dma_wait3A_797 = arith.constant 0 : i32
    %dma_wait3A_798 = tpu.memref_slice %arg7[%dma_wait3A_796, %dma_wait3A_797] : memref<1000x1000xf32, #tpu.memory_space<vmem_shared>> -> memref<1000x1000xf32, #tpu.memory_space<vmem_shared>>
    tpu.wait_indirect_dma semaphore(%arg8 : memref<!tpu.dma_semaphore, #tpu.memory_space<semaphore_mem>>) src(%dma_wait3A_798 : memref<1000x1000xf32, #tpu.memory_space<vmem_shared>>) dst(%dma_wait3A_792 : memref<20x1000xf32, #tpu.memory_space<vmem>>)
    %add3A_799 = arith.constant 14 : i32
    %add3A_800 = arith.addi %mul3A_2, %add3A_799 : i32
    %mul3A_801 = arith.constant 20 : i32
    %mul3A_802 = arith.muli %add3A_800, %mul3A_801 : i32
    %dma_start3A_803 = arith.constant 0 : i32
    %dma_start3A_804 = arith.constant 0 : i32
    %dma_start3A_805 = arith.constant 0 : i32
    %dma_start3A_806 = tpu.memref_slice %arg6[%dma_start3A_803, %dma_start3A_804, %dma_start3A_805] : memref<2x20x1000xf32, #tpu.memory_space<vmem>> -> memref<1x20x1000xf32, #tpu.memory_space<vmem>>
    %dma_start3A_807 = tpu.memref_squeeze %dma_start3A_806 : memref<1x20x1000xf32, #tpu.memory_space<vmem>> -> memref<20x1000xf32, #tpu.memory_space<vmem>>
    %dma_start3A_808 = arith.constant 0 : i32
    %dma_start3A_809 = tpu.memref_slice %arg4[%mul3A_802, %dma_start3A_808] : memref<20480x1000xf32, #tpu.memory_space<hbm>> -> memref<20x1000xf32, #tpu.memory_space<hbm>>
    %dma_start3A_810 = arith.constant 0 : i32
    %dma_start3A_811 = tpu.memref_slice %arg4[%mul3A_802, %dma_start3A_810] : memref<20480x1000xf32, #tpu.memory_space<hbm>> -> memref<20x1000xf32, #tpu.memory_space<hbm>>
    %dma_start3A_812 = arith.constant 0 : i32
    %dma_start3A_813 = arith.constant 0 : i32
    %dma_start3A_814 = tpu.memref_slice %arg6[%dma_start3A_803, %dma_start3A_812, %dma_start3A_813] : memref<2x20x1000xf32, #tpu.memory_space<vmem>> -> memref<1x20x1000xf32, #tpu.memory_space<vmem>>
    %dma_start3A_815 = tpu.memref_squeeze %dma_start3A_814 : memref<1x20x1000xf32, #tpu.memory_space<vmem>> -> memref<20x1000xf32, #tpu.memory_space<vmem>>
    tpu.enqueue_dma source(%dma_start3A_815 : memref<20x1000xf32, #tpu.memory_space<vmem>>) target(%dma_start3A_811 : memref<20x1000xf32, #tpu.memory_space<hbm>>) target_semaphore(%arg10 : memref<!tpu.dma_semaphore, #tpu.memory_space<semaphore_mem>>)
    %dma_wait3A_816 = arith.constant 0 : i32
    %dma_wait3A_817 = arith.constant 0 : i32
    %dma_wait3A_818 = arith.constant 0 : i32
    %dma_wait3A_819 = tpu.memref_slice %arg6[%dma_wait3A_816, %dma_wait3A_817, %dma_wait3A_818] : memref<2x20x1000xf32, #tpu.memory_space<vmem>> -> memref<1x20x1000xf32, #tpu.memory_space<vmem>>
    %dma_wait3A_820 = tpu.memref_squeeze %dma_wait3A_819 : memref<1x20x1000xf32, #tpu.memory_space<vmem>> -> memref<20x1000xf32, #tpu.memory_space<vmem>>
    %dma_wait3A_821 = arith.constant 0 : i32
    %dma_wait3A_822 = tpu.memref_slice %arg4[%mul3A_802, %dma_wait3A_821] : memref<20480x1000xf32, #tpu.memory_space<hbm>> -> memref<20x1000xf32, #tpu.memory_space<hbm>>
    %dma_wait3A_823 = arith.constant 0 : i32
    %dma_wait3A_824 = tpu.memref_slice %arg4[%mul3A_802, %dma_wait3A_823] : memref<20480x1000xf32, #tpu.memory_space<hbm>> -> memref<20x1000xf32, #tpu.memory_space<hbm>>
    %dma_wait3A_825 = arith.constant 0 : i32
    %dma_wait3A_826 = arith.constant 0 : i32
    %dma_wait3A_827 = tpu.memref_slice %arg6[%dma_wait3A_816, %dma_wait3A_825, %dma_wait3A_826] : memref<2x20x1000xf32, #tpu.memory_space<vmem>> -> memref<1x20x1000xf32, #tpu.memory_space<vmem>>
    %dma_wait3A_828 = tpu.memref_squeeze %dma_wait3A_827 : memref<1x20x1000xf32, #tpu.memory_space<vmem>> -> memref<20x1000xf32, #tpu.memory_space<vmem>>
    tpu.wait_dma2 semaphore(%arg10 : memref<!tpu.dma_semaphore, #tpu.memory_space<semaphore_mem>>) src(%dma_wait3A_828 : memref<20x1000xf32, #tpu.memory_space<vmem>>) dst(%dma_wait3A_824 : memref<20x1000xf32, #tpu.memory_space<hbm>>)
    %dma_start3A_829 = arith.constant 16 : i32
    %dma_start3A_830 = arith.constant 0 : i32
    %dma_start3A_831 = arith.constant 0 : i32
    %dma_start3A_832 = arith.constant 0 : i32
    %dma_start3A_833 = tpu.memref_slice %arg6[%dma_start3A_830, %dma_start3A_831, %dma_start3A_832] : memref<2x20x1000xf32, #tpu.memory_space<vmem>> -> memref<1x20x1000xf32, #tpu.memory_space<vmem>>
    %dma_start3A_834 = tpu.memref_squeeze %dma_start3A_833 : memref<1x20x1000xf32, #tpu.memory_space<vmem>> -> memref<20x1000xf32, #tpu.memory_space<vmem>>
    %dma_start3A_835 = arith.constant 0 : i32
    %dma_start3A_836 = tpu.memref_slice %arg5[%dma_start3A_829, %dma_start3A_835] : memref<32x20xi32, #tpu.memory_space<vmem>> -> memref<1x20xi32, #tpu.memory_space<vmem>>
    %dma_start3A_837 = tpu.memref_squeeze %dma_start3A_836 : memref<1x20xi32, #tpu.memory_space<vmem>> -> memref<20xi32, #tpu.memory_space<vmem>>
    %dma_start3A_838 = arith.constant 0 : i32
    %dma_start3A_839 = arith.constant 0 : i32
    %dma_start3A_840 = tpu.memref_slice %arg7[%dma_start3A_838, %dma_start3A_839] : memref<1000x1000xf32, #tpu.memory_space<vmem_shared>> -> memref<1000x1000xf32, #tpu.memory_space<vmem_shared>>
    tpu.enqueue_indirect_dma source(%dma_start3A_840 : memref<1000x1000xf32, #tpu.memory_space<vmem_shared>>) target(%dma_start3A_834 : memref<20x1000xf32, #tpu.memory_space<vmem>>) offsets(%dma_start3A_837 : memref<20xi32, #tpu.memory_space<vmem>>) semaphore(%arg8 : memref<!tpu.dma_semaphore, #tpu.memory_space<semaphore_mem>>)
    %dma_wait3A_841 = arith.constant 15 : i32
    %dma_wait3A_842 = arith.constant 1 : i32
    %dma_wait3A_843 = arith.constant 0 : i32
    %dma_wait3A_844 = arith.constant 0 : i32
    %dma_wait3A_845 = tpu.memref_slice %arg6[%dma_wait3A_842, %dma_wait3A_843, %dma_wait3A_844] : memref<2x20x1000xf32, #tpu.memory_space<vmem>> -> memref<1x20x1000xf32, #tpu.memory_space<vmem>>
    %dma_wait3A_846 = tpu.memref_squeeze %dma_wait3A_845 : memref<1x20x1000xf32, #tpu.memory_space<vmem>> -> memref<20x1000xf32, #tpu.memory_space<vmem>>
    %dma_wait3A_847 = arith.constant 0 : i32
    %dma_wait3A_848 = tpu.memref_slice %arg5[%dma_wait3A_841, %dma_wait3A_847] : memref<32x20xi32, #tpu.memory_space<vmem>> -> memref<1x20xi32, #tpu.memory_space<vmem>>
    %dma_wait3A_849 = tpu.memref_squeeze %dma_wait3A_848 : memref<1x20xi32, #tpu.memory_space<vmem>> -> memref<20xi32, #tpu.memory_space<vmem>>
    %dma_wait3A_850 = arith.constant 0 : i32
    %dma_wait3A_851 = arith.constant 0 : i32
    %dma_wait3A_852 = tpu.memref_slice %arg7[%dma_wait3A_850, %dma_wait3A_851] : memref<1000x1000xf32, #tpu.memory_space<vmem_shared>> -> memref<1000x1000xf32, #tpu.memory_space<vmem_shared>>
    tpu.wait_indirect_dma semaphore(%arg9 : memref<!tpu.dma_semaphore, #tpu.memory_space<semaphore_mem>>) src(%dma_wait3A_852 : memref<1000x1000xf32, #tpu.memory_space<vmem_shared>>) dst(%dma_wait3A_846 : memref<20x1000xf32, #tpu.memory_space<vmem>>)
    %add3A_853 = arith.constant 15 : i32
    %add3A_854 = arith.addi %mul3A_2, %add3A_853 : i32
    %mul3A_855 = arith.constant 20 : i32
    %mul3A_856 = arith.muli %add3A_854, %mul3A_855 : i32
    %dma_start3A_857 = arith.constant 1 : i32
    %dma_start3A_858 = arith.constant 0 : i32
    %dma_start3A_859 = arith.constant 0 : i32
    %dma_start3A_860 = tpu.memref_slice %arg6[%dma_start3A_857, %dma_start3A_858, %dma_start3A_859] : memref<2x20x1000xf32, #tpu.memory_space<vmem>> -> memref<1x20x1000xf32, #tpu.memory_space<vmem>>
    %dma_start3A_861 = tpu.memref_squeeze %dma_start3A_860 : memref<1x20x1000xf32, #tpu.memory_space<vmem>> -> memref<20x1000xf32, #tpu.memory_space<vmem>>
    %dma_start3A_862 = arith.constant 0 : i32
    %dma_start3A_863 = tpu.memref_slice %arg4[%mul3A_856, %dma_start3A_862] : memref<20480x1000xf32, #tpu.memory_space<hbm>> -> memref<20x1000xf32, #tpu.memory_space<hbm>>
    %dma_start3A_864 = arith.constant 0 : i32
    %dma_start3A_865 = tpu.memref_slice %arg4[%mul3A_856, %dma_start3A_864] : memref<20480x1000xf32, #tpu.memory_space<hbm>> -> memref<20x1000xf32, #tpu.memory_space<hbm>>
    %dma_start3A_866 = arith.constant 0 : i32
    %dma_start3A_867 = arith.constant 0 : i32
    %dma_start3A_868 = tpu.memref_slice %arg6[%dma_start3A_857, %dma_start3A_866, %dma_start3A_867] : memref<2x20x1000xf32, #tpu.memory_space<vmem>> -> memref<1x20x1000xf32, #tpu.memory_space<vmem>>
    %dma_start3A_869 = tpu.memref_squeeze %dma_start3A_868 : memref<1x20x1000xf32, #tpu.memory_space<vmem>> -> memref<20x1000xf32, #tpu.memory_space<vmem>>
    tpu.enqueue_dma source(%dma_start3A_869 : memref<20x1000xf32, #tpu.memory_space<vmem>>) target(%dma_start3A_865 : memref<20x1000xf32, #tpu.memory_space<hbm>>) target_semaphore(%arg11 : memref<!tpu.dma_semaphore, #tpu.memory_space<semaphore_mem>>)
    %dma_wait3A_870 = arith.constant 1 : i32
    %dma_wait3A_871 = arith.constant 0 : i32
    %dma_wait3A_872 = arith.constant 0 : i32
    %dma_wait3A_873 = tpu.memref_slice %arg6[%dma_wait3A_870, %dma_wait3A_871, %dma_wait3A_872] : memref<2x20x1000xf32, #tpu.memory_space<vmem>> -> memref<1x20x1000xf32, #tpu.memory_space<vmem>>
    %dma_wait3A_874 = tpu.memref_squeeze %dma_wait3A_873 : memref<1x20x1000xf32, #tpu.memory_space<vmem>> -> memref<20x1000xf32, #tpu.memory_space<vmem>>
    %dma_wait3A_875 = arith.constant 0 : i32
    %dma_wait3A_876 = tpu.memref_slice %arg4[%mul3A_856, %dma_wait3A_875] : memref<20480x1000xf32, #tpu.memory_space<hbm>> -> memref<20x1000xf32, #tpu.memory_space<hbm>>
    %dma_wait3A_877 = arith.constant 0 : i32
    %dma_wait3A_878 = tpu.memref_slice %arg4[%mul3A_856, %dma_wait3A_877] : memref<20480x1000xf32, #tpu.memory_space<hbm>> -> memref<20x1000xf32, #tpu.memory_space<hbm>>
    %dma_wait3A_879 = arith.constant 0 : i32
    %dma_wait3A_880 = arith.constant 0 : i32
    %dma_wait3A_881 = tpu.memref_slice %arg6[%dma_wait3A_870, %dma_wait3A_879, %dma_wait3A_880] : memref<2x20x1000xf32, #tpu.memory_space<vmem>> -> memref<1x20x1000xf32, #tpu.memory_space<vmem>>
    %dma_wait3A_882 = tpu.memref_squeeze %dma_wait3A_881 : memref<1x20x1000xf32, #tpu.memory_space<vmem>> -> memref<20x1000xf32, #tpu.memory_space<vmem>>
    tpu.wait_dma2 semaphore(%arg11 : memref<!tpu.dma_semaphore, #tpu.memory_space<semaphore_mem>>) src(%dma_wait3A_882 : memref<20x1000xf32, #tpu.memory_space<vmem>>) dst(%dma_wait3A_878 : memref<20x1000xf32, #tpu.memory_space<hbm>>)
    %dma_start3A_883 = arith.constant 17 : i32
    %dma_start3A_884 = arith.constant 1 : i32
    %dma_start3A_885 = arith.constant 0 : i32
    %dma_start3A_886 = arith.constant 0 : i32
    %dma_start3A_887 = tpu.memref_slice %arg6[%dma_start3A_884, %dma_start3A_885, %dma_start3A_886] : memref<2x20x1000xf32, #tpu.memory_space<vmem>> -> memref<1x20x1000xf32, #tpu.memory_space<vmem>>
    %dma_start3A_888 = tpu.memref_squeeze %dma_start3A_887 : memref<1x20x1000xf32, #tpu.memory_space<vmem>> -> memref<20x1000xf32, #tpu.memory_space<vmem>>
    %dma_start3A_889 = arith.constant 0 : i32
    %dma_start3A_890 = tpu.memref_slice %arg5[%dma_start3A_883, %dma_start3A_889] : memref<32x20xi32, #tpu.memory_space<vmem>> -> memref<1x20xi32, #tpu.memory_space<vmem>>
    %dma_start3A_891 = tpu.memref_squeeze %dma_start3A_890 : memref<1x20xi32, #tpu.memory_space<vmem>> -> memref<20xi32, #tpu.memory_space<vmem>>
    %dma_start3A_892 = arith.constant 0 : i32
    %dma_start3A_893 = arith.constant 0 : i32
    %dma_start3A_894 = tpu.memref_slice %arg7[%dma_start3A_892, %dma_start3A_893] : memref<1000x1000xf32, #tpu.memory_space<vmem_shared>> -> memref<1000x1000xf32, #tpu.memory_space<vmem_shared>>
    tpu.enqueue_indirect_dma source(%dma_start3A_894 : memref<1000x1000xf32, #tpu.memory_space<vmem_shared>>) target(%dma_start3A_888 : memref<20x1000xf32, #tpu.memory_space<vmem>>) offsets(%dma_start3A_891 : memref<20xi32, #tpu.memory_space<vmem>>) semaphore(%arg9 : memref<!tpu.dma_semaphore, #tpu.memory_space<semaphore_mem>>)
    %dma_wait3A_895 = arith.constant 16 : i32
    %dma_wait3A_896 = arith.constant 0 : i32
    %dma_wait3A_897 = arith.constant 0 : i32
    %dma_wait3A_898 = arith.constant 0 : i32
    %dma_wait3A_899 = tpu.memref_slice %arg6[%dma_wait3A_896, %dma_wait3A_897, %dma_wait3A_898] : memref<2x20x1000xf32, #tpu.memory_space<vmem>> -> memref<1x20x1000xf32, #tpu.memory_space<vmem>>
    %dma_wait3A_900 = tpu.memref_squeeze %dma_wait3A_899 : memref<1x20x1000xf32, #tpu.memory_space<vmem>> -> memref<20x1000xf32, #tpu.memory_space<vmem>>
    %dma_wait3A_901 = arith.constant 0 : i32
    %dma_wait3A_902 = tpu.memref_slice %arg5[%dma_wait3A_895, %dma_wait3A_901] : memref<32x20xi32, #tpu.memory_space<vmem>> -> memref<1x20xi32, #tpu.memory_space<vmem>>
    %dma_wait3A_903 = tpu.memref_squeeze %dma_wait3A_902 : memref<1x20xi32, #tpu.memory_space<vmem>> -> memref<20xi32, #tpu.memory_space<vmem>>
    %dma_wait3A_904 = arith.constant 0 : i32
    %dma_wait3A_905 = arith.constant 0 : i32
    %dma_wait3A_906 = tpu.memref_slice %arg7[%dma_wait3A_904, %dma_wait3A_905] : memref<1000x1000xf32, #tpu.memory_space<vmem_shared>> -> memref<1000x1000xf32, #tpu.memory_space<vmem_shared>>
    tpu.wait_indirect_dma semaphore(%arg8 : memref<!tpu.dma_semaphore, #tpu.memory_space<semaphore_mem>>) src(%dma_wait3A_906 : memref<1000x1000xf32, #tpu.memory_space<vmem_shared>>) dst(%dma_wait3A_900 : memref<20x1000xf32, #tpu.memory_space<vmem>>)
    %add3A_907 = arith.constant 16 : i32
    %add3A_908 = arith.addi %mul3A_2, %add3A_907 : i32
    %mul3A_909 = arith.constant 20 : i32
    %mul3A_910 = arith.muli %add3A_908, %mul3A_909 : i32
    %dma_start3A_911 = arith.constant 0 : i32
    %dma_start3A_912 = arith.constant 0 : i32
    %dma_start3A_913 = arith.constant 0 : i32
    %dma_start3A_914 = tpu.memref_slice %arg6[%dma_start3A_911, %dma_start3A_912, %dma_start3A_913] : memref<2x20x1000xf32, #tpu.memory_space<vmem>> -> memref<1x20x1000xf32, #tpu.memory_space<vmem>>
    %dma_start3A_915 = tpu.memref_squeeze %dma_start3A_914 : memref<1x20x1000xf32, #tpu.memory_space<vmem>> -> memref<20x1000xf32, #tpu.memory_space<vmem>>
    %dma_start3A_916 = arith.constant 0 : i32
    %dma_start3A_917 = tpu.memref_slice %arg4[%mul3A_910, %dma_start3A_916] : memref<20480x1000xf32, #tpu.memory_space<hbm>> -> memref<20x1000xf32, #tpu.memory_space<hbm>>
    %dma_start3A_918 = arith.constant 0 : i32
    %dma_start3A_919 = tpu.memref_slice %arg4[%mul3A_910, %dma_start3A_918] : memref<20480x1000xf32, #tpu.memory_space<hbm>> -> memref<20x1000xf32, #tpu.memory_space<hbm>>
    %dma_start3A_920 = arith.constant 0 : i32
    %dma_start3A_921 = arith.constant 0 : i32
    %dma_start3A_922 = tpu.memref_slice %arg6[%dma_start3A_911, %dma_start3A_920, %dma_start3A_921] : memref<2x20x1000xf32, #tpu.memory_space<vmem>> -> memref<1x20x1000xf32, #tpu.memory_space<vmem>>
    %dma_start3A_923 = tpu.memref_squeeze %dma_start3A_922 : memref<1x20x1000xf32, #tpu.memory_space<vmem>> -> memref<20x1000xf32, #tpu.memory_space<vmem>>
    tpu.enqueue_dma source(%dma_start3A_923 : memref<20x1000xf32, #tpu.memory_space<vmem>>) target(%dma_start3A_919 : memref<20x1000xf32, #tpu.memory_space<hbm>>) target_semaphore(%arg10 : memref<!tpu.dma_semaphore, #tpu.memory_space<semaphore_mem>>)
    %dma_wait3A_924 = arith.constant 0 : i32
    %dma_wait3A_925 = arith.constant 0 : i32
    %dma_wait3A_926 = arith.constant 0 : i32
    %dma_wait3A_927 = tpu.memref_slice %arg6[%dma_wait3A_924, %dma_wait3A_925, %dma_wait3A_926] : memref<2x20x1000xf32, #tpu.memory_space<vmem>> -> memref<1x20x1000xf32, #tpu.memory_space<vmem>>
    %dma_wait3A_928 = tpu.memref_squeeze %dma_wait3A_927 : memref<1x20x1000xf32, #tpu.memory_space<vmem>> -> memref<20x1000xf32, #tpu.memory_space<vmem>>
    %dma_wait3A_929 = arith.constant 0 : i32
    %dma_wait3A_930 = tpu.memref_slice %arg4[%mul3A_910, %dma_wait3A_929] : memref<20480x1000xf32, #tpu.memory_space<hbm>> -> memref<20x1000xf32, #tpu.memory_space<hbm>>
    %dma_wait3A_931 = arith.constant 0 : i32
    %dma_wait3A_932 = tpu.memref_slice %arg4[%mul3A_910, %dma_wait3A_931] : memref<20480x1000xf32, #tpu.memory_space<hbm>> -> memref<20x1000xf32, #tpu.memory_space<hbm>>
    %dma_wait3A_933 = arith.constant 0 : i32
    %dma_wait3A_934 = arith.constant 0 : i32
    %dma_wait3A_935 = tpu.memref_slice %arg6[%dma_wait3A_924, %dma_wait3A_933, %dma_wait3A_934] : memref<2x20x1000xf32, #tpu.memory_space<vmem>> -> memref<1x20x1000xf32, #tpu.memory_space<vmem>>
    %dma_wait3A_936 = tpu.memref_squeeze %dma_wait3A_935 : memref<1x20x1000xf32, #tpu.memory_space<vmem>> -> memref<20x1000xf32, #tpu.memory_space<vmem>>
    tpu.wait_dma2 semaphore(%arg10 : memref<!tpu.dma_semaphore, #tpu.memory_space<semaphore_mem>>) src(%dma_wait3A_936 : memref<20x1000xf32, #tpu.memory_space<vmem>>) dst(%dma_wait3A_932 : memref<20x1000xf32, #tpu.memory_space<hbm>>)
    %dma_start3A_937 = arith.constant 18 : i32
    %dma_start3A_938 = arith.constant 0 : i32
    %dma_start3A_939 = arith.constant 0 : i32
    %dma_start3A_940 = arith.constant 0 : i32
    %dma_start3A_941 = tpu.memref_slice %arg6[%dma_start3A_938, %dma_start3A_939, %dma_start3A_940] : memref<2x20x1000xf32, #tpu.memory_space<vmem>> -> memref<1x20x1000xf32, #tpu.memory_space<vmem>>
    %dma_start3A_942 = tpu.memref_squeeze %dma_start3A_941 : memref<1x20x1000xf32, #tpu.memory_space<vmem>> -> memref<20x1000xf32, #tpu.memory_space<vmem>>
    %dma_start3A_943 = arith.constant 0 : i32
    %dma_start3A_944 = tpu.memref_slice %arg5[%dma_start3A_937, %dma_start3A_943] : memref<32x20xi32, #tpu.memory_space<vmem>> -> memref<1x20xi32, #tpu.memory_space<vmem>>
    %dma_start3A_945 = tpu.memref_squeeze %dma_start3A_944 : memref<1x20xi32, #tpu.memory_space<vmem>> -> memref<20xi32, #tpu.memory_space<vmem>>
    %dma_start3A_946 = arith.constant 0 : i32
    %dma_start3A_947 = arith.constant 0 : i32
    %dma_start3A_948 = tpu.memref_slice %arg7[%dma_start3A_946, %dma_start3A_947] : memref<1000x1000xf32, #tpu.memory_space<vmem_shared>> -> memref<1000x1000xf32, #tpu.memory_space<vmem_shared>>
    tpu.enqueue_indirect_dma source(%dma_start3A_948 : memref<1000x1000xf32, #tpu.memory_space<vmem_shared>>) target(%dma_start3A_942 : memref<20x1000xf32, #tpu.memory_space<vmem>>) offsets(%dma_start3A_945 : memref<20xi32, #tpu.memory_space<vmem>>) semaphore(%arg8 : memref<!tpu.dma_semaphore, #tpu.memory_space<semaphore_mem>>)
    %dma_wait3A_949 = arith.constant 17 : i32
    %dma_wait3A_950 = arith.constant 1 : i32
    %dma_wait3A_951 = arith.constant 0 : i32
    %dma_wait3A_952 = arith.constant 0 : i32
    %dma_wait3A_953 = tpu.memref_slice %arg6[%dma_wait3A_950, %dma_wait3A_951, %dma_wait3A_952] : memref<2x20x1000xf32, #tpu.memory_space<vmem>> -> memref<1x20x1000xf32, #tpu.memory_space<vmem>>
    %dma_wait3A_954 = tpu.memref_squeeze %dma_wait3A_953 : memref<1x20x1000xf32, #tpu.memory_space<vmem>> -> memref<20x1000xf32, #tpu.memory_space<vmem>>
    %dma_wait3A_955 = arith.constant 0 : i32
    %dma_wait3A_956 = tpu.memref_slice %arg5[%dma_wait3A_949, %dma_wait3A_955] : memref<32x20xi32, #tpu.memory_space<vmem>> -> memref<1x20xi32, #tpu.memory_space<vmem>>
    %dma_wait3A_957 = tpu.memref_squeeze %dma_wait3A_956 : memref<1x20xi32, #tpu.memory_space<vmem>> -> memref<20xi32, #tpu.memory_space<vmem>>
    %dma_wait3A_958 = arith.constant 0 : i32
    %dma_wait3A_959 = arith.constant 0 : i32
    %dma_wait3A_960 = tpu.memref_slice %arg7[%dma_wait3A_958, %dma_wait3A_959] : memref<1000x1000xf32, #tpu.memory_space<vmem_shared>> -> memref<1000x1000xf32, #tpu.memory_space<vmem_shared>>
    tpu.wait_indirect_dma semaphore(%arg9 : memref<!tpu.dma_semaphore, #tpu.memory_space<semaphore_mem>>) src(%dma_wait3A_960 : memref<1000x1000xf32, #tpu.memory_space<vmem_shared>>) dst(%dma_wait3A_954 : memref<20x1000xf32, #tpu.memory_space<vmem>>)
    %add3A_961 = arith.constant 17 : i32
    %add3A_962 = arith.addi %mul3A_2, %add3A_961 : i32
    %mul3A_963 = arith.constant 20 : i32
    %mul3A_964 = arith.muli %add3A_962, %mul3A_963 : i32
    %dma_start3A_965 = arith.constant 1 : i32
    %dma_start3A_966 = arith.constant 0 : i32
    %dma_start3A_967 = arith.constant 0 : i32
    %dma_start3A_968 = tpu.memref_slice %arg6[%dma_start3A_965, %dma_start3A_966, %dma_start3A_967] : memref<2x20x1000xf32, #tpu.memory_space<vmem>> -> memref<1x20x1000xf32, #tpu.memory_space<vmem>>
    %dma_start3A_969 = tpu.memref_squeeze %dma_start3A_968 : memref<1x20x1000xf32, #tpu.memory_space<vmem>> -> memref<20x1000xf32, #tpu.memory_space<vmem>>
    %dma_start3A_970 = arith.constant 0 : i32
    %dma_start3A_971 = tpu.memref_slice %arg4[%mul3A_964, %dma_start3A_970] : memref<20480x1000xf32, #tpu.memory_space<hbm>> -> memref<20x1000xf32, #tpu.memory_space<hbm>>
    %dma_start3A_972 = arith.constant 0 : i32
    %dma_start3A_973 = tpu.memref_slice %arg4[%mul3A_964, %dma_start3A_972] : memref<20480x1000xf32, #tpu.memory_space<hbm>> -> memref<20x1000xf32, #tpu.memory_space<hbm>>
    %dma_start3A_974 = arith.constant 0 : i32
    %dma_start3A_975 = arith.constant 0 : i32
    %dma_start3A_976 = tpu.memref_slice %arg6[%dma_start3A_965, %dma_start3A_974, %dma_start3A_975] : memref<2x20x1000xf32, #tpu.memory_space<vmem>> -> memref<1x20x1000xf32, #tpu.memory_space<vmem>>
    %dma_start3A_977 = tpu.memref_squeeze %dma_start3A_976 : memref<1x20x1000xf32, #tpu.memory_space<vmem>> -> memref<20x1000xf32, #tpu.memory_space<vmem>>
    tpu.enqueue_dma source(%dma_start3A_977 : memref<20x1000xf32, #tpu.memory_space<vmem>>) target(%dma_start3A_973 : memref<20x1000xf32, #tpu.memory_space<hbm>>) target_semaphore(%arg11 : memref<!tpu.dma_semaphore, #tpu.memory_space<semaphore_mem>>)
    %dma_wait3A_978 = arith.constant 1 : i32
    %dma_wait3A_979 = arith.constant 0 : i32
    %dma_wait3A_980 = arith.constant 0 : i32
    %dma_wait3A_981 = tpu.memref_slice %arg6[%dma_wait3A_978, %dma_wait3A_979, %dma_wait3A_980] : memref<2x20x1000xf32, #tpu.memory_space<vmem>> -> memref<1x20x1000xf32, #tpu.memory_space<vmem>>
    %dma_wait3A_982 = tpu.memref_squeeze %dma_wait3A_981 : memref<1x20x1000xf32, #tpu.memory_space<vmem>> -> memref<20x1000xf32, #tpu.memory_space<vmem>>
    %dma_wait3A_983 = arith.constant 0 : i32
    %dma_wait3A_984 = tpu.memref_slice %arg4[%mul3A_964, %dma_wait3A_983] : memref<20480x1000xf32, #tpu.memory_space<hbm>> -> memref<20x1000xf32, #tpu.memory_space<hbm>>
    %dma_wait3A_985 = arith.constant 0 : i32
    %dma_wait3A_986 = tpu.memref_slice %arg4[%mul3A_964, %dma_wait3A_985] : memref<20480x1000xf32, #tpu.memory_space<hbm>> -> memref<20x1000xf32, #tpu.memory_space<hbm>>
    %dma_wait3A_987 = arith.constant 0 : i32
    %dma_wait3A_988 = arith.constant 0 : i32
    %dma_wait3A_989 = tpu.memref_slice %arg6[%dma_wait3A_978, %dma_wait3A_987, %dma_wait3A_988] : memref<2x20x1000xf32, #tpu.memory_space<vmem>> -> memref<1x20x1000xf32, #tpu.memory_space<vmem>>
    %dma_wait3A_990 = tpu.memref_squeeze %dma_wait3A_989 : memref<1x20x1000xf32, #tpu.memory_space<vmem>> -> memref<20x1000xf32, #tpu.memory_space<vmem>>
    tpu.wait_dma2 semaphore(%arg11 : memref<!tpu.dma_semaphore, #tpu.memory_space<semaphore_mem>>) src(%dma_wait3A_990 : memref<20x1000xf32, #tpu.memory_space<vmem>>) dst(%dma_wait3A_986 : memref<20x1000xf32, #tpu.memory_space<hbm>>)
    %dma_start3A_991 = arith.constant 19 : i32
    %dma_start3A_992 = arith.constant 1 : i32
    %dma_start3A_993 = arith.constant 0 : i32
    %dma_start3A_994 = arith.constant 0 : i32
    %dma_start3A_995 = tpu.memref_slice %arg6[%dma_start3A_992, %dma_start3A_993, %dma_start3A_994] : memref<2x20x1000xf32, #tpu.memory_space<vmem>> -> memref<1x20x1000xf32, #tpu.memory_space<vmem>>
    %dma_start3A_996 = tpu.memref_squeeze %dma_start3A_995 : memref<1x20x1000xf32, #tpu.memory_space<vmem>> -> memref<20x1000xf32, #tpu.memory_space<vmem>>
    %dma_start3A_997 = arith.constant 0 : i32
    %dma_start3A_998 = tpu.memref_slice %arg5[%dma_start3A_991, %dma_start3A_997] : memref<32x20xi32, #tpu.memory_space<vmem>> -> memref<1x20xi32, #tpu.memory_space<vmem>>
    %dma_start3A_999 = tpu.memref_squeeze %dma_start3A_998 : memref<1x20xi32, #tpu.memory_space<vmem>> -> memref<20xi32, #tpu.memory_space<vmem>>
    %dma_start3A_1000 = arith.constant 0 : i32
    %dma_start3A_1001 = arith.constant 0 : i32
    %dma_start3A_1002 = tpu.memref_slice %arg7[%dma_start3A_1000, %dma_start3A_1001] : memref<1000x1000xf32, #tpu.memory_space<vmem_shared>> -> memref<1000x1000xf32, #tpu.memory_space<vmem_shared>>
    tpu.enqueue_indirect_dma source(%dma_start3A_1002 : memref<1000x1000xf32, #tpu.memory_space<vmem_shared>>) target(%dma_start3A_996 : memref<20x1000xf32, #tpu.memory_space<vmem>>) offsets(%dma_start3A_999 : memref<20xi32, #tpu.memory_space<vmem>>) semaphore(%arg9 : memref<!tpu.dma_semaphore, #tpu.memory_space<semaphore_mem>>)
    %dma_wait3A_1003 = arith.constant 18 : i32
    %dma_wait3A_1004 = arith.constant 0 : i32
    %dma_wait3A_1005 = arith.constant 0 : i32
    %dma_wait3A_1006 = arith.constant 0 : i32
    %dma_wait3A_1007 = tpu.memref_slice %arg6[%dma_wait3A_1004, %dma_wait3A_1005, %dma_wait3A_1006] : memref<2x20x1000xf32, #tpu.memory_space<vmem>> -> memref<1x20x1000xf32, #tpu.memory_space<vmem>>
    %dma_wait3A_1008 = tpu.memref_squeeze %dma_wait3A_1007 : memref<1x20x1000xf32, #tpu.memory_space<vmem>> -> memref<20x1000xf32, #tpu.memory_space<vmem>>
    %dma_wait3A_1009 = arith.constant 0 : i32
    %dma_wait3A_1010 = tpu.memref_slice %arg5[%dma_wait3A_1003, %dma_wait3A_1009] : memref<32x20xi32, #tpu.memory_space<vmem>> -> memref<1x20xi32, #tpu.memory_space<vmem>>
    %dma_wait3A_1011 = tpu.memref_squeeze %dma_wait3A_1010 : memref<1x20xi32, #tpu.memory_space<vmem>> -> memref<20xi32, #tpu.memory_space<vmem>>
    %dma_wait3A_1012 = arith.constant 0 : i32
    %dma_wait3A_1013 = arith.constant 0 : i32
    %dma_wait3A_1014 = tpu.memref_slice %arg7[%dma_wait3A_1012, %dma_wait3A_1013] : memref<1000x1000xf32, #tpu.memory_space<vmem_shared>> -> memref<1000x1000xf32, #tpu.memory_space<vmem_shared>>
    tpu.wait_indirect_dma semaphore(%arg8 : memref<!tpu.dma_semaphore, #tpu.memory_space<semaphore_mem>>) src(%dma_wait3A_1014 : memref<1000x1000xf32, #tpu.memory_space<vmem_shared>>) dst(%dma_wait3A_1008 : memref<20x1000xf32, #tpu.memory_space<vmem>>)
    %add3A_1015 = arith.constant 18 : i32
    %add3A_1016 = arith.addi %mul3A_2, %add3A_1015 : i32
    %mul3A_1017 = arith.constant 20 : i32
    %mul3A_1018 = arith.muli %add3A_1016, %mul3A_1017 : i32
    %dma_start3A_1019 = arith.constant 0 : i32
    %dma_start3A_1020 = arith.constant 0 : i32
    %dma_start3A_1021 = arith.constant 0 : i32
    %dma_start3A_1022 = tpu.memref_slice %arg6[%dma_start3A_1019, %dma_start3A_1020, %dma_start3A_1021] : memref<2x20x1000xf32, #tpu.memory_space<vmem>> -> memref<1x20x1000xf32, #tpu.memory_space<vmem>>
    %dma_start3A_1023 = tpu.memref_squeeze %dma_start3A_1022 : memref<1x20x1000xf32, #tpu.memory_space<vmem>> -> memref<20x1000xf32, #tpu.memory_space<vmem>>
    %dma_start3A_1024 = arith.constant 0 : i32
    %dma_start3A_1025 = tpu.memref_slice %arg4[%mul3A_1018, %dma_start3A_1024] : memref<20480x1000xf32, #tpu.memory_space<hbm>> -> memref<20x1000xf32, #tpu.memory_space<hbm>>
    %dma_start3A_1026 = arith.constant 0 : i32
    %dma_start3A_1027 = tpu.memref_slice %arg4[%mul3A_1018, %dma_start3A_1026] : memref<20480x1000xf32, #tpu.memory_space<hbm>> -> memref<20x1000xf32, #tpu.memory_space<hbm>>
    %dma_start3A_1028 = arith.constant 0 : i32
    %dma_start3A_1029 = arith.constant 0 : i32
    %dma_start3A_1030 = tpu.memref_slice %arg6[%dma_start3A_1019, %dma_start3A_1028, %dma_start3A_1029] : memref<2x20x1000xf32, #tpu.memory_space<vmem>> -> memref<1x20x1000xf32, #tpu.memory_space<vmem>>
    %dma_start3A_1031 = tpu.memref_squeeze %dma_start3A_1030 : memref<1x20x1000xf32, #tpu.memory_space<vmem>> -> memref<20x1000xf32, #tpu.memory_space<vmem>>
    tpu.enqueue_dma source(%dma_start3A_1031 : memref<20x1000xf32, #tpu.memory_space<vmem>>) target(%dma_start3A_1027 : memref<20x1000xf32, #tpu.memory_space<hbm>>) target_semaphore(%arg10 : memref<!tpu.dma_semaphore, #tpu.memory_space<semaphore_mem>>)
    %dma_wait3A_1032 = arith.constant 0 : i32
    %dma_wait3A_1033 = arith.constant 0 : i32
    %dma_wait3A_1034 = arith.constant 0 : i32
    %dma_wait3A_1035 = tpu.memref_slice %arg6[%dma_wait3A_1032, %dma_wait3A_1033, %dma_wait3A_1034] : memref<2x20x1000xf32, #tpu.memory_space<vmem>> -> memref<1x20x1000xf32, #tpu.memory_space<vmem>>
    %dma_wait3A_1036 = tpu.memref_squeeze %dma_wait3A_1035 : memref<1x20x1000xf32, #tpu.memory_space<vmem>> -> memref<20x1000xf32, #tpu.memory_space<vmem>>
    %dma_wait3A_1037 = arith.constant 0 : i32
    %dma_wait3A_1038 = tpu.memref_slice %arg4[%mul3A_1018, %dma_wait3A_1037] : memref<20480x1000xf32, #tpu.memory_space<hbm>> -> memref<20x1000xf32, #tpu.memory_space<hbm>>
    %dma_wait3A_1039 = arith.constant 0 : i32
    %dma_wait3A_1040 = tpu.memref_slice %arg4[%mul3A_1018, %dma_wait3A_1039] : memref<20480x1000xf32, #tpu.memory_space<hbm>> -> memref<20x1000xf32, #tpu.memory_space<hbm>>
    %dma_wait3A_1041 = arith.constant 0 : i32
    %dma_wait3A_1042 = arith.constant 0 : i32
    %dma_wait3A_1043 = tpu.memref_slice %arg6[%dma_wait3A_1032, %dma_wait3A_1041, %dma_wait3A_1042] : memref<2x20x1000xf32, #tpu.memory_space<vmem>> -> memref<1x20x1000xf32, #tpu.memory_space<vmem>>
    %dma_wait3A_1044 = tpu.memref_squeeze %dma_wait3A_1043 : memref<1x20x1000xf32, #tpu.memory_space<vmem>> -> memref<20x1000xf32, #tpu.memory_space<vmem>>
    tpu.wait_dma2 semaphore(%arg10 : memref<!tpu.dma_semaphore, #tpu.memory_space<semaphore_mem>>) src(%dma_wait3A_1044 : memref<20x1000xf32, #tpu.memory_space<vmem>>) dst(%dma_wait3A_1040 : memref<20x1000xf32, #tpu.memory_space<hbm>>)
    %dma_start3A_1045 = arith.constant 20 : i32
    %dma_start3A_1046 = arith.constant 0 : i32
    %dma_start3A_1047 = arith.constant 0 : i32
    %dma_start3A_1048 = arith.constant 0 : i32
    %dma_start3A_1049 = tpu.memref_slice %arg6[%dma_start3A_1046, %dma_start3A_1047, %dma_start3A_1048] : memref<2x20x1000xf32, #tpu.memory_space<vmem>> -> memref<1x20x1000xf32, #tpu.memory_space<vmem>>
    %dma_start3A_1050 = tpu.memref_squeeze %dma_start3A_1049 : memref<1x20x1000xf32, #tpu.memory_space<vmem>> -> memref<20x1000xf32, #tpu.memory_space<vmem>>
    %dma_start3A_1051 = arith.constant 0 : i32
    %dma_start3A_1052 = tpu.memref_slice %arg5[%dma_start3A_1045, %dma_start3A_1051] : memref<32x20xi32, #tpu.memory_space<vmem>> -> memref<1x20xi32, #tpu.memory_space<vmem>>
    %dma_start3A_1053 = tpu.memref_squeeze %dma_start3A_1052 : memref<1x20xi32, #tpu.memory_space<vmem>> -> memref<20xi32, #tpu.memory_space<vmem>>
    %dma_start3A_1054 = arith.constant 0 : i32
    %dma_start3A_1055 = arith.constant 0 : i32
    %dma_start3A_1056 = tpu.memref_slice %arg7[%dma_start3A_1054, %dma_start3A_1055] : memref<1000x1000xf32, #tpu.memory_space<vmem_shared>> -> memref<1000x1000xf32, #tpu.memory_space<vmem_shared>>
    tpu.enqueue_indirect_dma source(%dma_start3A_1056 : memref<1000x1000xf32, #tpu.memory_space<vmem_shared>>) target(%dma_start3A_1050 : memref<20x1000xf32, #tpu.memory_space<vmem>>) offsets(%dma_start3A_1053 : memref<20xi32, #tpu.memory_space<vmem>>) semaphore(%arg8 : memref<!tpu.dma_semaphore, #tpu.memory_space<semaphore_mem>>)
    %dma_wait3A_1057 = arith.constant 19 : i32
    %dma_wait3A_1058 = arith.constant 1 : i32
    %dma_wait3A_1059 = arith.constant 0 : i32
    %dma_wait3A_1060 = arith.constant 0 : i32
    %dma_wait3A_1061 = tpu.memref_slice %arg6[%dma_wait3A_1058, %dma_wait3A_1059, %dma_wait3A_1060] : memref<2x20x1000xf32, #tpu.memory_space<vmem>> -> memref<1x20x1000xf32, #tpu.memory_space<vmem>>
    %dma_wait3A_1062 = tpu.memref_squeeze %dma_wait3A_1061 : memref<1x20x1000xf32, #tpu.memory_space<vmem>> -> memref<20x1000xf32, #tpu.memory_space<vmem>>
    %dma_wait3A_1063 = arith.constant 0 : i32
    %dma_wait3A_1064 = tpu.memref_slice %arg5[%dma_wait3A_1057, %dma_wait3A_1063] : memref<32x20xi32, #tpu.memory_space<vmem>> -> memref<1x20xi32, #tpu.memory_space<vmem>>
    %dma_wait3A_1065 = tpu.memref_squeeze %dma_wait3A_1064 : memref<1x20xi32, #tpu.memory_space<vmem>> -> memref<20xi32, #tpu.memory_space<vmem>>
    %dma_wait3A_1066 = arith.constant 0 : i32
    %dma_wait3A_1067 = arith.constant 0 : i32
    %dma_wait3A_1068 = tpu.memref_slice %arg7[%dma_wait3A_1066, %dma_wait3A_1067] : memref<1000x1000xf32, #tpu.memory_space<vmem_shared>> -> memref<1000x1000xf32, #tpu.memory_space<vmem_shared>>
    tpu.wait_indirect_dma semaphore(%arg9 : memref<!tpu.dma_semaphore, #tpu.memory_space<semaphore_mem>>) src(%dma_wait3A_1068 : memref<1000x1000xf32, #tpu.memory_space<vmem_shared>>) dst(%dma_wait3A_1062 : memref<20x1000xf32, #tpu.memory_space<vmem>>)
    %add3A_1069 = arith.constant 19 : i32
    %add3A_1070 = arith.addi %mul3A_2, %add3A_1069 : i32
    %mul3A_1071 = arith.constant 20 : i32
    %mul3A_1072 = arith.muli %add3A_1070, %mul3A_1071 : i32
    %dma_start3A_1073 = arith.constant 1 : i32
    %dma_start3A_1074 = arith.constant 0 : i32
    %dma_start3A_1075 = arith.constant 0 : i32
    %dma_start3A_1076 = tpu.memref_slice %arg6[%dma_start3A_1073, %dma_start3A_1074, %dma_start3A_1075] : memref<2x20x1000xf32, #tpu.memory_space<vmem>> -> memref<1x20x1000xf32, #tpu.memory_space<vmem>>
    %dma_start3A_1077 = tpu.memref_squeeze %dma_start3A_1076 : memref<1x20x1000xf32, #tpu.memory_space<vmem>> -> memref<20x1000xf32, #tpu.memory_space<vmem>>
    %dma_start3A_1078 = arith.constant 0 : i32
    %dma_start3A_1079 = tpu.memref_slice %arg4[%mul3A_1072, %dma_start3A_1078] : memref<20480x1000xf32, #tpu.memory_space<hbm>> -> memref<20x1000xf32, #tpu.memory_space<hbm>>
    %dma_start3A_1080 = arith.constant 0 : i32
    %dma_start3A_1081 = tpu.memref_slice %arg4[%mul3A_1072, %dma_start3A_1080] : memref<20480x1000xf32, #tpu.memory_space<hbm>> -> memref<20x1000xf32, #tpu.memory_space<hbm>>
    %dma_start3A_1082 = arith.constant 0 : i32
    %dma_start3A_1083 = arith.constant 0 : i32
    %dma_start3A_1084 = tpu.memref_slice %arg6[%dma_start3A_1073, %dma_start3A_1082, %dma_start3A_1083] : memref<2x20x1000xf32, #tpu.memory_space<vmem>> -> memref<1x20x1000xf32, #tpu.memory_space<vmem>>
    %dma_start3A_1085 = tpu.memref_squeeze %dma_start3A_1084 : memref<1x20x1000xf32, #tpu.memory_space<vmem>> -> memref<20x1000xf32, #tpu.memory_space<vmem>>
    tpu.enqueue_dma source(%dma_start3A_1085 : memref<20x1000xf32, #tpu.memory_space<vmem>>) target(%dma_start3A_1081 : memref<20x1000xf32, #tpu.memory_space<hbm>>) target_semaphore(%arg11 : memref<!tpu.dma_semaphore, #tpu.memory_space<semaphore_mem>>)
    %dma_wait3A_1086 = arith.constant 1 : i32
    %dma_wait3A_1087 = arith.constant 0 : i32
    %dma_wait3A_1088 = arith.constant 0 : i32
    %dma_wait3A_1089 = tpu.memref_slice %arg6[%dma_wait3A_1086, %dma_wait3A_1087, %dma_wait3A_1088] : memref<2x20x1000xf32, #tpu.memory_space<vmem>> -> memref<1x20x1000xf32, #tpu.memory_space<vmem>>
    %dma_wait3A_1090 = tpu.memref_squeeze %dma_wait3A_1089 : memref<1x20x1000xf32, #tpu.memory_space<vmem>> -> memref<20x1000xf32, #tpu.memory_space<vmem>>
    %dma_wait3A_1091 = arith.constant 0 : i32
    %dma_wait3A_1092 = tpu.memref_slice %arg4[%mul3A_1072, %dma_wait3A_1091] : memref<20480x1000xf32, #tpu.memory_space<hbm>> -> memref<20x1000xf32, #tpu.memory_space<hbm>>
    %dma_wait3A_1093 = arith.constant 0 : i32
    %dma_wait3A_1094 = tpu.memref_slice %arg4[%mul3A_1072, %dma_wait3A_1093] : memref<20480x1000xf32, #tpu.memory_space<hbm>> -> memref<20x1000xf32, #tpu.memory_space<hbm>>
    %dma_wait3A_1095 = arith.constant 0 : i32
    %dma_wait3A_1096 = arith.constant 0 : i32
    %dma_wait3A_1097 = tpu.memref_slice %arg6[%dma_wait3A_1086, %dma_wait3A_1095, %dma_wait3A_1096] : memref<2x20x1000xf32, #tpu.memory_space<vmem>> -> memref<1x20x1000xf32, #tpu.memory_space<vmem>>
    %dma_wait3A_1098 = tpu.memref_squeeze %dma_wait3A_1097 : memref<1x20x1000xf32, #tpu.memory_space<vmem>> -> memref<20x1000xf32, #tpu.memory_space<vmem>>
    tpu.wait_dma2 semaphore(%arg11 : memref<!tpu.dma_semaphore, #tpu.memory_space<semaphore_mem>>) src(%dma_wait3A_1098 : memref<20x1000xf32, #tpu.memory_space<vmem>>) dst(%dma_wait3A_1094 : memref<20x1000xf32, #tpu.memory_space<hbm>>)
    %dma_start3A_1099 = arith.constant 21 : i32
    %dma_start3A_1100 = arith.constant 1 : i32
    %dma_start3A_1101 = arith.constant 0 : i32
    %dma_start3A_1102 = arith.constant 0 : i32
    %dma_start3A_1103 = tpu.memref_slice %arg6[%dma_start3A_1100, %dma_start3A_1101, %dma_start3A_1102] : memref<2x20x1000xf32, #tpu.memory_space<vmem>> -> memref<1x20x1000xf32, #tpu.memory_space<vmem>>
    %dma_start3A_1104 = tpu.memref_squeeze %dma_start3A_1103 : memref<1x20x1000xf32, #tpu.memory_space<vmem>> -> memref<20x1000xf32, #tpu.memory_space<vmem>>
    %dma_start3A_1105 = arith.constant 0 : i32
    %dma_start3A_1106 = tpu.memref_slice %arg5[%dma_start3A_1099, %dma_start3A_1105] : memref<32x20xi32, #tpu.memory_space<vmem>> -> memref<1x20xi32, #tpu.memory_space<vmem>>
    %dma_start3A_1107 = tpu.memref_squeeze %dma_start3A_1106 : memref<1x20xi32, #tpu.memory_space<vmem>> -> memref<20xi32, #tpu.memory_space<vmem>>
    %dma_start3A_1108 = arith.constant 0 : i32
    %dma_start3A_1109 = arith.constant 0 : i32
    %dma_start3A_1110 = tpu.memref_slice %arg7[%dma_start3A_1108, %dma_start3A_1109] : memref<1000x1000xf32, #tpu.memory_space<vmem_shared>> -> memref<1000x1000xf32, #tpu.memory_space<vmem_shared>>
    tpu.enqueue_indirect_dma source(%dma_start3A_1110 : memref<1000x1000xf32, #tpu.memory_space<vmem_shared>>) target(%dma_start3A_1104 : memref<20x1000xf32, #tpu.memory_space<vmem>>) offsets(%dma_start3A_1107 : memref<20xi32, #tpu.memory_space<vmem>>) semaphore(%arg9 : memref<!tpu.dma_semaphore, #tpu.memory_space<semaphore_mem>>)
    %dma_wait3A_1111 = arith.constant 20 : i32
    %dma_wait3A_1112 = arith.constant 0 : i32
    %dma_wait3A_1113 = arith.constant 0 : i32
    %dma_wait3A_1114 = arith.constant 0 : i32
    %dma_wait3A_1115 = tpu.memref_slice %arg6[%dma_wait3A_1112, %dma_wait3A_1113, %dma_wait3A_1114] : memref<2x20x1000xf32, #tpu.memory_space<vmem>> -> memref<1x20x1000xf32, #tpu.memory_space<vmem>>
    %dma_wait3A_1116 = tpu.memref_squeeze %dma_wait3A_1115 : memref<1x20x1000xf32, #tpu.memory_space<vmem>> -> memref<20x1000xf32, #tpu.memory_space<vmem>>
    %dma_wait3A_1117 = arith.constant 0 : i32
    %dma_wait3A_1118 = tpu.memref_slice %arg5[%dma_wait3A_1111, %dma_wait3A_1117] : memref<32x20xi32, #tpu.memory_space<vmem>> -> memref<1x20xi32, #tpu.memory_space<vmem>>
    %dma_wait3A_1119 = tpu.memref_squeeze %dma_wait3A_1118 : memref<1x20xi32, #tpu.memory_space<vmem>> -> memref<20xi32, #tpu.memory_space<vmem>>
    %dma_wait3A_1120 = arith.constant 0 : i32
    %dma_wait3A_1121 = arith.constant 0 : i32
    %dma_wait3A_1122 = tpu.memref_slice %arg7[%dma_wait3A_1120, %dma_wait3A_1121] : memref<1000x1000xf32, #tpu.memory_space<vmem_shared>> -> memref<1000x1000xf32, #tpu.memory_space<vmem_shared>>
    tpu.wait_indirect_dma semaphore(%arg8 : memref<!tpu.dma_semaphore, #tpu.memory_space<semaphore_mem>>) src(%dma_wait3A_1122 : memref<1000x1000xf32, #tpu.memory_space<vmem_shared>>) dst(%dma_wait3A_1116 : memref<20x1000xf32, #tpu.memory_space<vmem>>)
    %add3A_1123 = arith.constant 20 : i32
    %add3A_1124 = arith.addi %mul3A_2, %add3A_1123 : i32
    %mul3A_1125 = arith.constant 20 : i32
    %mul3A_1126 = arith.muli %add3A_1124, %mul3A_1125 : i32
    %dma_start3A_1127 = arith.constant 0 : i32
    %dma_start3A_1128 = arith.constant 0 : i32
    %dma_start3A_1129 = arith.constant 0 : i32
    %dma_start3A_1130 = tpu.memref_slice %arg6[%dma_start3A_1127, %dma_start3A_1128, %dma_start3A_1129] : memref<2x20x1000xf32, #tpu.memory_space<vmem>> -> memref<1x20x1000xf32, #tpu.memory_space<vmem>>
    %dma_start3A_1131 = tpu.memref_squeeze %dma_start3A_1130 : memref<1x20x1000xf32, #tpu.memory_space<vmem>> -> memref<20x1000xf32, #tpu.memory_space<vmem>>
    %dma_start3A_1132 = arith.constant 0 : i32
    %dma_start3A_1133 = tpu.memref_slice %arg4[%mul3A_1126, %dma_start3A_1132] : memref<20480x1000xf32, #tpu.memory_space<hbm>> -> memref<20x1000xf32, #tpu.memory_space<hbm>>
    %dma_start3A_1134 = arith.constant 0 : i32
    %dma_start3A_1135 = tpu.memref_slice %arg4[%mul3A_1126, %dma_start3A_1134] : memref<20480x1000xf32, #tpu.memory_space<hbm>> -> memref<20x1000xf32, #tpu.memory_space<hbm>>
    %dma_start3A_1136 = arith.constant 0 : i32
    %dma_start3A_1137 = arith.constant 0 : i32
    %dma_start3A_1138 = tpu.memref_slice %arg6[%dma_start3A_1127, %dma_start3A_1136, %dma_start3A_1137] : memref<2x20x1000xf32, #tpu.memory_space<vmem>> -> memref<1x20x1000xf32, #tpu.memory_space<vmem>>
    %dma_start3A_1139 = tpu.memref_squeeze %dma_start3A_1138 : memref<1x20x1000xf32, #tpu.memory_space<vmem>> -> memref<20x1000xf32, #tpu.memory_space<vmem>>
    tpu.enqueue_dma source(%dma_start3A_1139 : memref<20x1000xf32, #tpu.memory_space<vmem>>) target(%dma_start3A_1135 : memref<20x1000xf32, #tpu.memory_space<hbm>>) target_semaphore(%arg10 : memref<!tpu.dma_semaphore, #tpu.memory_space<semaphore_mem>>)
    %dma_wait3A_1140 = arith.constant 0 : i32
    %dma_wait3A_1141 = arith.constant 0 : i32
    %dma_wait3A_1142 = arith.constant 0 : i32
    %dma_wait3A_1143 = tpu.memref_slice %arg6[%dma_wait3A_1140, %dma_wait3A_1141, %dma_wait3A_1142] : memref<2x20x1000xf32, #tpu.memory_space<vmem>> -> memref<1x20x1000xf32, #tpu.memory_space<vmem>>
    %dma_wait3A_1144 = tpu.memref_squeeze %dma_wait3A_1143 : memref<1x20x1000xf32, #tpu.memory_space<vmem>> -> memref<20x1000xf32, #tpu.memory_space<vmem>>
    %dma_wait3A_1145 = arith.constant 0 : i32
    %dma_wait3A_1146 = tpu.memref_slice %arg4[%mul3A_1126, %dma_wait3A_1145] : memref<20480x1000xf32, #tpu.memory_space<hbm>> -> memref<20x1000xf32, #tpu.memory_space<hbm>>
    %dma_wait3A_1147 = arith.constant 0 : i32
    %dma_wait3A_1148 = tpu.memref_slice %arg4[%mul3A_1126, %dma_wait3A_1147] : memref<20480x1000xf32, #tpu.memory_space<hbm>> -> memref<20x1000xf32, #tpu.memory_space<hbm>>
    %dma_wait3A_1149 = arith.constant 0 : i32
    %dma_wait3A_1150 = arith.constant 0 : i32
    %dma_wait3A_1151 = tpu.memref_slice %arg6[%dma_wait3A_1140, %dma_wait3A_1149, %dma_wait3A_1150] : memref<2x20x1000xf32, #tpu.memory_space<vmem>> -> memref<1x20x1000xf32, #tpu.memory_space<vmem>>
    %dma_wait3A_1152 = tpu.memref_squeeze %dma_wait3A_1151 : memref<1x20x1000xf32, #tpu.memory_space<vmem>> -> memref<20x1000xf32, #tpu.memory_space<vmem>>
    tpu.wait_dma2 semaphore(%arg10 : memref<!tpu.dma_semaphore, #tpu.memory_space<semaphore_mem>>) src(%dma_wait3A_1152 : memref<20x1000xf32, #tpu.memory_space<vmem>>) dst(%dma_wait3A_1148 : memref<20x1000xf32, #tpu.memory_space<hbm>>)
    %dma_start3A_1153 = arith.constant 22 : i32
    %dma_start3A_1154 = arith.constant 0 : i32
    %dma_start3A_1155 = arith.constant 0 : i32
    %dma_start3A_1156 = arith.constant 0 : i32
    %dma_start3A_1157 = tpu.memref_slice %arg6[%dma_start3A_1154, %dma_start3A_1155, %dma_start3A_1156] : memref<2x20x1000xf32, #tpu.memory_space<vmem>> -> memref<1x20x1000xf32, #tpu.memory_space<vmem>>
    %dma_start3A_1158 = tpu.memref_squeeze %dma_start3A_1157 : memref<1x20x1000xf32, #tpu.memory_space<vmem>> -> memref<20x1000xf32, #tpu.memory_space<vmem>>
    %dma_start3A_1159 = arith.constant 0 : i32
    %dma_start3A_1160 = tpu.memref_slice %arg5[%dma_start3A_1153, %dma_start3A_1159] : memref<32x20xi32, #tpu.memory_space<vmem>> -> memref<1x20xi32, #tpu.memory_space<vmem>>
    %dma_start3A_1161 = tpu.memref_squeeze %dma_start3A_1160 : memref<1x20xi32, #tpu.memory_space<vmem>> -> memref<20xi32, #tpu.memory_space<vmem>>
    %dma_start3A_1162 = arith.constant 0 : i32
    %dma_start3A_1163 = arith.constant 0 : i32
    %dma_start3A_1164 = tpu.memref_slice %arg7[%dma_start3A_1162, %dma_start3A_1163] : memref<1000x1000xf32, #tpu.memory_space<vmem_shared>> -> memref<1000x1000xf32, #tpu.memory_space<vmem_shared>>
    tpu.enqueue_indirect_dma source(%dma_start3A_1164 : memref<1000x1000xf32, #tpu.memory_space<vmem_shared>>) target(%dma_start3A_1158 : memref<20x1000xf32, #tpu.memory_space<vmem>>) offsets(%dma_start3A_1161 : memref<20xi32, #tpu.memory_space<vmem>>) semaphore(%arg8 : memref<!tpu.dma_semaphore, #tpu.memory_space<semaphore_mem>>)
    %dma_wait3A_1165 = arith.constant 21 : i32
    %dma_wait3A_1166 = arith.constant 1 : i32
    %dma_wait3A_1167 = arith.constant 0 : i32
    %dma_wait3A_1168 = arith.constant 0 : i32
    %dma_wait3A_1169 = tpu.memref_slice %arg6[%dma_wait3A_1166, %dma_wait3A_1167, %dma_wait3A_1168] : memref<2x20x1000xf32, #tpu.memory_space<vmem>> -> memref<1x20x1000xf32, #tpu.memory_space<vmem>>
    %dma_wait3A_1170 = tpu.memref_squeeze %dma_wait3A_1169 : memref<1x20x1000xf32, #tpu.memory_space<vmem>> -> memref<20x1000xf32, #tpu.memory_space<vmem>>
    %dma_wait3A_1171 = arith.constant 0 : i32
    %dma_wait3A_1172 = tpu.memref_slice %arg5[%dma_wait3A_1165, %dma_wait3A_1171] : memref<32x20xi32, #tpu.memory_space<vmem>> -> memref<1x20xi32, #tpu.memory_space<vmem>>
    %dma_wait3A_1173 = tpu.memref_squeeze %dma_wait3A_1172 : memref<1x20xi32, #tpu.memory_space<vmem>> -> memref<20xi32, #tpu.memory_space<vmem>>
    %dma_wait3A_1174 = arith.constant 0 : i32
    %dma_wait3A_1175 = arith.constant 0 : i32
    %dma_wait3A_1176 = tpu.memref_slice %arg7[%dma_wait3A_1174, %dma_wait3A_1175] : memref<1000x1000xf32, #tpu.memory_space<vmem_shared>> -> memref<1000x1000xf32, #tpu.memory_space<vmem_shared>>
    tpu.wait_indirect_dma semaphore(%arg9 : memref<!tpu.dma_semaphore, #tpu.memory_space<semaphore_mem>>) src(%dma_wait3A_1176 : memref<1000x1000xf32, #tpu.memory_space<vmem_shared>>) dst(%dma_wait3A_1170 : memref<20x1000xf32, #tpu.memory_space<vmem>>)
    %add3A_1177 = arith.constant 21 : i32
    %add3A_1178 = arith.addi %mul3A_2, %add3A_1177 : i32
    %mul3A_1179 = arith.constant 20 : i32
    %mul3A_1180 = arith.muli %add3A_1178, %mul3A_1179 : i32
    %dma_start3A_1181 = arith.constant 1 : i32
    %dma_start3A_1182 = arith.constant 0 : i32
    %dma_start3A_1183 = arith.constant 0 : i32
    %dma_start3A_1184 = tpu.memref_slice %arg6[%dma_start3A_1181, %dma_start3A_1182, %dma_start3A_1183] : memref<2x20x1000xf32, #tpu.memory_space<vmem>> -> memref<1x20x1000xf32, #tpu.memory_space<vmem>>
    %dma_start3A_1185 = tpu.memref_squeeze %dma_start3A_1184 : memref<1x20x1000xf32, #tpu.memory_space<vmem>> -> memref<20x1000xf32, #tpu.memory_space<vmem>>
    %dma_start3A_1186 = arith.constant 0 : i32
    %dma_start3A_1187 = tpu.memref_slice %arg4[%mul3A_1180, %dma_start3A_1186] : memref<20480x1000xf32, #tpu.memory_space<hbm>> -> memref<20x1000xf32, #tpu.memory_space<hbm>>
    %dma_start3A_1188 = arith.constant 0 : i32
    %dma_start3A_1189 = tpu.memref_slice %arg4[%mul3A_1180, %dma_start3A_1188] : memref<20480x1000xf32, #tpu.memory_space<hbm>> -> memref<20x1000xf32, #tpu.memory_space<hbm>>
    %dma_start3A_1190 = arith.constant 0 : i32
    %dma_start3A_1191 = arith.constant 0 : i32
    %dma_start3A_1192 = tpu.memref_slice %arg6[%dma_start3A_1181, %dma_start3A_1190, %dma_start3A_1191] : memref<2x20x1000xf32, #tpu.memory_space<vmem>> -> memref<1x20x1000xf32, #tpu.memory_space<vmem>>
    %dma_start3A_1193 = tpu.memref_squeeze %dma_start3A_1192 : memref<1x20x1000xf32, #tpu.memory_space<vmem>> -> memref<20x1000xf32, #tpu.memory_space<vmem>>
    tpu.enqueue_dma source(%dma_start3A_1193 : memref<20x1000xf32, #tpu.memory_space<vmem>>) target(%dma_start3A_1189 : memref<20x1000xf32, #tpu.memory_space<hbm>>) target_semaphore(%arg11 : memref<!tpu.dma_semaphore, #tpu.memory_space<semaphore_mem>>)
    %dma_wait3A_1194 = arith.constant 1 : i32
    %dma_wait3A_1195 = arith.constant 0 : i32
    %dma_wait3A_1196 = arith.constant 0 : i32
    %dma_wait3A_1197 = tpu.memref_slice %arg6[%dma_wait3A_1194, %dma_wait3A_1195, %dma_wait3A_1196] : memref<2x20x1000xf32, #tpu.memory_space<vmem>> -> memref<1x20x1000xf32, #tpu.memory_space<vmem>>
    %dma_wait3A_1198 = tpu.memref_squeeze %dma_wait3A_1197 : memref<1x20x1000xf32, #tpu.memory_space<vmem>> -> memref<20x1000xf32, #tpu.memory_space<vmem>>
    %dma_wait3A_1199 = arith.constant 0 : i32
    %dma_wait3A_1200 = tpu.memref_slice %arg4[%mul3A_1180, %dma_wait3A_1199] : memref<20480x1000xf32, #tpu.memory_space<hbm>> -> memref<20x1000xf32, #tpu.memory_space<hbm>>
    %dma_wait3A_1201 = arith.constant 0 : i32
    %dma_wait3A_1202 = tpu.memref_slice %arg4[%mul3A_1180, %dma_wait3A_1201] : memref<20480x1000xf32, #tpu.memory_space<hbm>> -> memref<20x1000xf32, #tpu.memory_space<hbm>>
    %dma_wait3A_1203 = arith.constant 0 : i32
    %dma_wait3A_1204 = arith.constant 0 : i32
    %dma_wait3A_1205 = tpu.memref_slice %arg6[%dma_wait3A_1194, %dma_wait3A_1203, %dma_wait3A_1204] : memref<2x20x1000xf32, #tpu.memory_space<vmem>> -> memref<1x20x1000xf32, #tpu.memory_space<vmem>>
    %dma_wait3A_1206 = tpu.memref_squeeze %dma_wait3A_1205 : memref<1x20x1000xf32, #tpu.memory_space<vmem>> -> memref<20x1000xf32, #tpu.memory_space<vmem>>
    tpu.wait_dma2 semaphore(%arg11 : memref<!tpu.dma_semaphore, #tpu.memory_space<semaphore_mem>>) src(%dma_wait3A_1206 : memref<20x1000xf32, #tpu.memory_space<vmem>>) dst(%dma_wait3A_1202 : memref<20x1000xf32, #tpu.memory_space<hbm>>)
    %dma_start3A_1207 = arith.constant 23 : i32
    %dma_start3A_1208 = arith.constant 1 : i32
    %dma_start3A_1209 = arith.constant 0 : i32
    %dma_start3A_1210 = arith.constant 0 : i32
    %dma_start3A_1211 = tpu.memref_slice %arg6[%dma_start3A_1208, %dma_start3A_1209, %dma_start3A_1210] : memref<2x20x1000xf32, #tpu.memory_space<vmem>> -> memref<1x20x1000xf32, #tpu.memory_space<vmem>>
    %dma_start3A_1212 = tpu.memref_squeeze %dma_start3A_1211 : memref<1x20x1000xf32, #tpu.memory_space<vmem>> -> memref<20x1000xf32, #tpu.memory_space<vmem>>
    %dma_start3A_1213 = arith.constant 0 : i32
    %dma_start3A_1214 = tpu.memref_slice %arg5[%dma_start3A_1207, %dma_start3A_1213] : memref<32x20xi32, #tpu.memory_space<vmem>> -> memref<1x20xi32, #tpu.memory_space<vmem>>
    %dma_start3A_1215 = tpu.memref_squeeze %dma_start3A_1214 : memref<1x20xi32, #tpu.memory_space<vmem>> -> memref<20xi32, #tpu.memory_space<vmem>>
    %dma_start3A_1216 = arith.constant 0 : i32
    %dma_start3A_1217 = arith.constant 0 : i32
    %dma_start3A_1218 = tpu.memref_slice %arg7[%dma_start3A_1216, %dma_start3A_1217] : memref<1000x1000xf32, #tpu.memory_space<vmem_shared>> -> memref<1000x1000xf32, #tpu.memory_space<vmem_shared>>
    tpu.enqueue_indirect_dma source(%dma_start3A_1218 : memref<1000x1000xf32, #tpu.memory_space<vmem_shared>>) target(%dma_start3A_1212 : memref<20x1000xf32, #tpu.memory_space<vmem>>) offsets(%dma_start3A_1215 : memref<20xi32, #tpu.memory_space<vmem>>) semaphore(%arg9 : memref<!tpu.dma_semaphore, #tpu.memory_space<semaphore_mem>>)
    %dma_wait3A_1219 = arith.constant 22 : i32
    %dma_wait3A_1220 = arith.constant 0 : i32
    %dma_wait3A_1221 = arith.constant 0 : i32
    %dma_wait3A_1222 = arith.constant 0 : i32
    %dma_wait3A_1223 = tpu.memref_slice %arg6[%dma_wait3A_1220, %dma_wait3A_1221, %dma_wait3A_1222] : memref<2x20x1000xf32, #tpu.memory_space<vmem>> -> memref<1x20x1000xf32, #tpu.memory_space<vmem>>
    %dma_wait3A_1224 = tpu.memref_squeeze %dma_wait3A_1223 : memref<1x20x1000xf32, #tpu.memory_space<vmem>> -> memref<20x1000xf32, #tpu.memory_space<vmem>>
    %dma_wait3A_1225 = arith.constant 0 : i32
    %dma_wait3A_1226 = tpu.memref_slice %arg5[%dma_wait3A_1219, %dma_wait3A_1225] : memref<32x20xi32, #tpu.memory_space<vmem>> -> memref<1x20xi32, #tpu.memory_space<vmem>>
    %dma_wait3A_1227 = tpu.memref_squeeze %dma_wait3A_1226 : memref<1x20xi32, #tpu.memory_space<vmem>> -> memref<20xi32, #tpu.memory_space<vmem>>
    %dma_wait3A_1228 = arith.constant 0 : i32
    %dma_wait3A_1229 = arith.constant 0 : i32
    %dma_wait3A_1230 = tpu.memref_slice %arg7[%dma_wait3A_1228, %dma_wait3A_1229] : memref<1000x1000xf32, #tpu.memory_space<vmem_shared>> -> memref<1000x1000xf32, #tpu.memory_space<vmem_shared>>
    tpu.wait_indirect_dma semaphore(%arg8 : memref<!tpu.dma_semaphore, #tpu.memory_space<semaphore_mem>>) src(%dma_wait3A_1230 : memref<1000x1000xf32, #tpu.memory_space<vmem_shared>>) dst(%dma_wait3A_1224 : memref<20x1000xf32, #tpu.memory_space<vmem>>)
    %add3A_1231 = arith.constant 22 : i32
    %add3A_1232 = arith.addi %mul3A_2, %add3A_1231 : i32
    %mul3A_1233 = arith.constant 20 : i32
    %mul3A_1234 = arith.muli %add3A_1232, %mul3A_1233 : i32
    %dma_start3A_1235 = arith.constant 0 : i32
    %dma_start3A_1236 = arith.constant 0 : i32
    %dma_start3A_1237 = arith.constant 0 : i32
    %dma_start3A_1238 = tpu.memref_slice %arg6[%dma_start3A_1235, %dma_start3A_1236, %dma_start3A_1237] : memref<2x20x1000xf32, #tpu.memory_space<vmem>> -> memref<1x20x1000xf32, #tpu.memory_space<vmem>>
    %dma_start3A_1239 = tpu.memref_squeeze %dma_start3A_1238 : memref<1x20x1000xf32, #tpu.memory_space<vmem>> -> memref<20x1000xf32, #tpu.memory_space<vmem>>
    %dma_start3A_1240 = arith.constant 0 : i32
    %dma_start3A_1241 = tpu.memref_slice %arg4[%mul3A_1234, %dma_start3A_1240] : memref<20480x1000xf32, #tpu.memory_space<hbm>> -> memref<20x1000xf32, #tpu.memory_space<hbm>>
    %dma_start3A_1242 = arith.constant 0 : i32
    %dma_start3A_1243 = tpu.memref_slice %arg4[%mul3A_1234, %dma_start3A_1242] : memref<20480x1000xf32, #tpu.memory_space<hbm>> -> memref<20x1000xf32, #tpu.memory_space<hbm>>
    %dma_start3A_1244 = arith.constant 0 : i32
    %dma_start3A_1245 = arith.constant 0 : i32
    %dma_start3A_1246 = tpu.memref_slice %arg6[%dma_start3A_1235, %dma_start3A_1244, %dma_start3A_1245] : memref<2x20x1000xf32, #tpu.memory_space<vmem>> -> memref<1x20x1000xf32, #tpu.memory_space<vmem>>
    %dma_start3A_1247 = tpu.memref_squeeze %dma_start3A_1246 : memref<1x20x1000xf32, #tpu.memory_space<vmem>> -> memref<20x1000xf32, #tpu.memory_space<vmem>>
    tpu.enqueue_dma source(%dma_start3A_1247 : memref<20x1000xf32, #tpu.memory_space<vmem>>) target(%dma_start3A_1243 : memref<20x1000xf32, #tpu.memory_space<hbm>>) target_semaphore(%arg10 : memref<!tpu.dma_semaphore, #tpu.memory_space<semaphore_mem>>)
    %dma_wait3A_1248 = arith.constant 0 : i32
    %dma_wait3A_1249 = arith.constant 0 : i32
    %dma_wait3A_1250 = arith.constant 0 : i32
    %dma_wait3A_1251 = tpu.memref_slice %arg6[%dma_wait3A_1248, %dma_wait3A_1249, %dma_wait3A_1250] : memref<2x20x1000xf32, #tpu.memory_space<vmem>> -> memref<1x20x1000xf32, #tpu.memory_space<vmem>>
    %dma_wait3A_1252 = tpu.memref_squeeze %dma_wait3A_1251 : memref<1x20x1000xf32, #tpu.memory_space<vmem>> -> memref<20x1000xf32, #tpu.memory_space<vmem>>
    %dma_wait3A_1253 = arith.constant 0 : i32
    %dma_wait3A_1254 = tpu.memref_slice %arg4[%mul3A_1234, %dma_wait3A_1253] : memref<20480x1000xf32, #tpu.memory_space<hbm>> -> memref<20x1000xf32, #tpu.memory_space<hbm>>
    %dma_wait3A_1255 = arith.constant 0 : i32
    %dma_wait3A_1256 = tpu.memref_slice %arg4[%mul3A_1234, %dma_wait3A_1255] : memref<20480x1000xf32, #tpu.memory_space<hbm>> -> memref<20x1000xf32, #tpu.memory_space<hbm>>
    %dma_wait3A_1257 = arith.constant 0 : i32
    %dma_wait3A_1258 = arith.constant 0 : i32
    %dma_wait3A_1259 = tpu.memref_slice %arg6[%dma_wait3A_1248, %dma_wait3A_1257, %dma_wait3A_1258] : memref<2x20x1000xf32, #tpu.memory_space<vmem>> -> memref<1x20x1000xf32, #tpu.memory_space<vmem>>
    %dma_wait3A_1260 = tpu.memref_squeeze %dma_wait3A_1259 : memref<1x20x1000xf32, #tpu.memory_space<vmem>> -> memref<20x1000xf32, #tpu.memory_space<vmem>>
    tpu.wait_dma2 semaphore(%arg10 : memref<!tpu.dma_semaphore, #tpu.memory_space<semaphore_mem>>) src(%dma_wait3A_1260 : memref<20x1000xf32, #tpu.memory_space<vmem>>) dst(%dma_wait3A_1256 : memref<20x1000xf32, #tpu.memory_space<hbm>>)
    %dma_start3A_1261 = arith.constant 24 : i32
    %dma_start3A_1262 = arith.constant 0 : i32
    %dma_start3A_1263 = arith.constant 0 : i32
    %dma_start3A_1264 = arith.constant 0 : i32
    %dma_start3A_1265 = tpu.memref_slice %arg6[%dma_start3A_1262, %dma_start3A_1263, %dma_start3A_1264] : memref<2x20x1000xf32, #tpu.memory_space<vmem>> -> memref<1x20x1000xf32, #tpu.memory_space<vmem>>
    %dma_start3A_1266 = tpu.memref_squeeze %dma_start3A_1265 : memref<1x20x1000xf32, #tpu.memory_space<vmem>> -> memref<20x1000xf32, #tpu.memory_space<vmem>>
    %dma_start3A_1267 = arith.constant 0 : i32
    %dma_start3A_1268 = tpu.memref_slice %arg5[%dma_start3A_1261, %dma_start3A_1267] : memref<32x20xi32, #tpu.memory_space<vmem>> -> memref<1x20xi32, #tpu.memory_space<vmem>>
    %dma_start3A_1269 = tpu.memref_squeeze %dma_start3A_1268 : memref<1x20xi32, #tpu.memory_space<vmem>> -> memref<20xi32, #tpu.memory_space<vmem>>
    %dma_start3A_1270 = arith.constant 0 : i32
    %dma_start3A_1271 = arith.constant 0 : i32
    %dma_start3A_1272 = tpu.memref_slice %arg7[%dma_start3A_1270, %dma_start3A_1271] : memref<1000x1000xf32, #tpu.memory_space<vmem_shared>> -> memref<1000x1000xf32, #tpu.memory_space<vmem_shared>>
    tpu.enqueue_indirect_dma source(%dma_start3A_1272 : memref<1000x1000xf32, #tpu.memory_space<vmem_shared>>) target(%dma_start3A_1266 : memref<20x1000xf32, #tpu.memory_space<vmem>>) offsets(%dma_start3A_1269 : memref<20xi32, #tpu.memory_space<vmem>>) semaphore(%arg8 : memref<!tpu.dma_semaphore, #tpu.memory_space<semaphore_mem>>)
    %dma_wait3A_1273 = arith.constant 23 : i32
    %dma_wait3A_1274 = arith.constant 1 : i32
    %dma_wait3A_1275 = arith.constant 0 : i32
    %dma_wait3A_1276 = arith.constant 0 : i32
    %dma_wait3A_1277 = tpu.memref_slice %arg6[%dma_wait3A_1274, %dma_wait3A_1275, %dma_wait3A_1276] : memref<2x20x1000xf32, #tpu.memory_space<vmem>> -> memref<1x20x1000xf32, #tpu.memory_space<vmem>>
    %dma_wait3A_1278 = tpu.memref_squeeze %dma_wait3A_1277 : memref<1x20x1000xf32, #tpu.memory_space<vmem>> -> memref<20x1000xf32, #tpu.memory_space<vmem>>
    %dma_wait3A_1279 = arith.constant 0 : i32
    %dma_wait3A_1280 = tpu.memref_slice %arg5[%dma_wait3A_1273, %dma_wait3A_1279] : memref<32x20xi32, #tpu.memory_space<vmem>> -> memref<1x20xi32, #tpu.memory_space<vmem>>
    %dma_wait3A_1281 = tpu.memref_squeeze %dma_wait3A_1280 : memref<1x20xi32, #tpu.memory_space<vmem>> -> memref<20xi32, #tpu.memory_space<vmem>>
    %dma_wait3A_1282 = arith.constant 0 : i32
    %dma_wait3A_1283 = arith.constant 0 : i32
    %dma_wait3A_1284 = tpu.memref_slice %arg7[%dma_wait3A_1282, %dma_wait3A_1283] : memref<1000x1000xf32, #tpu.memory_space<vmem_shared>> -> memref<1000x1000xf32, #tpu.memory_space<vmem_shared>>
    tpu.wait_indirect_dma semaphore(%arg9 : memref<!tpu.dma_semaphore, #tpu.memory_space<semaphore_mem>>) src(%dma_wait3A_1284 : memref<1000x1000xf32, #tpu.memory_space<vmem_shared>>) dst(%dma_wait3A_1278 : memref<20x1000xf32, #tpu.memory_space<vmem>>)
    %add3A_1285 = arith.constant 23 : i32
    %add3A_1286 = arith.addi %mul3A_2, %add3A_1285 : i32
    %mul3A_1287 = arith.constant 20 : i32
    %mul3A_1288 = arith.muli %add3A_1286, %mul3A_1287 : i32
    %dma_start3A_1289 = arith.constant 1 : i32
    %dma_start3A_1290 = arith.constant 0 : i32
    %dma_start3A_1291 = arith.constant 0 : i32
    %dma_start3A_1292 = tpu.memref_slice %arg6[%dma_start3A_1289, %dma_start3A_1290, %dma_start3A_1291] : memref<2x20x1000xf32, #tpu.memory_space<vmem>> -> memref<1x20x1000xf32, #tpu.memory_space<vmem>>
    %dma_start3A_1293 = tpu.memref_squeeze %dma_start3A_1292 : memref<1x20x1000xf32, #tpu.memory_space<vmem>> -> memref<20x1000xf32, #tpu.memory_space<vmem>>
    %dma_start3A_1294 = arith.constant 0 : i32
    %dma_start3A_1295 = tpu.memref_slice %arg4[%mul3A_1288, %dma_start3A_1294] : memref<20480x1000xf32, #tpu.memory_space<hbm>> -> memref<20x1000xf32, #tpu.memory_space<hbm>>
    %dma_start3A_1296 = arith.constant 0 : i32
    %dma_start3A_1297 = tpu.memref_slice %arg4[%mul3A_1288, %dma_start3A_1296] : memref<20480x1000xf32, #tpu.memory_space<hbm>> -> memref<20x1000xf32, #tpu.memory_space<hbm>>
    %dma_start3A_1298 = arith.constant 0 : i32
    %dma_start3A_1299 = arith.constant 0 : i32
    %dma_start3A_1300 = tpu.memref_slice %arg6[%dma_start3A_1289, %dma_start3A_1298, %dma_start3A_1299] : memref<2x20x1000xf32, #tpu.memory_space<vmem>> -> memref<1x20x1000xf32, #tpu.memory_space<vmem>>
    %dma_start3A_1301 = tpu.memref_squeeze %dma_start3A_1300 : memref<1x20x1000xf32, #tpu.memory_space<vmem>> -> memref<20x1000xf32, #tpu.memory_space<vmem>>
    tpu.enqueue_dma source(%dma_start3A_1301 : memref<20x1000xf32, #tpu.memory_space<vmem>>) target(%dma_start3A_1297 : memref<20x1000xf32, #tpu.memory_space<hbm>>) target_semaphore(%arg11 : memref<!tpu.dma_semaphore, #tpu.memory_space<semaphore_mem>>)
    %dma_wait3A_1302 = arith.constant 1 : i32
    %dma_wait3A_1303 = arith.constant 0 : i32
    %dma_wait3A_1304 = arith.constant 0 : i32
    %dma_wait3A_1305 = tpu.memref_slice %arg6[%dma_wait3A_1302, %dma_wait3A_1303, %dma_wait3A_1304] : memref<2x20x1000xf32, #tpu.memory_space<vmem>> -> memref<1x20x1000xf32, #tpu.memory_space<vmem>>
    %dma_wait3A_1306 = tpu.memref_squeeze %dma_wait3A_1305 : memref<1x20x1000xf32, #tpu.memory_space<vmem>> -> memref<20x1000xf32, #tpu.memory_space<vmem>>
    %dma_wait3A_1307 = arith.constant 0 : i32
    %dma_wait3A_1308 = tpu.memref_slice %arg4[%mul3A_1288, %dma_wait3A_1307] : memref<20480x1000xf32, #tpu.memory_space<hbm>> -> memref<20x1000xf32, #tpu.memory_space<hbm>>
    %dma_wait3A_1309 = arith.constant 0 : i32
    %dma_wait3A_1310 = tpu.memref_slice %arg4[%mul3A_1288, %dma_wait3A_1309] : memref<20480x1000xf32, #tpu.memory_space<hbm>> -> memref<20x1000xf32, #tpu.memory_space<hbm>>
    %dma_wait3A_1311 = arith.constant 0 : i32
    %dma_wait3A_1312 = arith.constant 0 : i32
    %dma_wait3A_1313 = tpu.memref_slice %arg6[%dma_wait3A_1302, %dma_wait3A_1311, %dma_wait3A_1312] : memref<2x20x1000xf32, #tpu.memory_space<vmem>> -> memref<1x20x1000xf32, #tpu.memory_space<vmem>>
    %dma_wait3A_1314 = tpu.memref_squeeze %dma_wait3A_1313 : memref<1x20x1000xf32, #tpu.memory_space<vmem>> -> memref<20x1000xf32, #tpu.memory_space<vmem>>
    tpu.wait_dma2 semaphore(%arg11 : memref<!tpu.dma_semaphore, #tpu.memory_space<semaphore_mem>>) src(%dma_wait3A_1314 : memref<20x1000xf32, #tpu.memory_space<vmem>>) dst(%dma_wait3A_1310 : memref<20x1000xf32, #tpu.memory_space<hbm>>)
    %dma_start3A_1315 = arith.constant 25 : i32
    %dma_start3A_1316 = arith.constant 1 : i32
    %dma_start3A_1317 = arith.constant 0 : i32
    %dma_start3A_1318 = arith.constant 0 : i32
    %dma_start3A_1319 = tpu.memref_slice %arg6[%dma_start3A_1316, %dma_start3A_1317, %dma_start3A_1318] : memref<2x20x1000xf32, #tpu.memory_space<vmem>> -> memref<1x20x1000xf32, #tpu.memory_space<vmem>>
    %dma_start3A_1320 = tpu.memref_squeeze %dma_start3A_1319 : memref<1x20x1000xf32, #tpu.memory_space<vmem>> -> memref<20x1000xf32, #tpu.memory_space<vmem>>
    %dma_start3A_1321 = arith.constant 0 : i32
    %dma_start3A_1322 = tpu.memref_slice %arg5[%dma_start3A_1315, %dma_start3A_1321] : memref<32x20xi32, #tpu.memory_space<vmem>> -> memref<1x20xi32, #tpu.memory_space<vmem>>
    %dma_start3A_1323 = tpu.memref_squeeze %dma_start3A_1322 : memref<1x20xi32, #tpu.memory_space<vmem>> -> memref<20xi32, #tpu.memory_space<vmem>>
    %dma_start3A_1324 = arith.constant 0 : i32
    %dma_start3A_1325 = arith.constant 0 : i32
    %dma_start3A_1326 = tpu.memref_slice %arg7[%dma_start3A_1324, %dma_start3A_1325] : memref<1000x1000xf32, #tpu.memory_space<vmem_shared>> -> memref<1000x1000xf32, #tpu.memory_space<vmem_shared>>
    tpu.enqueue_indirect_dma source(%dma_start3A_1326 : memref<1000x1000xf32, #tpu.memory_space<vmem_shared>>) target(%dma_start3A_1320 : memref<20x1000xf32, #tpu.memory_space<vmem>>) offsets(%dma_start3A_1323 : memref<20xi32, #tpu.memory_space<vmem>>) semaphore(%arg9 : memref<!tpu.dma_semaphore, #tpu.memory_space<semaphore_mem>>)
    %dma_wait3A_1327 = arith.constant 24 : i32
    %dma_wait3A_1328 = arith.constant 0 : i32
    %dma_wait3A_1329 = arith.constant 0 : i32
    %dma_wait3A_1330 = arith.constant 0 : i32
    %dma_wait3A_1331 = tpu.memref_slice %arg6[%dma_wait3A_1328, %dma_wait3A_1329, %dma_wait3A_1330] : memref<2x20x1000xf32, #tpu.memory_space<vmem>> -> memref<1x20x1000xf32, #tpu.memory_space<vmem>>
    %dma_wait3A_1332 = tpu.memref_squeeze %dma_wait3A_1331 : memref<1x20x1000xf32, #tpu.memory_space<vmem>> -> memref<20x1000xf32, #tpu.memory_space<vmem>>
    %dma_wait3A_1333 = arith.constant 0 : i32
    %dma_wait3A_1334 = tpu.memref_slice %arg5[%dma_wait3A_1327, %dma_wait3A_1333] : memref<32x20xi32, #tpu.memory_space<vmem>> -> memref<1x20xi32, #tpu.memory_space<vmem>>
    %dma_wait3A_1335 = tpu.memref_squeeze %dma_wait3A_1334 : memref<1x20xi32, #tpu.memory_space<vmem>> -> memref<20xi32, #tpu.memory_space<vmem>>
    %dma_wait3A_1336 = arith.constant 0 : i32
    %dma_wait3A_1337 = arith.constant 0 : i32
    %dma_wait3A_1338 = tpu.memref_slice %arg7[%dma_wait3A_1336, %dma_wait3A_1337] : memref<1000x1000xf32, #tpu.memory_space<vmem_shared>> -> memref<1000x1000xf32, #tpu.memory_space<vmem_shared>>
    tpu.wait_indirect_dma semaphore(%arg8 : memref<!tpu.dma_semaphore, #tpu.memory_space<semaphore_mem>>) src(%dma_wait3A_1338 : memref<1000x1000xf32, #tpu.memory_space<vmem_shared>>) dst(%dma_wait3A_1332 : memref<20x1000xf32, #tpu.memory_space<vmem>>)
    %add3A_1339 = arith.constant 24 : i32
    %add3A_1340 = arith.addi %mul3A_2, %add3A_1339 : i32
    %mul3A_1341 = arith.constant 20 : i32
    %mul3A_1342 = arith.muli %add3A_1340, %mul3A_1341 : i32
    %dma_start3A_1343 = arith.constant 0 : i32
    %dma_start3A_1344 = arith.constant 0 : i32
    %dma_start3A_1345 = arith.constant 0 : i32
    %dma_start3A_1346 = tpu.memref_slice %arg6[%dma_start3A_1343, %dma_start3A_1344, %dma_start3A_1345] : memref<2x20x1000xf32, #tpu.memory_space<vmem>> -> memref<1x20x1000xf32, #tpu.memory_space<vmem>>
    %dma_start3A_1347 = tpu.memref_squeeze %dma_start3A_1346 : memref<1x20x1000xf32, #tpu.memory_space<vmem>> -> memref<20x1000xf32, #tpu.memory_space<vmem>>
    %dma_start3A_1348 = arith.constant 0 : i32
    %dma_start3A_1349 = tpu.memref_slice %arg4[%mul3A_1342, %dma_start3A_1348] : memref<20480x1000xf32, #tpu.memory_space<hbm>> -> memref<20x1000xf32, #tpu.memory_space<hbm>>
    %dma_start3A_1350 = arith.constant 0 : i32
    %dma_start3A_1351 = tpu.memref_slice %arg4[%mul3A_1342, %dma_start3A_1350] : memref<20480x1000xf32, #tpu.memory_space<hbm>> -> memref<20x1000xf32, #tpu.memory_space<hbm>>
    %dma_start3A_1352 = arith.constant 0 : i32
    %dma_start3A_1353 = arith.constant 0 : i32
    %dma_start3A_1354 = tpu.memref_slice %arg6[%dma_start3A_1343, %dma_start3A_1352, %dma_start3A_1353] : memref<2x20x1000xf32, #tpu.memory_space<vmem>> -> memref<1x20x1000xf32, #tpu.memory_space<vmem>>
    %dma_start3A_1355 = tpu.memref_squeeze %dma_start3A_1354 : memref<1x20x1000xf32, #tpu.memory_space<vmem>> -> memref<20x1000xf32, #tpu.memory_space<vmem>>
    tpu.enqueue_dma source(%dma_start3A_1355 : memref<20x1000xf32, #tpu.memory_space<vmem>>) target(%dma_start3A_1351 : memref<20x1000xf32, #tpu.memory_space<hbm>>) target_semaphore(%arg10 : memref<!tpu.dma_semaphore, #tpu.memory_space<semaphore_mem>>)
    %dma_wait3A_1356 = arith.constant 0 : i32
    %dma_wait3A_1357 = arith.constant 0 : i32
    %dma_wait3A_1358 = arith.constant 0 : i32
    %dma_wait3A_1359 = tpu.memref_slice %arg6[%dma_wait3A_1356, %dma_wait3A_1357, %dma_wait3A_1358] : memref<2x20x1000xf32, #tpu.memory_space<vmem>> -> memref<1x20x1000xf32, #tpu.memory_space<vmem>>
    %dma_wait3A_1360 = tpu.memref_squeeze %dma_wait3A_1359 : memref<1x20x1000xf32, #tpu.memory_space<vmem>> -> memref<20x1000xf32, #tpu.memory_space<vmem>>
    %dma_wait3A_1361 = arith.constant 0 : i32
    %dma_wait3A_1362 = tpu.memref_slice %arg4[%mul3A_1342, %dma_wait3A_1361] : memref<20480x1000xf32, #tpu.memory_space<hbm>> -> memref<20x1000xf32, #tpu.memory_space<hbm>>
    %dma_wait3A_1363 = arith.constant 0 : i32
    %dma_wait3A_1364 = tpu.memref_slice %arg4[%mul3A_1342, %dma_wait3A_1363] : memref<20480x1000xf32, #tpu.memory_space<hbm>> -> memref<20x1000xf32, #tpu.memory_space<hbm>>
    %dma_wait3A_1365 = arith.constant 0 : i32
    %dma_wait3A_1366 = arith.constant 0 : i32
    %dma_wait3A_1367 = tpu.memref_slice %arg6[%dma_wait3A_1356, %dma_wait3A_1365, %dma_wait3A_1366] : memref<2x20x1000xf32, #tpu.memory_space<vmem>> -> memref<1x20x1000xf32, #tpu.memory_space<vmem>>
    %dma_wait3A_1368 = tpu.memref_squeeze %dma_wait3A_1367 : memref<1x20x1000xf32, #tpu.memory_space<vmem>> -> memref<20x1000xf32, #tpu.memory_space<vmem>>
    tpu.wait_dma2 semaphore(%arg10 : memref<!tpu.dma_semaphore, #tpu.memory_space<semaphore_mem>>) src(%dma_wait3A_1368 : memref<20x1000xf32, #tpu.memory_space<vmem>>) dst(%dma_wait3A_1364 : memref<20x1000xf32, #tpu.memory_space<hbm>>)
    %dma_start3A_1369 = arith.constant 26 : i32
    %dma_start3A_1370 = arith.constant 0 : i32
    %dma_start3A_1371 = arith.constant 0 : i32
    %dma_start3A_1372 = arith.constant 0 : i32
    %dma_start3A_1373 = tpu.memref_slice %arg6[%dma_start3A_1370, %dma_start3A_1371, %dma_start3A_1372] : memref<2x20x1000xf32, #tpu.memory_space<vmem>> -> memref<1x20x1000xf32, #tpu.memory_space<vmem>>
    %dma_start3A_1374 = tpu.memref_squeeze %dma_start3A_1373 : memref<1x20x1000xf32, #tpu.memory_space<vmem>> -> memref<20x1000xf32, #tpu.memory_space<vmem>>
    %dma_start3A_1375 = arith.constant 0 : i32
    %dma_start3A_1376 = tpu.memref_slice %arg5[%dma_start3A_1369, %dma_start3A_1375] : memref<32x20xi32, #tpu.memory_space<vmem>> -> memref<1x20xi32, #tpu.memory_space<vmem>>
    %dma_start3A_1377 = tpu.memref_squeeze %dma_start3A_1376 : memref<1x20xi32, #tpu.memory_space<vmem>> -> memref<20xi32, #tpu.memory_space<vmem>>
    %dma_start3A_1378 = arith.constant 0 : i32
    %dma_start3A_1379 = arith.constant 0 : i32
    %dma_start3A_1380 = tpu.memref_slice %arg7[%dma_start3A_1378, %dma_start3A_1379] : memref<1000x1000xf32, #tpu.memory_space<vmem_shared>> -> memref<1000x1000xf32, #tpu.memory_space<vmem_shared>>
    tpu.enqueue_indirect_dma source(%dma_start3A_1380 : memref<1000x1000xf32, #tpu.memory_space<vmem_shared>>) target(%dma_start3A_1374 : memref<20x1000xf32, #tpu.memory_space<vmem>>) offsets(%dma_start3A_1377 : memref<20xi32, #tpu.memory_space<vmem>>) semaphore(%arg8 : memref<!tpu.dma_semaphore, #tpu.memory_space<semaphore_mem>>)
    %dma_wait3A_1381 = arith.constant 25 : i32
    %dma_wait3A_1382 = arith.constant 1 : i32
    %dma_wait3A_1383 = arith.constant 0 : i32
    %dma_wait3A_1384 = arith.constant 0 : i32
    %dma_wait3A_1385 = tpu.memref_slice %arg6[%dma_wait3A_1382, %dma_wait3A_1383, %dma_wait3A_1384] : memref<2x20x1000xf32, #tpu.memory_space<vmem>> -> memref<1x20x1000xf32, #tpu.memory_space<vmem>>
    %dma_wait3A_1386 = tpu.memref_squeeze %dma_wait3A_1385 : memref<1x20x1000xf32, #tpu.memory_space<vmem>> -> memref<20x1000xf32, #tpu.memory_space<vmem>>
    %dma_wait3A_1387 = arith.constant 0 : i32
    %dma_wait3A_1388 = tpu.memref_slice %arg5[%dma_wait3A_1381, %dma_wait3A_1387] : memref<32x20xi32, #tpu.memory_space<vmem>> -> memref<1x20xi32, #tpu.memory_space<vmem>>
    %dma_wait3A_1389 = tpu.memref_squeeze %dma_wait3A_1388 : memref<1x20xi32, #tpu.memory_space<vmem>> -> memref<20xi32, #tpu.memory_space<vmem>>
    %dma_wait3A_1390 = arith.constant 0 : i32
    %dma_wait3A_1391 = arith.constant 0 : i32
    %dma_wait3A_1392 = tpu.memref_slice %arg7[%dma_wait3A_1390, %dma_wait3A_1391] : memref<1000x1000xf32, #tpu.memory_space<vmem_shared>> -> memref<1000x1000xf32, #tpu.memory_space<vmem_shared>>
    tpu.wait_indirect_dma semaphore(%arg9 : memref<!tpu.dma_semaphore, #tpu.memory_space<semaphore_mem>>) src(%dma_wait3A_1392 : memref<1000x1000xf32, #tpu.memory_space<vmem_shared>>) dst(%dma_wait3A_1386 : memref<20x1000xf32, #tpu.memory_space<vmem>>)
    %add3A_1393 = arith.constant 25 : i32
    %add3A_1394 = arith.addi %mul3A_2, %add3A_1393 : i32
    %mul3A_1395 = arith.constant 20 : i32
    %mul3A_1396 = arith.muli %add3A_1394, %mul3A_1395 : i32
    %dma_start3A_1397 = arith.constant 1 : i32
    %dma_start3A_1398 = arith.constant 0 : i32
    %dma_start3A_1399 = arith.constant 0 : i32
    %dma_start3A_1400 = tpu.memref_slice %arg6[%dma_start3A_1397, %dma_start3A_1398, %dma_start3A_1399] : memref<2x20x1000xf32, #tpu.memory_space<vmem>> -> memref<1x20x1000xf32, #tpu.memory_space<vmem>>
    %dma_start3A_1401 = tpu.memref_squeeze %dma_start3A_1400 : memref<1x20x1000xf32, #tpu.memory_space<vmem>> -> memref<20x1000xf32, #tpu.memory_space<vmem>>
    %dma_start3A_1402 = arith.constant 0 : i32
    %dma_start3A_1403 = tpu.memref_slice %arg4[%mul3A_1396, %dma_start3A_1402] : memref<20480x1000xf32, #tpu.memory_space<hbm>> -> memref<20x1000xf32, #tpu.memory_space<hbm>>
    %dma_start3A_1404 = arith.constant 0 : i32
    %dma_start3A_1405 = tpu.memref_slice %arg4[%mul3A_1396, %dma_start3A_1404] : memref<20480x1000xf32, #tpu.memory_space<hbm>> -> memref<20x1000xf32, #tpu.memory_space<hbm>>
    %dma_start3A_1406 = arith.constant 0 : i32
    %dma_start3A_1407 = arith.constant 0 : i32
    %dma_start3A_1408 = tpu.memref_slice %arg6[%dma_start3A_1397, %dma_start3A_1406, %dma_start3A_1407] : memref<2x20x1000xf32, #tpu.memory_space<vmem>> -> memref<1x20x1000xf32, #tpu.memory_space<vmem>>
    %dma_start3A_1409 = tpu.memref_squeeze %dma_start3A_1408 : memref<1x20x1000xf32, #tpu.memory_space<vmem>> -> memref<20x1000xf32, #tpu.memory_space<vmem>>
    tpu.enqueue_dma source(%dma_start3A_1409 : memref<20x1000xf32, #tpu.memory_space<vmem>>) target(%dma_start3A_1405 : memref<20x1000xf32, #tpu.memory_space<hbm>>) target_semaphore(%arg11 : memref<!tpu.dma_semaphore, #tpu.memory_space<semaphore_mem>>)
    %dma_wait3A_1410 = arith.constant 1 : i32
    %dma_wait3A_1411 = arith.constant 0 : i32
    %dma_wait3A_1412 = arith.constant 0 : i32
    %dma_wait3A_1413 = tpu.memref_slice %arg6[%dma_wait3A_1410, %dma_wait3A_1411, %dma_wait3A_1412] : memref<2x20x1000xf32, #tpu.memory_space<vmem>> -> memref<1x20x1000xf32, #tpu.memory_space<vmem>>
    %dma_wait3A_1414 = tpu.memref_squeeze %dma_wait3A_1413 : memref<1x20x1000xf32, #tpu.memory_space<vmem>> -> memref<20x1000xf32, #tpu.memory_space<vmem>>
    %dma_wait3A_1415 = arith.constant 0 : i32
    %dma_wait3A_1416 = tpu.memref_slice %arg4[%mul3A_1396, %dma_wait3A_1415] : memref<20480x1000xf32, #tpu.memory_space<hbm>> -> memref<20x1000xf32, #tpu.memory_space<hbm>>
    %dma_wait3A_1417 = arith.constant 0 : i32
    %dma_wait3A_1418 = tpu.memref_slice %arg4[%mul3A_1396, %dma_wait3A_1417] : memref<20480x1000xf32, #tpu.memory_space<hbm>> -> memref<20x1000xf32, #tpu.memory_space<hbm>>
    %dma_wait3A_1419 = arith.constant 0 : i32
    %dma_wait3A_1420 = arith.constant 0 : i32
    %dma_wait3A_1421 = tpu.memref_slice %arg6[%dma_wait3A_1410, %dma_wait3A_1419, %dma_wait3A_1420] : memref<2x20x1000xf32, #tpu.memory_space<vmem>> -> memref<1x20x1000xf32, #tpu.memory_space<vmem>>
    %dma_wait3A_1422 = tpu.memref_squeeze %dma_wait3A_1421 : memref<1x20x1000xf32, #tpu.memory_space<vmem>> -> memref<20x1000xf32, #tpu.memory_space<vmem>>
    tpu.wait_dma2 semaphore(%arg11 : memref<!tpu.dma_semaphore, #tpu.memory_space<semaphore_mem>>) src(%dma_wait3A_1422 : memref<20x1000xf32, #tpu.memory_space<vmem>>) dst(%dma_wait3A_1418 : memref<20x1000xf32, #tpu.memory_space<hbm>>)
    %dma_start3A_1423 = arith.constant 27 : i32
    %dma_start3A_1424 = arith.constant 1 : i32
    %dma_start3A_1425 = arith.constant 0 : i32
    %dma_start3A_1426 = arith.constant 0 : i32
    %dma_start3A_1427 = tpu.memref_slice %arg6[%dma_start3A_1424, %dma_start3A_1425, %dma_start3A_1426] : memref<2x20x1000xf32, #tpu.memory_space<vmem>> -> memref<1x20x1000xf32, #tpu.memory_space<vmem>>
    %dma_start3A_1428 = tpu.memref_squeeze %dma_start3A_1427 : memref<1x20x1000xf32, #tpu.memory_space<vmem>> -> memref<20x1000xf32, #tpu.memory_space<vmem>>
    %dma_start3A_1429 = arith.constant 0 : i32
    %dma_start3A_1430 = tpu.memref_slice %arg5[%dma_start3A_1423, %dma_start3A_1429] : memref<32x20xi32, #tpu.memory_space<vmem>> -> memref<1x20xi32, #tpu.memory_space<vmem>>
    %dma_start3A_1431 = tpu.memref_squeeze %dma_start3A_1430 : memref<1x20xi32, #tpu.memory_space<vmem>> -> memref<20xi32, #tpu.memory_space<vmem>>
    %dma_start3A_1432 = arith.constant 0 : i32
    %dma_start3A_1433 = arith.constant 0 : i32
    %dma_start3A_1434 = tpu.memref_slice %arg7[%dma_start3A_1432, %dma_start3A_1433] : memref<1000x1000xf32, #tpu.memory_space<vmem_shared>> -> memref<1000x1000xf32, #tpu.memory_space<vmem_shared>>
    tpu.enqueue_indirect_dma source(%dma_start3A_1434 : memref<1000x1000xf32, #tpu.memory_space<vmem_shared>>) target(%dma_start3A_1428 : memref<20x1000xf32, #tpu.memory_space<vmem>>) offsets(%dma_start3A_1431 : memref<20xi32, #tpu.memory_space<vmem>>) semaphore(%arg9 : memref<!tpu.dma_semaphore, #tpu.memory_space<semaphore_mem>>)
    %dma_wait3A_1435 = arith.constant 26 : i32
    %dma_wait3A_1436 = arith.constant 0 : i32
    %dma_wait3A_1437 = arith.constant 0 : i32
    %dma_wait3A_1438 = arith.constant 0 : i32
    %dma_wait3A_1439 = tpu.memref_slice %arg6[%dma_wait3A_1436, %dma_wait3A_1437, %dma_wait3A_1438] : memref<2x20x1000xf32, #tpu.memory_space<vmem>> -> memref<1x20x1000xf32, #tpu.memory_space<vmem>>
    %dma_wait3A_1440 = tpu.memref_squeeze %dma_wait3A_1439 : memref<1x20x1000xf32, #tpu.memory_space<vmem>> -> memref<20x1000xf32, #tpu.memory_space<vmem>>
    %dma_wait3A_1441 = arith.constant 0 : i32
    %dma_wait3A_1442 = tpu.memref_slice %arg5[%dma_wait3A_1435, %dma_wait3A_1441] : memref<32x20xi32, #tpu.memory_space<vmem>> -> memref<1x20xi32, #tpu.memory_space<vmem>>
    %dma_wait3A_1443 = tpu.memref_squeeze %dma_wait3A_1442 : memref<1x20xi32, #tpu.memory_space<vmem>> -> memref<20xi32, #tpu.memory_space<vmem>>
    %dma_wait3A_1444 = arith.constant 0 : i32
    %dma_wait3A_1445 = arith.constant 0 : i32
    %dma_wait3A_1446 = tpu.memref_slice %arg7[%dma_wait3A_1444, %dma_wait3A_1445] : memref<1000x1000xf32, #tpu.memory_space<vmem_shared>> -> memref<1000x1000xf32, #tpu.memory_space<vmem_shared>>
    tpu.wait_indirect_dma semaphore(%arg8 : memref<!tpu.dma_semaphore, #tpu.memory_space<semaphore_mem>>) src(%dma_wait3A_1446 : memref<1000x1000xf32, #tpu.memory_space<vmem_shared>>) dst(%dma_wait3A_1440 : memref<20x1000xf32, #tpu.memory_space<vmem>>)
    %add3A_1447 = arith.constant 26 : i32
    %add3A_1448 = arith.addi %mul3A_2, %add3A_1447 : i32
    %mul3A_1449 = arith.constant 20 : i32
    %mul3A_1450 = arith.muli %add3A_1448, %mul3A_1449 : i32
    %dma_start3A_1451 = arith.constant 0 : i32
    %dma_start3A_1452 = arith.constant 0 : i32
    %dma_start3A_1453 = arith.constant 0 : i32
    %dma_start3A_1454 = tpu.memref_slice %arg6[%dma_start3A_1451, %dma_start3A_1452, %dma_start3A_1453] : memref<2x20x1000xf32, #tpu.memory_space<vmem>> -> memref<1x20x1000xf32, #tpu.memory_space<vmem>>
    %dma_start3A_1455 = tpu.memref_squeeze %dma_start3A_1454 : memref<1x20x1000xf32, #tpu.memory_space<vmem>> -> memref<20x1000xf32, #tpu.memory_space<vmem>>
    %dma_start3A_1456 = arith.constant 0 : i32
    %dma_start3A_1457 = tpu.memref_slice %arg4[%mul3A_1450, %dma_start3A_1456] : memref<20480x1000xf32, #tpu.memory_space<hbm>> -> memref<20x1000xf32, #tpu.memory_space<hbm>>
    %dma_start3A_1458 = arith.constant 0 : i32
    %dma_start3A_1459 = tpu.memref_slice %arg4[%mul3A_1450, %dma_start3A_1458] : memref<20480x1000xf32, #tpu.memory_space<hbm>> -> memref<20x1000xf32, #tpu.memory_space<hbm>>
    %dma_start3A_1460 = arith.constant 0 : i32
    %dma_start3A_1461 = arith.constant 0 : i32
    %dma_start3A_1462 = tpu.memref_slice %arg6[%dma_start3A_1451, %dma_start3A_1460, %dma_start3A_1461] : memref<2x20x1000xf32, #tpu.memory_space<vmem>> -> memref<1x20x1000xf32, #tpu.memory_space<vmem>>
    %dma_start3A_1463 = tpu.memref_squeeze %dma_start3A_1462 : memref<1x20x1000xf32, #tpu.memory_space<vmem>> -> memref<20x1000xf32, #tpu.memory_space<vmem>>
    tpu.enqueue_dma source(%dma_start3A_1463 : memref<20x1000xf32, #tpu.memory_space<vmem>>) target(%dma_start3A_1459 : memref<20x1000xf32, #tpu.memory_space<hbm>>) target_semaphore(%arg10 : memref<!tpu.dma_semaphore, #tpu.memory_space<semaphore_mem>>)
    %dma_wait3A_1464 = arith.constant 0 : i32
    %dma_wait3A_1465 = arith.constant 0 : i32
    %dma_wait3A_1466 = arith.constant 0 : i32
    %dma_wait3A_1467 = tpu.memref_slice %arg6[%dma_wait3A_1464, %dma_wait3A_1465, %dma_wait3A_1466] : memref<2x20x1000xf32, #tpu.memory_space<vmem>> -> memref<1x20x1000xf32, #tpu.memory_space<vmem>>
    %dma_wait3A_1468 = tpu.memref_squeeze %dma_wait3A_1467 : memref<1x20x1000xf32, #tpu.memory_space<vmem>> -> memref<20x1000xf32, #tpu.memory_space<vmem>>
    %dma_wait3A_1469 = arith.constant 0 : i32
    %dma_wait3A_1470 = tpu.memref_slice %arg4[%mul3A_1450, %dma_wait3A_1469] : memref<20480x1000xf32, #tpu.memory_space<hbm>> -> memref<20x1000xf32, #tpu.memory_space<hbm>>
    %dma_wait3A_1471 = arith.constant 0 : i32
    %dma_wait3A_1472 = tpu.memref_slice %arg4[%mul3A_1450, %dma_wait3A_1471] : memref<20480x1000xf32, #tpu.memory_space<hbm>> -> memref<20x1000xf32, #tpu.memory_space<hbm>>
    %dma_wait3A_1473 = arith.constant 0 : i32
    %dma_wait3A_1474 = arith.constant 0 : i32
    %dma_wait3A_1475 = tpu.memref_slice %arg6[%dma_wait3A_1464, %dma_wait3A_1473, %dma_wait3A_1474] : memref<2x20x1000xf32, #tpu.memory_space<vmem>> -> memref<1x20x1000xf32, #tpu.memory_space<vmem>>
    %dma_wait3A_1476 = tpu.memref_squeeze %dma_wait3A_1475 : memref<1x20x1000xf32, #tpu.memory_space<vmem>> -> memref<20x1000xf32, #tpu.memory_space<vmem>>
    tpu.wait_dma2 semaphore(%arg10 : memref<!tpu.dma_semaphore, #tpu.memory_space<semaphore_mem>>) src(%dma_wait3A_1476 : memref<20x1000xf32, #tpu.memory_space<vmem>>) dst(%dma_wait3A_1472 : memref<20x1000xf32, #tpu.memory_space<hbm>>)
    %dma_start3A_1477 = arith.constant 28 : i32
    %dma_start3A_1478 = arith.constant 0 : i32
    %dma_start3A_1479 = arith.constant 0 : i32
    %dma_start3A_1480 = arith.constant 0 : i32
    %dma_start3A_1481 = tpu.memref_slice %arg6[%dma_start3A_1478, %dma_start3A_1479, %dma_start3A_1480] : memref<2x20x1000xf32, #tpu.memory_space<vmem>> -> memref<1x20x1000xf32, #tpu.memory_space<vmem>>
    %dma_start3A_1482 = tpu.memref_squeeze %dma_start3A_1481 : memref<1x20x1000xf32, #tpu.memory_space<vmem>> -> memref<20x1000xf32, #tpu.memory_space<vmem>>
    %dma_start3A_1483 = arith.constant 0 : i32
    %dma_start3A_1484 = tpu.memref_slice %arg5[%dma_start3A_1477, %dma_start3A_1483] : memref<32x20xi32, #tpu.memory_space<vmem>> -> memref<1x20xi32, #tpu.memory_space<vmem>>
    %dma_start3A_1485 = tpu.memref_squeeze %dma_start3A_1484 : memref<1x20xi32, #tpu.memory_space<vmem>> -> memref<20xi32, #tpu.memory_space<vmem>>
    %dma_start3A_1486 = arith.constant 0 : i32
    %dma_start3A_1487 = arith.constant 0 : i32
    %dma_start3A_1488 = tpu.memref_slice %arg7[%dma_start3A_1486, %dma_start3A_1487] : memref<1000x1000xf32, #tpu.memory_space<vmem_shared>> -> memref<1000x1000xf32, #tpu.memory_space<vmem_shared>>
    tpu.enqueue_indirect_dma source(%dma_start3A_1488 : memref<1000x1000xf32, #tpu.memory_space<vmem_shared>>) target(%dma_start3A_1482 : memref<20x1000xf32, #tpu.memory_space<vmem>>) offsets(%dma_start3A_1485 : memref<20xi32, #tpu.memory_space<vmem>>) semaphore(%arg8 : memref<!tpu.dma_semaphore, #tpu.memory_space<semaphore_mem>>)
    %dma_wait3A_1489 = arith.constant 27 : i32
    %dma_wait3A_1490 = arith.constant 1 : i32
    %dma_wait3A_1491 = arith.constant 0 : i32
    %dma_wait3A_1492 = arith.constant 0 : i32
    %dma_wait3A_1493 = tpu.memref_slice %arg6[%dma_wait3A_1490, %dma_wait3A_1491, %dma_wait3A_1492] : memref<2x20x1000xf32, #tpu.memory_space<vmem>> -> memref<1x20x1000xf32, #tpu.memory_space<vmem>>
    %dma_wait3A_1494 = tpu.memref_squeeze %dma_wait3A_1493 : memref<1x20x1000xf32, #tpu.memory_space<vmem>> -> memref<20x1000xf32, #tpu.memory_space<vmem>>
    %dma_wait3A_1495 = arith.constant 0 : i32
    %dma_wait3A_1496 = tpu.memref_slice %arg5[%dma_wait3A_1489, %dma_wait3A_1495] : memref<32x20xi32, #tpu.memory_space<vmem>> -> memref<1x20xi32, #tpu.memory_space<vmem>>
    %dma_wait3A_1497 = tpu.memref_squeeze %dma_wait3A_1496 : memref<1x20xi32, #tpu.memory_space<vmem>> -> memref<20xi32, #tpu.memory_space<vmem>>
    %dma_wait3A_1498 = arith.constant 0 : i32
    %dma_wait3A_1499 = arith.constant 0 : i32
    %dma_wait3A_1500 = tpu.memref_slice %arg7[%dma_wait3A_1498, %dma_wait3A_1499] : memref<1000x1000xf32, #tpu.memory_space<vmem_shared>> -> memref<1000x1000xf32, #tpu.memory_space<vmem_shared>>
    tpu.wait_indirect_dma semaphore(%arg9 : memref<!tpu.dma_semaphore, #tpu.memory_space<semaphore_mem>>) src(%dma_wait3A_1500 : memref<1000x1000xf32, #tpu.memory_space<vmem_shared>>) dst(%dma_wait3A_1494 : memref<20x1000xf32, #tpu.memory_space<vmem>>)
    %add3A_1501 = arith.constant 27 : i32
    %add3A_1502 = arith.addi %mul3A_2, %add3A_1501 : i32
    %mul3A_1503 = arith.constant 20 : i32
    %mul3A_1504 = arith.muli %add3A_1502, %mul3A_1503 : i32
    %dma_start3A_1505 = arith.constant 1 : i32
    %dma_start3A_1506 = arith.constant 0 : i32
    %dma_start3A_1507 = arith.constant 0 : i32
    %dma_start3A_1508 = tpu.memref_slice %arg6[%dma_start3A_1505, %dma_start3A_1506, %dma_start3A_1507] : memref<2x20x1000xf32, #tpu.memory_space<vmem>> -> memref<1x20x1000xf32, #tpu.memory_space<vmem>>
    %dma_start3A_1509 = tpu.memref_squeeze %dma_start3A_1508 : memref<1x20x1000xf32, #tpu.memory_space<vmem>> -> memref<20x1000xf32, #tpu.memory_space<vmem>>
    %dma_start3A_1510 = arith.constant 0 : i32
    %dma_start3A_1511 = tpu.memref_slice %arg4[%mul3A_1504, %dma_start3A_1510] : memref<20480x1000xf32, #tpu.memory_space<hbm>> -> memref<20x1000xf32, #tpu.memory_space<hbm>>
    %dma_start3A_1512 = arith.constant 0 : i32
    %dma_start3A_1513 = tpu.memref_slice %arg4[%mul3A_1504, %dma_start3A_1512] : memref<20480x1000xf32, #tpu.memory_space<hbm>> -> memref<20x1000xf32, #tpu.memory_space<hbm>>
    %dma_start3A_1514 = arith.constant 0 : i32
    %dma_start3A_1515 = arith.constant 0 : i32
    %dma_start3A_1516 = tpu.memref_slice %arg6[%dma_start3A_1505, %dma_start3A_1514, %dma_start3A_1515] : memref<2x20x1000xf32, #tpu.memory_space<vmem>> -> memref<1x20x1000xf32, #tpu.memory_space<vmem>>
    %dma_start3A_1517 = tpu.memref_squeeze %dma_start3A_1516 : memref<1x20x1000xf32, #tpu.memory_space<vmem>> -> memref<20x1000xf32, #tpu.memory_space<vmem>>
    tpu.enqueue_dma source(%dma_start3A_1517 : memref<20x1000xf32, #tpu.memory_space<vmem>>) target(%dma_start3A_1513 : memref<20x1000xf32, #tpu.memory_space<hbm>>) target_semaphore(%arg11 : memref<!tpu.dma_semaphore, #tpu.memory_space<semaphore_mem>>)
    %dma_wait3A_1518 = arith.constant 1 : i32
    %dma_wait3A_1519 = arith.constant 0 : i32
    %dma_wait3A_1520 = arith.constant 0 : i32
    %dma_wait3A_1521 = tpu.memref_slice %arg6[%dma_wait3A_1518, %dma_wait3A_1519, %dma_wait3A_1520] : memref<2x20x1000xf32, #tpu.memory_space<vmem>> -> memref<1x20x1000xf32, #tpu.memory_space<vmem>>
    %dma_wait3A_1522 = tpu.memref_squeeze %dma_wait3A_1521 : memref<1x20x1000xf32, #tpu.memory_space<vmem>> -> memref<20x1000xf32, #tpu.memory_space<vmem>>
    %dma_wait3A_1523 = arith.constant 0 : i32
    %dma_wait3A_1524 = tpu.memref_slice %arg4[%mul3A_1504, %dma_wait3A_1523] : memref<20480x1000xf32, #tpu.memory_space<hbm>> -> memref<20x1000xf32, #tpu.memory_space<hbm>>
    %dma_wait3A_1525 = arith.constant 0 : i32
    %dma_wait3A_1526 = tpu.memref_slice %arg4[%mul3A_1504, %dma_wait3A_1525] : memref<20480x1000xf32, #tpu.memory_space<hbm>> -> memref<20x1000xf32, #tpu.memory_space<hbm>>
    %dma_wait3A_1527 = arith.constant 0 : i32
    %dma_wait3A_1528 = arith.constant 0 : i32
    %dma_wait3A_1529 = tpu.memref_slice %arg6[%dma_wait3A_1518, %dma_wait3A_1527, %dma_wait3A_1528] : memref<2x20x1000xf32, #tpu.memory_space<vmem>> -> memref<1x20x1000xf32, #tpu.memory_space<vmem>>
    %dma_wait3A_1530 = tpu.memref_squeeze %dma_wait3A_1529 : memref<1x20x1000xf32, #tpu.memory_space<vmem>> -> memref<20x1000xf32, #tpu.memory_space<vmem>>
    tpu.wait_dma2 semaphore(%arg11 : memref<!tpu.dma_semaphore, #tpu.memory_space<semaphore_mem>>) src(%dma_wait3A_1530 : memref<20x1000xf32, #tpu.memory_space<vmem>>) dst(%dma_wait3A_1526 : memref<20x1000xf32, #tpu.memory_space<hbm>>)
    %dma_start3A_1531 = arith.constant 29 : i32
    %dma_start3A_1532 = arith.constant 1 : i32
    %dma_start3A_1533 = arith.constant 0 : i32
    %dma_start3A_1534 = arith.constant 0 : i32
    %dma_start3A_1535 = tpu.memref_slice %arg6[%dma_start3A_1532, %dma_start3A_1533, %dma_start3A_1534] : memref<2x20x1000xf32, #tpu.memory_space<vmem>> -> memref<1x20x1000xf32, #tpu.memory_space<vmem>>
    %dma_start3A_1536 = tpu.memref_squeeze %dma_start3A_1535 : memref<1x20x1000xf32, #tpu.memory_space<vmem>> -> memref<20x1000xf32, #tpu.memory_space<vmem>>
    %dma_start3A_1537 = arith.constant 0 : i32
    %dma_start3A_1538 = tpu.memref_slice %arg5[%dma_start3A_1531, %dma_start3A_1537] : memref<32x20xi32, #tpu.memory_space<vmem>> -> memref<1x20xi32, #tpu.memory_space<vmem>>
    %dma_start3A_1539 = tpu.memref_squeeze %dma_start3A_1538 : memref<1x20xi32, #tpu.memory_space<vmem>> -> memref<20xi32, #tpu.memory_space<vmem>>
    %dma_start3A_1540 = arith.constant 0 : i32
    %dma_start3A_1541 = arith.constant 0 : i32
    %dma_start3A_1542 = tpu.memref_slice %arg7[%dma_start3A_1540, %dma_start3A_1541] : memref<1000x1000xf32, #tpu.memory_space<vmem_shared>> -> memref<1000x1000xf32, #tpu.memory_space<vmem_shared>>
    tpu.enqueue_indirect_dma source(%dma_start3A_1542 : memref<1000x1000xf32, #tpu.memory_space<vmem_shared>>) target(%dma_start3A_1536 : memref<20x1000xf32, #tpu.memory_space<vmem>>) offsets(%dma_start3A_1539 : memref<20xi32, #tpu.memory_space<vmem>>) semaphore(%arg9 : memref<!tpu.dma_semaphore, #tpu.memory_space<semaphore_mem>>)
    %dma_wait3A_1543 = arith.constant 28 : i32
    %dma_wait3A_1544 = arith.constant 0 : i32
    %dma_wait3A_1545 = arith.constant 0 : i32
    %dma_wait3A_1546 = arith.constant 0 : i32
    %dma_wait3A_1547 = tpu.memref_slice %arg6[%dma_wait3A_1544, %dma_wait3A_1545, %dma_wait3A_1546] : memref<2x20x1000xf32, #tpu.memory_space<vmem>> -> memref<1x20x1000xf32, #tpu.memory_space<vmem>>
    %dma_wait3A_1548 = tpu.memref_squeeze %dma_wait3A_1547 : memref<1x20x1000xf32, #tpu.memory_space<vmem>> -> memref<20x1000xf32, #tpu.memory_space<vmem>>
    %dma_wait3A_1549 = arith.constant 0 : i32
    %dma_wait3A_1550 = tpu.memref_slice %arg5[%dma_wait3A_1543, %dma_wait3A_1549] : memref<32x20xi32, #tpu.memory_space<vmem>> -> memref<1x20xi32, #tpu.memory_space<vmem>>
    %dma_wait3A_1551 = tpu.memref_squeeze %dma_wait3A_1550 : memref<1x20xi32, #tpu.memory_space<vmem>> -> memref<20xi32, #tpu.memory_space<vmem>>
    %dma_wait3A_1552 = arith.constant 0 : i32
    %dma_wait3A_1553 = arith.constant 0 : i32
    %dma_wait3A_1554 = tpu.memref_slice %arg7[%dma_wait3A_1552, %dma_wait3A_1553] : memref<1000x1000xf32, #tpu.memory_space<vmem_shared>> -> memref<1000x1000xf32, #tpu.memory_space<vmem_shared>>
    tpu.wait_indirect_dma semaphore(%arg8 : memref<!tpu.dma_semaphore, #tpu.memory_space<semaphore_mem>>) src(%dma_wait3A_1554 : memref<1000x1000xf32, #tpu.memory_space<vmem_shared>>) dst(%dma_wait3A_1548 : memref<20x1000xf32, #tpu.memory_space<vmem>>)
    %add3A_1555 = arith.constant 28 : i32
    %add3A_1556 = arith.addi %mul3A_2, %add3A_1555 : i32
    %mul3A_1557 = arith.constant 20 : i32
    %mul3A_1558 = arith.muli %add3A_1556, %mul3A_1557 : i32
    %dma_start3A_1559 = arith.constant 0 : i32
    %dma_start3A_1560 = arith.constant 0 : i32
    %dma_start3A_1561 = arith.constant 0 : i32
    %dma_start3A_1562 = tpu.memref_slice %arg6[%dma_start3A_1559, %dma_start3A_1560, %dma_start3A_1561] : memref<2x20x1000xf32, #tpu.memory_space<vmem>> -> memref<1x20x1000xf32, #tpu.memory_space<vmem>>
    %dma_start3A_1563 = tpu.memref_squeeze %dma_start3A_1562 : memref<1x20x1000xf32, #tpu.memory_space<vmem>> -> memref<20x1000xf32, #tpu.memory_space<vmem>>
    %dma_start3A_1564 = arith.constant 0 : i32
    %dma_start3A_1565 = tpu.memref_slice %arg4[%mul3A_1558, %dma_start3A_1564] : memref<20480x1000xf32, #tpu.memory_space<hbm>> -> memref<20x1000xf32, #tpu.memory_space<hbm>>
    %dma_start3A_1566 = arith.constant 0 : i32
    %dma_start3A_1567 = tpu.memref_slice %arg4[%mul3A_1558, %dma_start3A_1566] : memref<20480x1000xf32, #tpu.memory_space<hbm>> -> memref<20x1000xf32, #tpu.memory_space<hbm>>
    %dma_start3A_1568 = arith.constant 0 : i32
    %dma_start3A_1569 = arith.constant 0 : i32
    %dma_start3A_1570 = tpu.memref_slice %arg6[%dma_start3A_1559, %dma_start3A_1568, %dma_start3A_1569] : memref<2x20x1000xf32, #tpu.memory_space<vmem>> -> memref<1x20x1000xf32, #tpu.memory_space<vmem>>
    %dma_start3A_1571 = tpu.memref_squeeze %dma_start3A_1570 : memref<1x20x1000xf32, #tpu.memory_space<vmem>> -> memref<20x1000xf32, #tpu.memory_space<vmem>>
    tpu.enqueue_dma source(%dma_start3A_1571 : memref<20x1000xf32, #tpu.memory_space<vmem>>) target(%dma_start3A_1567 : memref<20x1000xf32, #tpu.memory_space<hbm>>) target_semaphore(%arg10 : memref<!tpu.dma_semaphore, #tpu.memory_space<semaphore_mem>>)
    %dma_wait3A_1572 = arith.constant 0 : i32
    %dma_wait3A_1573 = arith.constant 0 : i32
    %dma_wait3A_1574 = arith.constant 0 : i32
    %dma_wait3A_1575 = tpu.memref_slice %arg6[%dma_wait3A_1572, %dma_wait3A_1573, %dma_wait3A_1574] : memref<2x20x1000xf32, #tpu.memory_space<vmem>> -> memref<1x20x1000xf32, #tpu.memory_space<vmem>>
    %dma_wait3A_1576 = tpu.memref_squeeze %dma_wait3A_1575 : memref<1x20x1000xf32, #tpu.memory_space<vmem>> -> memref<20x1000xf32, #tpu.memory_space<vmem>>
    %dma_wait3A_1577 = arith.constant 0 : i32
    %dma_wait3A_1578 = tpu.memref_slice %arg4[%mul3A_1558, %dma_wait3A_1577] : memref<20480x1000xf32, #tpu.memory_space<hbm>> -> memref<20x1000xf32, #tpu.memory_space<hbm>>
    %dma_wait3A_1579 = arith.constant 0 : i32
    %dma_wait3A_1580 = tpu.memref_slice %arg4[%mul3A_1558, %dma_wait3A_1579] : memref<20480x1000xf32, #tpu.memory_space<hbm>> -> memref<20x1000xf32, #tpu.memory_space<hbm>>
    %dma_wait3A_1581 = arith.constant 0 : i32
    %dma_wait3A_1582 = arith.constant 0 : i32
    %dma_wait3A_1583 = tpu.memref_slice %arg6[%dma_wait3A_1572, %dma_wait3A_1581, %dma_wait3A_1582] : memref<2x20x1000xf32, #tpu.memory_space<vmem>> -> memref<1x20x1000xf32, #tpu.memory_space<vmem>>
    %dma_wait3A_1584 = tpu.memref_squeeze %dma_wait3A_1583 : memref<1x20x1000xf32, #tpu.memory_space<vmem>> -> memref<20x1000xf32, #tpu.memory_space<vmem>>
    tpu.wait_dma2 semaphore(%arg10 : memref<!tpu.dma_semaphore, #tpu.memory_space<semaphore_mem>>) src(%dma_wait3A_1584 : memref<20x1000xf32, #tpu.memory_space<vmem>>) dst(%dma_wait3A_1580 : memref<20x1000xf32, #tpu.memory_space<hbm>>)
    %dma_start3A_1585 = arith.constant 30 : i32
    %dma_start3A_1586 = arith.constant 0 : i32
    %dma_start3A_1587 = arith.constant 0 : i32
    %dma_start3A_1588 = arith.constant 0 : i32
    %dma_start3A_1589 = tpu.memref_slice %arg6[%dma_start3A_1586, %dma_start3A_1587, %dma_start3A_1588] : memref<2x20x1000xf32, #tpu.memory_space<vmem>> -> memref<1x20x1000xf32, #tpu.memory_space<vmem>>
    %dma_start3A_1590 = tpu.memref_squeeze %dma_start3A_1589 : memref<1x20x1000xf32, #tpu.memory_space<vmem>> -> memref<20x1000xf32, #tpu.memory_space<vmem>>
    %dma_start3A_1591 = arith.constant 0 : i32
    %dma_start3A_1592 = tpu.memref_slice %arg5[%dma_start3A_1585, %dma_start3A_1591] : memref<32x20xi32, #tpu.memory_space<vmem>> -> memref<1x20xi32, #tpu.memory_space<vmem>>
    %dma_start3A_1593 = tpu.memref_squeeze %dma_start3A_1592 : memref<1x20xi32, #tpu.memory_space<vmem>> -> memref<20xi32, #tpu.memory_space<vmem>>
    %dma_start3A_1594 = arith.constant 0 : i32
    %dma_start3A_1595 = arith.constant 0 : i32
    %dma_start3A_1596 = tpu.memref_slice %arg7[%dma_start3A_1594, %dma_start3A_1595] : memref<1000x1000xf32, #tpu.memory_space<vmem_shared>> -> memref<1000x1000xf32, #tpu.memory_space<vmem_shared>>
    tpu.enqueue_indirect_dma source(%dma_start3A_1596 : memref<1000x1000xf32, #tpu.memory_space<vmem_shared>>) target(%dma_start3A_1590 : memref<20x1000xf32, #tpu.memory_space<vmem>>) offsets(%dma_start3A_1593 : memref<20xi32, #tpu.memory_space<vmem>>) semaphore(%arg8 : memref<!tpu.dma_semaphore, #tpu.memory_space<semaphore_mem>>)
    %dma_wait3A_1597 = arith.constant 29 : i32
    %dma_wait3A_1598 = arith.constant 1 : i32
    %dma_wait3A_1599 = arith.constant 0 : i32
    %dma_wait3A_1600 = arith.constant 0 : i32
    %dma_wait3A_1601 = tpu.memref_slice %arg6[%dma_wait3A_1598, %dma_wait3A_1599, %dma_wait3A_1600] : memref<2x20x1000xf32, #tpu.memory_space<vmem>> -> memref<1x20x1000xf32, #tpu.memory_space<vmem>>
    %dma_wait3A_1602 = tpu.memref_squeeze %dma_wait3A_1601 : memref<1x20x1000xf32, #tpu.memory_space<vmem>> -> memref<20x1000xf32, #tpu.memory_space<vmem>>
    %dma_wait3A_1603 = arith.constant 0 : i32
    %dma_wait3A_1604 = tpu.memref_slice %arg5[%dma_wait3A_1597, %dma_wait3A_1603] : memref<32x20xi32, #tpu.memory_space<vmem>> -> memref<1x20xi32, #tpu.memory_space<vmem>>
    %dma_wait3A_1605 = tpu.memref_squeeze %dma_wait3A_1604 : memref<1x20xi32, #tpu.memory_space<vmem>> -> memref<20xi32, #tpu.memory_space<vmem>>
    %dma_wait3A_1606 = arith.constant 0 : i32
    %dma_wait3A_1607 = arith.constant 0 : i32
    %dma_wait3A_1608 = tpu.memref_slice %arg7[%dma_wait3A_1606, %dma_wait3A_1607] : memref<1000x1000xf32, #tpu.memory_space<vmem_shared>> -> memref<1000x1000xf32, #tpu.memory_space<vmem_shared>>
    tpu.wait_indirect_dma semaphore(%arg9 : memref<!tpu.dma_semaphore, #tpu.memory_space<semaphore_mem>>) src(%dma_wait3A_1608 : memref<1000x1000xf32, #tpu.memory_space<vmem_shared>>) dst(%dma_wait3A_1602 : memref<20x1000xf32, #tpu.memory_space<vmem>>)
    %add3A_1609 = arith.constant 29 : i32
    %add3A_1610 = arith.addi %mul3A_2, %add3A_1609 : i32
    %mul3A_1611 = arith.constant 20 : i32
    %mul3A_1612 = arith.muli %add3A_1610, %mul3A_1611 : i32
    %dma_start3A_1613 = arith.constant 1 : i32
    %dma_start3A_1614 = arith.constant 0 : i32
    %dma_start3A_1615 = arith.constant 0 : i32
    %dma_start3A_1616 = tpu.memref_slice %arg6[%dma_start3A_1613, %dma_start3A_1614, %dma_start3A_1615] : memref<2x20x1000xf32, #tpu.memory_space<vmem>> -> memref<1x20x1000xf32, #tpu.memory_space<vmem>>
    %dma_start3A_1617 = tpu.memref_squeeze %dma_start3A_1616 : memref<1x20x1000xf32, #tpu.memory_space<vmem>> -> memref<20x1000xf32, #tpu.memory_space<vmem>>
    %dma_start3A_1618 = arith.constant 0 : i32
    %dma_start3A_1619 = tpu.memref_slice %arg4[%mul3A_1612, %dma_start3A_1618] : memref<20480x1000xf32, #tpu.memory_space<hbm>> -> memref<20x1000xf32, #tpu.memory_space<hbm>>
    %dma_start3A_1620 = arith.constant 0 : i32
    %dma_start3A_1621 = tpu.memref_slice %arg4[%mul3A_1612, %dma_start3A_1620] : memref<20480x1000xf32, #tpu.memory_space<hbm>> -> memref<20x1000xf32, #tpu.memory_space<hbm>>
    %dma_start3A_1622 = arith.constant 0 : i32
    %dma_start3A_1623 = arith.constant 0 : i32
    %dma_start3A_1624 = tpu.memref_slice %arg6[%dma_start3A_1613, %dma_start3A_1622, %dma_start3A_1623] : memref<2x20x1000xf32, #tpu.memory_space<vmem>> -> memref<1x20x1000xf32, #tpu.memory_space<vmem>>
    %dma_start3A_1625 = tpu.memref_squeeze %dma_start3A_1624 : memref<1x20x1000xf32, #tpu.memory_space<vmem>> -> memref<20x1000xf32, #tpu.memory_space<vmem>>
    tpu.enqueue_dma source(%dma_start3A_1625 : memref<20x1000xf32, #tpu.memory_space<vmem>>) target(%dma_start3A_1621 : memref<20x1000xf32, #tpu.memory_space<hbm>>) target_semaphore(%arg11 : memref<!tpu.dma_semaphore, #tpu.memory_space<semaphore_mem>>)
    %dma_wait3A_1626 = arith.constant 1 : i32
    %dma_wait3A_1627 = arith.constant 0 : i32
    %dma_wait3A_1628 = arith.constant 0 : i32
    %dma_wait3A_1629 = tpu.memref_slice %arg6[%dma_wait3A_1626, %dma_wait3A_1627, %dma_wait3A_1628] : memref<2x20x1000xf32, #tpu.memory_space<vmem>> -> memref<1x20x1000xf32, #tpu.memory_space<vmem>>
    %dma_wait3A_1630 = tpu.memref_squeeze %dma_wait3A_1629 : memref<1x20x1000xf32, #tpu.memory_space<vmem>> -> memref<20x1000xf32, #tpu.memory_space<vmem>>
    %dma_wait3A_1631 = arith.constant 0 : i32
    %dma_wait3A_1632 = tpu.memref_slice %arg4[%mul3A_1612, %dma_wait3A_1631] : memref<20480x1000xf32, #tpu.memory_space<hbm>> -> memref<20x1000xf32, #tpu.memory_space<hbm>>
    %dma_wait3A_1633 = arith.constant 0 : i32
    %dma_wait3A_1634 = tpu.memref_slice %arg4[%mul3A_1612, %dma_wait3A_1633] : memref<20480x1000xf32, #tpu.memory_space<hbm>> -> memref<20x1000xf32, #tpu.memory_space<hbm>>
    %dma_wait3A_1635 = arith.constant 0 : i32
    %dma_wait3A_1636 = arith.constant 0 : i32
    %dma_wait3A_1637 = tpu.memref_slice %arg6[%dma_wait3A_1626, %dma_wait3A_1635, %dma_wait3A_1636] : memref<2x20x1000xf32, #tpu.memory_space<vmem>> -> memref<1x20x1000xf32, #tpu.memory_space<vmem>>
    %dma_wait3A_1638 = tpu.memref_squeeze %dma_wait3A_1637 : memref<1x20x1000xf32, #tpu.memory_space<vmem>> -> memref<20x1000xf32, #tpu.memory_space<vmem>>
    tpu.wait_dma2 semaphore(%arg11 : memref<!tpu.dma_semaphore, #tpu.memory_space<semaphore_mem>>) src(%dma_wait3A_1638 : memref<20x1000xf32, #tpu.memory_space<vmem>>) dst(%dma_wait3A_1634 : memref<20x1000xf32, #tpu.memory_space<hbm>>)
    %dma_start3A_1639 = arith.constant 31 : i32
    %dma_start3A_1640 = arith.constant 1 : i32
    %dma_start3A_1641 = arith.constant 0 : i32
    %dma_start3A_1642 = arith.constant 0 : i32
    %dma_start3A_1643 = tpu.memref_slice %arg6[%dma_start3A_1640, %dma_start3A_1641, %dma_start3A_1642] : memref<2x20x1000xf32, #tpu.memory_space<vmem>> -> memref<1x20x1000xf32, #tpu.memory_space<vmem>>
    %dma_start3A_1644 = tpu.memref_squeeze %dma_start3A_1643 : memref<1x20x1000xf32, #tpu.memory_space<vmem>> -> memref<20x1000xf32, #tpu.memory_space<vmem>>
    %dma_start3A_1645 = arith.constant 0 : i32
    %dma_start3A_1646 = tpu.memref_slice %arg5[%dma_start3A_1639, %dma_start3A_1645] : memref<32x20xi32, #tpu.memory_space<vmem>> -> memref<1x20xi32, #tpu.memory_space<vmem>>
    %dma_start3A_1647 = tpu.memref_squeeze %dma_start3A_1646 : memref<1x20xi32, #tpu.memory_space<vmem>> -> memref<20xi32, #tpu.memory_space<vmem>>
    %dma_start3A_1648 = arith.constant 0 : i32
    %dma_start3A_1649 = arith.constant 0 : i32
    %dma_start3A_1650 = tpu.memref_slice %arg7[%dma_start3A_1648, %dma_start3A_1649] : memref<1000x1000xf32, #tpu.memory_space<vmem_shared>> -> memref<1000x1000xf32, #tpu.memory_space<vmem_shared>>
    tpu.enqueue_indirect_dma source(%dma_start3A_1650 : memref<1000x1000xf32, #tpu.memory_space<vmem_shared>>) target(%dma_start3A_1644 : memref<20x1000xf32, #tpu.memory_space<vmem>>) offsets(%dma_start3A_1647 : memref<20xi32, #tpu.memory_space<vmem>>) semaphore(%arg9 : memref<!tpu.dma_semaphore, #tpu.memory_space<semaphore_mem>>)
    %dma_wait3A_1651 = arith.constant 30 : i32
    %dma_wait3A_1652 = arith.constant 0 : i32
    %dma_wait3A_1653 = arith.constant 0 : i32
    %dma_wait3A_1654 = arith.constant 0 : i32
    %dma_wait3A_1655 = tpu.memref_slice %arg6[%dma_wait3A_1652, %dma_wait3A_1653, %dma_wait3A_1654] : memref<2x20x1000xf32, #tpu.memory_space<vmem>> -> memref<1x20x1000xf32, #tpu.memory_space<vmem>>
    %dma_wait3A_1656 = tpu.memref_squeeze %dma_wait3A_1655 : memref<1x20x1000xf32, #tpu.memory_space<vmem>> -> memref<20x1000xf32, #tpu.memory_space<vmem>>
    %dma_wait3A_1657 = arith.constant 0 : i32
    %dma_wait3A_1658 = tpu.memref_slice %arg5[%dma_wait3A_1651, %dma_wait3A_1657] : memref<32x20xi32, #tpu.memory_space<vmem>> -> memref<1x20xi32, #tpu.memory_space<vmem>>
    %dma_wait3A_1659 = tpu.memref_squeeze %dma_wait3A_1658 : memref<1x20xi32, #tpu.memory_space<vmem>> -> memref<20xi32, #tpu.memory_space<vmem>>
    %dma_wait3A_1660 = arith.constant 0 : i32
    %dma_wait3A_1661 = arith.constant 0 : i32
    %dma_wait3A_1662 = tpu.memref_slice %arg7[%dma_wait3A_1660, %dma_wait3A_1661] : memref<1000x1000xf32, #tpu.memory_space<vmem_shared>> -> memref<1000x1000xf32, #tpu.memory_space<vmem_shared>>
    tpu.wait_indirect_dma semaphore(%arg8 : memref<!tpu.dma_semaphore, #tpu.memory_space<semaphore_mem>>) src(%dma_wait3A_1662 : memref<1000x1000xf32, #tpu.memory_space<vmem_shared>>) dst(%dma_wait3A_1656 : memref<20x1000xf32, #tpu.memory_space<vmem>>)
    %add3A_1663 = arith.constant 30 : i32
    %add3A_1664 = arith.addi %mul3A_2, %add3A_1663 : i32
    %mul3A_1665 = arith.constant 20 : i32
    %mul3A_1666 = arith.muli %add3A_1664, %mul3A_1665 : i32
    %dma_start3A_1667 = arith.constant 0 : i32
    %dma_start3A_1668 = arith.constant 0 : i32
    %dma_start3A_1669 = arith.constant 0 : i32
    %dma_start3A_1670 = tpu.memref_slice %arg6[%dma_start3A_1667, %dma_start3A_1668, %dma_start3A_1669] : memref<2x20x1000xf32, #tpu.memory_space<vmem>> -> memref<1x20x1000xf32, #tpu.memory_space<vmem>>
    %dma_start3A_1671 = tpu.memref_squeeze %dma_start3A_1670 : memref<1x20x1000xf32, #tpu.memory_space<vmem>> -> memref<20x1000xf32, #tpu.memory_space<vmem>>
    %dma_start3A_1672 = arith.constant 0 : i32
    %dma_start3A_1673 = tpu.memref_slice %arg4[%mul3A_1666, %dma_start3A_1672] : memref<20480x1000xf32, #tpu.memory_space<hbm>> -> memref<20x1000xf32, #tpu.memory_space<hbm>>
    %dma_start3A_1674 = arith.constant 0 : i32
    %dma_start3A_1675 = tpu.memref_slice %arg4[%mul3A_1666, %dma_start3A_1674] : memref<20480x1000xf32, #tpu.memory_space<hbm>> -> memref<20x1000xf32, #tpu.memory_space<hbm>>
    %dma_start3A_1676 = arith.constant 0 : i32
    %dma_start3A_1677 = arith.constant 0 : i32
    %dma_start3A_1678 = tpu.memref_slice %arg6[%dma_start3A_1667, %dma_start3A_1676, %dma_start3A_1677] : memref<2x20x1000xf32, #tpu.memory_space<vmem>> -> memref<1x20x1000xf32, #tpu.memory_space<vmem>>
    %dma_start3A_1679 = tpu.memref_squeeze %dma_start3A_1678 : memref<1x20x1000xf32, #tpu.memory_space<vmem>> -> memref<20x1000xf32, #tpu.memory_space<vmem>>
    tpu.enqueue_dma source(%dma_start3A_1679 : memref<20x1000xf32, #tpu.memory_space<vmem>>) target(%dma_start3A_1675 : memref<20x1000xf32, #tpu.memory_space<hbm>>) target_semaphore(%arg10 : memref<!tpu.dma_semaphore, #tpu.memory_space<semaphore_mem>>)
    %dma_wait3A_1680 = arith.constant 31 : i32
    %dma_wait3A_1681 = arith.constant 1 : i32
    %dma_wait3A_1682 = arith.constant 0 : i32
    %dma_wait3A_1683 = arith.constant 0 : i32
    %dma_wait3A_1684 = tpu.memref_slice %arg6[%dma_wait3A_1681, %dma_wait3A_1682, %dma_wait3A_1683] : memref<2x20x1000xf32, #tpu.memory_space<vmem>> -> memref<1x20x1000xf32, #tpu.memory_space<vmem>>
    %dma_wait3A_1685 = tpu.memref_squeeze %dma_wait3A_1684 : memref<1x20x1000xf32, #tpu.memory_space<vmem>> -> memref<20x1000xf32, #tpu.memory_space<vmem>>
    %dma_wait3A_1686 = arith.constant 0 : i32
    %dma_wait3A_1687 = tpu.memref_slice %arg5[%dma_wait3A_1680, %dma_wait3A_1686] : memref<32x20xi32, #tpu.memory_space<vmem>> -> memref<1x20xi32, #tpu.memory_space<vmem>>
    %dma_wait3A_1688 = tpu.memref_squeeze %dma_wait3A_1687 : memref<1x20xi32, #tpu.memory_space<vmem>> -> memref<20xi32, #tpu.memory_space<vmem>>
    %dma_wait3A_1689 = arith.constant 0 : i32
    %dma_wait3A_1690 = arith.constant 0 : i32
    %dma_wait3A_1691 = tpu.memref_slice %arg7[%dma_wait3A_1689, %dma_wait3A_1690] : memref<1000x1000xf32, #tpu.memory_space<vmem_shared>> -> memref<1000x1000xf32, #tpu.memory_space<vmem_shared>>
    tpu.wait_indirect_dma semaphore(%arg9 : memref<!tpu.dma_semaphore, #tpu.memory_space<semaphore_mem>>) src(%dma_wait3A_1691 : memref<1000x1000xf32, #tpu.memory_space<vmem_shared>>) dst(%dma_wait3A_1685 : memref<20x1000xf32, #tpu.memory_space<vmem>>)
    %add3A_1692 = arith.constant 31 : i32
    %add3A_1693 = arith.addi %mul3A_2, %add3A_1692 : i32
    %mul3A_1694 = arith.constant 20 : i32
    %mul3A_1695 = arith.muli %add3A_1693, %mul3A_1694 : i32
    %dma_start3A_1696 = arith.constant 1 : i32
    %dma_start3A_1697 = arith.constant 0 : i32
    %dma_start3A_1698 = arith.constant 0 : i32
    %dma_start3A_1699 = tpu.memref_slice %arg6[%dma_start3A_1696, %dma_start3A_1697, %dma_start3A_1698] : memref<2x20x1000xf32, #tpu.memory_space<vmem>> -> memref<1x20x1000xf32, #tpu.memory_space<vmem>>
    %dma_start3A_1700 = tpu.memref_squeeze %dma_start3A_1699 : memref<1x20x1000xf32, #tpu.memory_space<vmem>> -> memref<20x1000xf32, #tpu.memory_space<vmem>>
    %dma_start3A_1701 = arith.constant 0 : i32
    %dma_start3A_1702 = tpu.memref_slice %arg4[%mul3A_1695, %dma_start3A_1701] : memref<20480x1000xf32, #tpu.memory_space<hbm>> -> memref<20x1000xf32, #tpu.memory_space<hbm>>
    %dma_start3A_1703 = arith.constant 0 : i32
    %dma_start3A_1704 = tpu.memref_slice %arg4[%mul3A_1695, %dma_start3A_1703] : memref<20480x1000xf32, #tpu.memory_space<hbm>> -> memref<20x1000xf32, #tpu.memory_space<hbm>>
    %dma_start3A_1705 = arith.constant 0 : i32
    %dma_start3A_1706 = arith.constant 0 : i32
    %dma_start3A_1707 = tpu.memref_slice %arg6[%dma_start3A_1696, %dma_start3A_1705, %dma_start3A_1706] : memref<2x20x1000xf32, #tpu.memory_space<vmem>> -> memref<1x20x1000xf32, #tpu.memory_space<vmem>>
    %dma_start3A_1708 = tpu.memref_squeeze %dma_start3A_1707 : memref<1x20x1000xf32, #tpu.memory_space<vmem>> -> memref<20x1000xf32, #tpu.memory_space<vmem>>
    tpu.enqueue_dma source(%dma_start3A_1708 : memref<20x1000xf32, #tpu.memory_space<vmem>>) target(%dma_start3A_1704 : memref<20x1000xf32, #tpu.memory_space<hbm>>) target_semaphore(%arg11 : memref<!tpu.dma_semaphore, #tpu.memory_space<semaphore_mem>>)
    %dma_wait3A_1709 = arith.constant 0 : i32
    %dma_wait3A_1710 = arith.constant 0 : i32
    %dma_wait3A_1711 = arith.constant 0 : i32
    %dma_wait3A_1712 = tpu.memref_slice %arg6[%dma_wait3A_1709, %dma_wait3A_1710, %dma_wait3A_1711] : memref<2x20x1000xf32, #tpu.memory_space<vmem>> -> memref<1x20x1000xf32, #tpu.memory_space<vmem>>
    %dma_wait3A_1713 = tpu.memref_squeeze %dma_wait3A_1712 : memref<1x20x1000xf32, #tpu.memory_space<vmem>> -> memref<20x1000xf32, #tpu.memory_space<vmem>>
    %dma_wait3A_1714 = arith.constant 0 : i32
    %dma_wait3A_1715 = tpu.memref_slice %arg4[%mul3A_1666, %dma_wait3A_1714] : memref<20480x1000xf32, #tpu.memory_space<hbm>> -> memref<20x1000xf32, #tpu.memory_space<hbm>>
    %dma_wait3A_1716 = arith.constant 0 : i32
    %dma_wait3A_1717 = tpu.memref_slice %arg4[%mul3A_1666, %dma_wait3A_1716] : memref<20480x1000xf32, #tpu.memory_space<hbm>> -> memref<20x1000xf32, #tpu.memory_space<hbm>>
    %dma_wait3A_1718 = arith.constant 0 : i32
    %dma_wait3A_1719 = arith.constant 0 : i32
    %dma_wait3A_1720 = tpu.memref_slice %arg6[%dma_wait3A_1709, %dma_wait3A_1718, %dma_wait3A_1719] : memref<2x20x1000xf32, #tpu.memory_space<vmem>> -> memref<1x20x1000xf32, #tpu.memory_space<vmem>>
    %dma_wait3A_1721 = tpu.memref_squeeze %dma_wait3A_1720 : memref<1x20x1000xf32, #tpu.memory_space<vmem>> -> memref<20x1000xf32, #tpu.memory_space<vmem>>
    tpu.wait_dma2 semaphore(%arg10 : memref<!tpu.dma_semaphore, #tpu.memory_space<semaphore_mem>>) src(%dma_wait3A_1721 : memref<20x1000xf32, #tpu.memory_space<vmem>>) dst(%dma_wait3A_1717 : memref<20x1000xf32, #tpu.memory_space<hbm>>)
    %dma_wait3A_1722 = arith.constant 1 : i32
    %dma_wait3A_1723 = arith.constant 0 : i32
    %dma_wait3A_1724 = arith.constant 0 : i32
    %dma_wait3A_1725 = tpu.memref_slice %arg6[%dma_wait3A_1722, %dma_wait3A_1723, %dma_wait3A_1724] : memref<2x20x1000xf32, #tpu.memory_space<vmem>> -> memref<1x20x1000xf32, #tpu.memory_space<vmem>>
    %dma_wait3A_1726 = tpu.memref_squeeze %dma_wait3A_1725 : memref<1x20x1000xf32, #tpu.memory_space<vmem>> -> memref<20x1000xf32, #tpu.memory_space<vmem>>
    %dma_wait3A_1727 = arith.constant 0 : i32
    %dma_wait3A_1728 = tpu.memref_slice %arg4[%mul3A_1695, %dma_wait3A_1727] : memref<20480x1000xf32, #tpu.memory_space<hbm>> -> memref<20x1000xf32, #tpu.memory_space<hbm>>
    %dma_wait3A_1729 = arith.constant 0 : i32
    %dma_wait3A_1730 = tpu.memref_slice %arg4[%mul3A_1695, %dma_wait3A_1729] : memref<20480x1000xf32, #tpu.memory_space<hbm>> -> memref<20x1000xf32, #tpu.memory_space<hbm>>
    %dma_wait3A_1731 = arith.constant 0 : i32
    %dma_wait3A_1732 = arith.constant 0 : i32
    %dma_wait3A_1733 = tpu.memref_slice %arg6[%dma_wait3A_1722, %dma_wait3A_1731, %dma_wait3A_1732] : memref<2x20x1000xf32, #tpu.memory_space<vmem>> -> memref<1x20x1000xf32, #tpu.memory_space<vmem>>
    %dma_wait3A_1734 = tpu.memref_squeeze %dma_wait3A_1733 : memref<1x20x1000xf32, #tpu.memory_space<vmem>> -> memref<20x1000xf32, #tpu.memory_space<vmem>>
    tpu.wait_dma2 semaphore(%arg11 : memref<!tpu.dma_semaphore, #tpu.memory_space<semaphore_mem>>) src(%dma_wait3A_1734 : memref<20x1000xf32, #tpu.memory_space<vmem>>) dst(%dma_wait3A_1730 : memref<20x1000xf32, #tpu.memory_space<hbm>>)
    return
  }
}

</mosaic_0001>

<sc_bundles>
// kernel: kernel.3.cloned.1.call-start
scs
__scs_entry_jumppad:
0x0: {  	(pc) =	sbr.rel $0x88, $3  }
0x1: {  	(tag) =	ssettag $0x0;
	lr =	simm.s32 $0x1  }
0x2: {  	[smem:$0x3F9F] =	sst lr;
	_ =	strace $0xD0000000  }
0x3: {  	_ = 	snop  }
0x4: {  	_ = 	snop  }
0x5: {  	_ = 	snop  }
0x6: {  	_ = 	snop  }
0x7: {  	_ = 	snop  }
__scs_overlays_trampoline_lowered:
0x8: {  	[smem:$0x3FAE] =	sst s0  }
0x9: {  	[smem:$0x3FAF] =	sst s1  }
0xa: {  	[smem:$0x3FB0] =	sst s2  }
0xb: {  	[smem:$0x3FB1] =	sst s3  }
0xc: {  	[smem:$0x3FB2] =	sst s4  }
0xd: {  	[smem:$0x3FB3] =	sst s5  }
0xe: {  	[smem:$0x3FB4] =	sst s6  }
0xf: {  	[smem:$0x3FB5] =	sst s7  }
0x10: {  	[smem:$0x3FB6] =	sst s8  }
0x11: {  	[smem:$0x3FB7] =	sst s9;
	s0 =	simm.s32 @!p0 $0x0  }
0x12: {  	s1 =	sld [smem:$0x3F9D];
	s0 =	simm.s32 @p0 $0x1  }
0x13: {  	[smem:$0x3FB8] =	sst s0;
	s0 =	simm.s32 @!p1 $0x0  }
0x14: {  	s2 =	sld [smem:$0x3F9C];
	s0 =	simm.s32 @p1 $0x1  }
0x15: {  	[smem:$0x3FB9] =	sst s0;
	s0 =	simm.s32 @!p2 $0x0  }
0x16: {  	s3 =	sld [smem:$0x3FDB];
	s0 =	simm.s32 @p2 $0x1  }
0x17: {  	s4 =	simm.s32 $0x1BF5;
	[smem:$0x3FBB] =	sst s0  }
0x18: {  	s0 =	sld [smem:$0x3F9E];
	_ =	swait.ge [sflag:s4], $0x0  }
0x19: {  	s7 =	sld [smem:$0x3F9F]  }
0x1a: {  	s8 =	sadd.s32 $0xFFFFE003, lr  }
0x1b: {  	s9 =	sadd.s32 $0xFFFFFEF7, lr;
	s5 =	simm.s32 $0xFFFFFFFF;
	p2 =	slt.u32 s8, $0xFFFFF086  }
0x1c: {  	p1 =	slt.u32 s9, $0xF7A;
	s5 =	simm.s32 @!p2 $0x0  }
0x1d: {  	s5 =	simm.s32 @p1 $0x1;
	p0 =	seq.s32 s7, s2  }
0x1e: {  	s7 =	smul.u32 @!p0 $0xF7A, s2;
	p2 =	seq.s32 @!p0 s5, $0x0  }
0x1f: {  	s9 =	smul.u32 $0xF7A, s1;
	s8 =	simm.s32 @!p0 $0x1BF5;
	p2 =	por !p2, p0  }
0x20: {  	[sflag:s8] =	ssyncset.s32 @!p0 $0xFFFFF086;
	s6 =	sadd.s32 @!p0 s3, s7;
	s7 =	simm.s32 @!p0 $0x108  }
0x21: {  	s3 =	sadd.s32 s3, s9;
	s6 =	sadd.s32 @!p0 $0x88, s6;
	s7 =	simm.s32 @p2 $0x1082  }
0x22: {  	[simem:s7], [sflag:s8] =	dma.local @!p0 [hbm:s6], $0xF7A  }
0x23: {  	s9 =	sor.u32 $0xD0000000, s2;
	s6 =	simm.s32 $0x108;
	_ =	swait.ge @!p0 [sflag:s8], $0x0  }
0x24: {  	s3 =	sadd.s32 $0x88, s3;
	s6 =	simm.s32 @!p1 $0x1082;
	[sflag:s4] =	ssyncset.s32 $0xFFFFF086  }
0x25: {  	[simem:s6], [sflag:s4] =	dma.local [hbm:s3], $0xF7A  }
0x26: {  	[smem:$0x3F9F] =	sst s1;
	(tag) =	ssettag s2;
	_ =	strace s9  }
0x27: {  	s1 =	sld [smem:$0x3FAF]  }
0x28: {  	s2 =	sld [smem:$0x3FB0]  }
0x29: {  	s4 =	sld [smem:$0x3FB2]  }
0x2a: {  	p0 =	seq.s32 s5, $0x0;
	s5 =	sld [smem:$0x3FB3]  }
0x2b: {  	s6 =	sld [smem:$0x3FB4]  }
0x2c: {  	s7 =	sld [smem:$0x3FB5]  }
0x2d: {  	s3 =	simm.s32 $0x108;
	s8 =	sld [smem:$0x3FB6]  }
0x2e: {  	s3 =	simm.s32 @!p0 $0x1082;
	s9 =	sld [smem:$0x3FB7]  }
0x2f: {  	lr =	sadd.s32 s0, s3;
	s0 =	sld [smem:$0x3FAE]  }
0x30: {  	s3 =	sld [smem:$0x3FB1]  }
0x31: {  	[smem:$0x3FBA] =	sst s10  }
0x32: {  	s10 =	sld [smem:$0x3FB8];
	_ =	sdelay $0x3  }
0x33: {  	p0 =	seq.s32 s10, $0x1;
	s10 =	sld [smem:$0x3FBA];
	_ =	sdelay $0x3  }
0x34: {  	[smem:$0x3FBA] =	sst s10  }
0x35: {  	s10 =	sld [smem:$0x3FB9];
	_ =	sdelay $0x3  }
0x36: {  	p1 =	seq.s32 s10, $0x1;
	s10 =	sld [smem:$0x3FBA];
	_ =	sdelay $0x3  }
0x37: {  	[smem:$0x3FBA] =	sst s10  }
0x38: {  	s10 =	sld [smem:$0x3FBB]  }
0x39: {  	_ = 	snop;
	(pc) =	sbr.ind lr, $3  }
0x3a: {  	_ = 	snop  }
0x3b: {  	_ = 	snop  }
0x3c: {  	p2 =	seq.s32 s10, $0x1;
	s10 =	sld [smem:$0x3FBA]  }
0x3d: {  	_ =	shalt  }
0x3e: {  	_ =	shalt  }
0x3f: {  	_ =	shalt  }
0x40: {  	_ =	shalt  }
0x41: {  	_ =	shalt  }
0x42: {  	_ =	shalt  }
0x43: {  	_ =	shalt  }
0x44: {  	_ =	shalt  }
0x45: {  	_ =	shalt  }
0x46: {  	_ =	shalt  }
0x47: {  	_ =	shalt  }
0x48: {  	_ =	shalt  }
0x49: {  	_ =	shalt  }
0x4a: {  	_ =	shalt  }
0x4b: {  	_ =	shalt  }
0x4c: {  	_ =	shalt  }
0x4d: {  	_ =	shalt  }
0x4e: {  	_ =	shalt  }
0x4f: {  	_ =	shalt  }
0x50: {  	_ =	shalt  }
0x51: {  	_ =	shalt  }
0x52: {  	_ =	shalt  }
0x53: {  	_ =	shalt  }
0x54: {  	_ =	shalt  }
0x55: {  	_ =	shalt  }
0x56: {  	_ =	shalt  }
0x57: {  	_ =	shalt  }
0x58: {  	_ =	shalt  }
0x59: {  	_ =	shalt  }
0x5a: {  	_ =	shalt  }
0x5b: {  	_ =	shalt  }
0x5c: {  	_ =	shalt  }
0x5d: {  	_ =	shalt  }
0x5e: {  	_ =	shalt  }
0x5f: {  	_ =	shalt  }
0x60: {  	_ =	shalt  }
0x61: {  	_ =	shalt  }
0x62: {  	_ =	shalt  }
0x63: {  	_ =	shalt  }
0x64: {  	_ =	shalt  }
0x65: {  	_ =	shalt  }
0x66: {  	_ =	shalt  }
0x67: {  	_ =	shalt  }
0x68: {  	_ =	shalt  }
0x69: {  	_ =	shalt  }
0x6a: {  	_ =	shalt  }
0x6b: {  	_ =	shalt  }
0x6c: {  	_ =	shalt  }
0x6d: {  	_ =	shalt  }
0x6e: {  	_ =	shalt  }
0x6f: {  	_ =	shalt  }
0x70: {  	_ =	shalt  }
0x71: {  	_ =	shalt  }
0x72: {  	_ =	shalt  }
0x73: {  	_ =	shalt  }
0x74: {  	_ =	shalt  }
0x75: {  	_ =	shalt  }
0x76: {  	_ =	shalt  }
0x77: {  	_ =	shalt  }
0x78: {  	_ =	shalt  }
0x79: {  	_ =	shalt  }
0x7a: {  	_ =	shalt  }
0x7b: {  	_ =	shalt  }
0x7c: {  	_ =	shalt  }
0x7d: {  	_ =	shalt  }
0x7e: {  	_ =	shalt  }
0x7f: {  	_ =	shalt  }
0x80: {  	_ =	shalt  }
0x81: {  	_ =	shalt  }
0x82: {  	_ =	shalt  }
0x83: {  	_ =	shalt  }
0x84: {  	_ =	shalt  }
0x85: {  	_ =	shalt  }
0x86: {  	_ =	shalt  }
0x87: {  	_ =	shalt  }
.Lfunc_end0:
.L_simem_size_0:
called_computation.1_lowered:
.L_overlay_start_0:
0x88: {  	s2 =	sld [smem:$0x3FD9]  }
0x89: {  	s3 =	sld [smem:$0x3FFE];
	_ =	sdelay $0x1  }
0x8a: {  	s1 =	srdreg.scid  }
0x8b: {  	s0 =	sand.u32 $0x1, s1  }
0x8c: {  	s17 =	sshll.u32 s0, $0xA;
	s2 =	sadd.s32 s3, s2  }
0x8d: {  	s2 =	sadd.s32 s2, s17  }
0x8e: {  	[smem:$0x3FC6] =	sst s2  }
0x8f: {  	_ = 	snop  }
0x90: {  	s2 =	sld [smem:$0x3FD0];
	(tm) =	ssettm $0x1  }
0x91: {  	s18 =	sld [smem:$0x3FFB];
	_ =	sdelay $0x3  }
0x92: {  	_ =	strace s18  }
0x93: {  	s3 =	sld [smem:$0x3FFC];
	_ =	sdelay $0x3  }
0x94: {  	_ =	strace s3  }
0x95: {  	s3 =	sld [smem:$0x3FFD];
	_ =	sdelay $0x3  }
0x96: {  	_ =	strace s3  }
0x97: {  	_ =	strace $0x8FFFFFFF  }
0x98: {  	s19 =	sld [smem:$0x3FDB];
	_ =	sdelay $0x1  }
0x99: {  	s4 =	simm.s32 $_scs_section_size  }
0x9a: {  	s5 =	simm.s32 $_size__tile_overlayer_lowered;
	s6 =	simm.s32 $_tile_overlayer_lowered  }
0x9b: {  	s22 =	simm.s32 $0x1BFF;
	s21 =	sshll.u32 s6, $0x1;
	s3 =	sadd.s32 s4, s19  }
0x9c: {  	s7 =	simm.s32 $0x0;
	s20 =	sshll.u32 s5, $0x1;
	s5 =	sadd.s32 s21, s3  }
0x9d: {  	[timem:s7], [sflag:s22] =	dma.local [hbm:s5], s20  }
0x9e: {  	_ =	swait.ge [sflag:s22], s20  }
0x9f: {  	s4 =	ssub.s32 $0x0, s20;
	[sflag:s22] =	ssyncset.done $0x0  }
0xa0: {  	[sflag:s22] =	ssyncadd.s32 s4;
	_ =	sdelay $0x1  }
0xa1: {  	s23 =	simm.s32 $0x1B8B  }
0xa2: {  	_ =	swait.ge [sflag:s23], $0x1  }
0xa3: {  	[sflag:s23] =	ssyncset.done $0x0  }
0xa4: {  	s25 =	simm.s32 $0x1B8E;
	s24 =	sld [smem:$0x3FFE];
	[sflag:s23] =	ssyncadd.s32 $0xFFFFFFFF  }
0xa5: {  	s26 =	simm.s32 $execute0_lowered;
	[smem:$0x3FD2] =	sst s25  }
0xa6: {  	s5 =	sshll.u32 s26, $0x1;
	_ =	strace $0x80000046;
	[dreg:$0x1] =	wrdreg $0xFFFFFFFF  }
0xa7: {  	s28 =	simm.s32 $_size_execute0_lowered;
	s3 =	sadd.s32 s3, s5;
	[dreg:$0x0] =	wrdreg $0x0  }
0xa8: {  	s5 =	sshll.u32 s28, $0x1;
	[dreg:$0x2] =	wrdreg s3  }
0xa9: {  	[dreg:$0x3] =	wrdreg s5  }
0xaa: {  	[dreg:$0x4] =	wrdreg $0xC0  }
0xab: {  	_ =	task [dreg:s7], $0x5FFFF  }
0xac: {  	[dreg:$0x1] =	wrdreg $0xFFFFFFFF  }
0xad: {  	[dreg:$0x0] =	wrdreg $0x60  }
0xae: {  	[dreg:$0x2] =	wrdreg s24  }
0xaf: {  	[dreg:$0x3] =	wrdreg s2  }
0xb0: {  	[dreg:$0x4] =	wrdreg $0x9F400  }
0xb1: {  	[dreg:$0x5] =	wrdreg $0x9  }
0xb2: {  	_ =	task.clear_ibuf [dreg:s7], $0x6FFFF;
	_ =	strace $0x90000046  }
0xb3: {  	s29 =	simm.s32 $0x9;
	_ =	strace $0x80000048  }
0xb4: {  	_ =	swait.ge [sflag:s29], $0x1  }
0xb5: {  	[sflag:s29] =	ssyncadd.s32 $0xFFFFFFFF  }
0xb6: {  	_ =	strace $0x90000048  }
0xb7: {  	_ =	sfence  }
0xb8: {  	s30 =	sld [smem:$0x0];
	_ =	sdelay $0x2  }
0xb9: {  	s31 =	sshll.u32 s1, $0xD;
	s1 =	sshrl.u32 s1, $0x2  }
0xba: {  	s3 =	sand.u32 $0x4000, s31;
	s1 =	sadd.s32 s1, s30  }
0xbb: {  	s0 =	sor.u32 s3, s0;
	s1 =	sshll.u32 s1, $0x11  }
0xbc: {  	s0 =	sor.u32 s1, s0  }
0xbd: {  	s0 =	sadd.s32 $0x8F2B, s0  }
0xbe: {  	[sflag:s0] =	ssyncadd.remote.s32 $0x1  }
0xbf: {  	_ =	sfence.sel $0xFFFF  }
0xc0: {  	[dreg:$0x0] =	wrdreg $0xFFFFFFFF;
	(pc) =	sbr.abs _section_cstart, $3  }
0xc1: {  	[dreg:$0x1] =	wrdreg $0xFFFFFFFF  }
0xc2: {  	_ =	task.clear_ibuf [dreg:s7], $0x2FFFF;
	_ =	strace $0x9FFFFFFF  }
0xc3: {  	(tm) =	ssettm $0x7FFFFFFF  }
tec
execute0_lowered:
.L_overlay_start_1:
0x0: {  	(tag) =	ssettag $0x1  }
0x1: {  	s5 =	rddreg [dreg:$0x0]  }
0x2: {  	s6 =	rddreg [dreg:$0x1]  }
0x3: {  	s2 =	rddreg [dreg:$0x2];
	s1 =	srdreg.scid  }
0x4: {  	s0 =	stileid.u32;
	s3 =	simm.s32 $0x0;
	s31 =	sand.u32 $0x1, s1  }
0x5: {  	s7 =	sshll.u32 s0, $0x1;
	s4 =	smul.u32 $0xFA00, s0;
	[smem:$0x7FF] =	sst s3  }
0x6: {  	p0 =	seq.s32 s0, $0xF;
	s7 =	sor.u32 s31, s7;
	_ =	strace $0x80000047  }
0x7: {  	s8 =	smul.u32 $0x60, s7;
	s9 =	sshrl.u32 s4, $0x3;
	s4 =	sadd.s32 s4, s2  }
0x8: {  	s10 =	smul.u32 $0x9C400, s7;
	s9 =	sadd.s32 s9, s5;
	s4 =	sshrl.u32 @!p0 s4, $0x3  }
0x9: {  	s7 =	smul.u32 $0x13880, s7;
	s9 =	sadd.s32 $0x1400, s9;
	[smem:$0x7E5] =	sst s4  }
0xa: {  	s8 =	sadd.s32 s8, s5;
	s5 =	sadd.s32 $0x1E8C0, s5;
	[dreg:$0x4] =	wrdreg s9  }
0xb: {  	s17 =	sshrl.u32 s10, $0x3;
	s7 =	sadd.s32 s6, s7;
	[dreg:$0x5] =	wrdreg s5  }
0xc: {  	s16 =	sadd.s32 $0x800, s8;
	s5 =	sadd.s32 s6, s17;
	[dreg:$0x7] =	wrdreg s7  }
0xd: {  	[dreg:$0x6] =	wrdreg s16;
	s6 =	sadd.s32 $0x9C4, s5  }
0xe: {  	s18 =	sadd.s32 $0x1388, s5;
	[dreg:$0x8] =	wrdreg s6  }
0xf: {  	s19 =	sadd.s32 $0x1D4C, s5;
	[dreg:$0x9] =	wrdreg s18  }
0x10: {  	s20 =	sadd.s32 $0x2710, s5;
	[dreg:$0xa] =	wrdreg s19  }
0x11: {  	s21 =	sadd.s32 $0x30D4, s5;
	[dreg:$0xb] =	wrdreg s20  }
0x12: {  	s22 =	sadd.s32 $0x3A98, s5;
	[dreg:$0xc] =	wrdreg s21  }
0x13: {  	s23 =	sadd.s32 $0x445C, s5;
	[dreg:$0xd] =	wrdreg s22  }
0x14: {  	s24 =	sadd.s32 $0x4E20, s5;
	[dreg:$0xe] =	wrdreg s23  }
0x15: {  	s25 =	sadd.s32 $0x57E4, s5;
	[dreg:$0xf] =	wrdreg s24  }
0x16: {  	s26 =	sadd.s32 $0x61A8, s5;
	[dreg:$0x10] =	wrdreg s25  }
0x17: {  	s1 =	sadd.s32 $0x6B6C, s5;
	[dreg:$0x11] =	wrdreg s26  }
0x18: {  	s7 =	sadd.s32 $0x7530, s5;
	[dreg:$0x12] =	wrdreg s1  }
0x19: {  	s8 =	sadd.s32 $0x7EF4, s5;
	[dreg:$0x13] =	wrdreg s7  }
0x1a: {  	s9 =	sadd.s32 $0x88B8, s5;
	[dreg:$0x14] =	wrdreg s8  }
0x1b: {  	s10 =	sadd.s32 $0x927C, s5;
	[dreg:$0x15] =	wrdreg s9  }
0x1c: {  	s11 =	sadd.s32 $0x9C40, s5;
	[dreg:$0x16] =	wrdreg s10  }
0x1d: {  	s12 =	sadd.s32 $0xA604, s5;
	[dreg:$0x17] =	wrdreg s11  }
0x1e: {  	s13 =	sadd.s32 $0xAFC8, s5;
	[dreg:$0x18] =	wrdreg s12  }
0x1f: {  	s14 =	sadd.s32 $0xB98C, s5;
	[dreg:$0x19] =	wrdreg s13  }
0x20: {  	s15 =	sadd.s32 $0xC350, s5;
	[dreg:$0x1a] =	wrdreg s14  }
0x21: {  	s16 =	sadd.s32 $0xCD14, s5;
	[dreg:$0x1b] =	wrdreg s15  }
0x22: {  	s17 =	sadd.s32 $0xD6D8, s5;
	[dreg:$0x1c] =	wrdreg s16  }
0x23: {  	[dreg:$0x1d] =	wrdreg s17;
	s18 =	sadd.s32 $0xE09C, s5  }
0x24: {  	s19 =	sadd.s32 $0xEA60, s5;
	[dreg:$0x1e] =	wrdreg s18  }
0x25: {  	s20 =	sadd.s32 $0xF424, s5;
	[dreg:$0x1f] =	wrdreg s19  }
0x26: {  	s21 =	sadd.s32 $0xFDE8, s5;
	[smem:$0x7F7] =	sst s20  }
0x27: {  	s22 =	sadd.s32 $0x107AC, s5;
	[smem:$0x7F8] =	sst s21  }
0x28: {  	s23 =	sadd.s32 $0x11170, s5;
	[smem:$0x7F9] =	sst s22  }
0x29: {  	s24 =	sadd.s32 $0x11B34, s5;
	[smem:$0x7FA] =	sst s23  }
0x2a: {  	s25 =	sadd.s32 $0x124F8, s5;
	[smem:$0x7FB] =	sst s24  }
0x2b: {  	s5 =	sadd.s32 $0x12EBC, s5;
	[smem:$0x7FC] =	sst s25  }
0x2c: {  	s26 =	simm.s32 $0x18;
	[smem:$0x7FD] =	sst s5  }
0x2d: {  	s1 =	simm.s32 $0x30;
	[smem:$0x7E6] =	sst s26  }
0x2e: {  	s6 =	simm.s32 $0x60;
	[smem:$0x7E7] =	sst s1  }
0x2f: {  	s8 =	simm.s32 $0x90;
	[smem:$0x7E9] =	sst s6  }
0x30: {  	s9 =	simm.s32 $0xA8;
	[smem:$0x7EB] =	sst s8  }
0x31: {  	s10 =	simm.s32 $0xC0;
	[smem:$0x7EC] =	sst s9  }
0x32: {  	s11 =	simm.s32 $0xD8;
	[smem:$0x7ED] =	sst s10  }
0x33: {  	s12 =	simm.s32 $0xF0;
	[smem:$0x7EE] =	sst s11  }
0x34: {  	s13 =	simm.s32 $0x108;
	[smem:$0x7EF] =	sst s12  }
0x35: {  	s14 =	simm.s32 $0x120;
	[smem:$0x7F0] =	sst s13  }
0x36: {  	s15 =	simm.s32 $0x138;
	[smem:$0x7F1] =	sst s14  }
0x37: {  	s16 =	simm.s32 $0x150;
	[smem:$0x7F2] =	sst s15  }
0x38: {  	s7 =	sadd.s32 $0xEA600, s2;
	s17 =	simm.s32 $0x168;
	[smem:$0x7F3] =	sst s16  }
0x39: {  	s5 =	sshrl.u32 @p0 s7, $0x3;
	[smem:$0x7F4] =	sst s17  }
0x3a: {  	s7 =	simm.s32 $0x78;
	[smem:$0x7E4] =	sst s5  }
0x3b: {  	[smem:$0x7EA] =	sst s7  }
0x3c: {  	s18 =	simm.s32 $0x180;
	s7 =	rddreg [dreg:$0x5]  }
0x3d: {  	[smem:$0x7F5] =	sst s18  }
0x3e: {  	s19 =	simm.s32 $0x198;
	s6 =	sld [smem:$0x7E4]  }
0x3f: {  	s5 =	simm.s32 $0x48;
	[smem:$0x7F6] =	sst s19  }
0x40: {  	s4 =	simm.s32 @p0 $0x1FC5;
	[smem:$0x7E8] =	sst s5;
	s5 =	simm.s32 @p0 $0x5  }
0x41: {  	[spmem:s6], [sflag:s4] =	dma.local @p0 [hbm:s7], $0x1388  }
0x42: {  	_ =	swait.ge @p0 [sflag:s5], $0x1388  }
0x43: {  	s9 =	sld [smem:$0x7E5]  }
0x44: {  	s6 =	sshll.u32 @!p0 s0, $0x6;
	s7 =	simm.s32 @!p0 $0x5;
	[sflag:s5] =	ssyncset.done @p0 $0x0  }
0x45: {  	s6 =	sor.u32 @!p0 $0x1C05, s6;
	s8 =	rddreg [dreg:$0x4];
	[sflag:s5] =	ssyncadd.s32 @p0 $0xFFFFEC78  }
0x46: {  	[spmem:s9], [sflag:s6] =	dma.local @!p0 [hbm:s8], $0x1F40  }
0x47: {  	_ =	swait.ge @!p0 [sflag:s7], $0x1F40  }
0x48: {  	[sflag:s7] =	ssyncset.done @!p0 $0x0  }
0x49: {  	s8 =	simm.s32 $0x5;
	s20 =	rddreg [dreg:$0x6];
	[sflag:s7] =	ssyncadd.s32 @!p0 $0xFFFFE0C0  }
0x4a: {  	[tilespmem:s3], [sflag:$0x5] =	stream.linear.gather [hbm4b:s20+s3], $0x300, $0x38;
	[tilespmem:$0x19368] =	vst v63  }
0x4b: {  	_ =	swait.ge [sflag:s8], $0x300  }
0x4c: {  	[sflag:s8] =	ssyncset.done $0x0  }
0x4d: {  	[sflag:s8] =	ssyncadd.s32 $0xFFFFFD00  }
0x4e: {  	[bflag:$0x0] =	sbarrier.arrive $0xFFFF  }
0x4f: {  	s10 =	simm.s32 $0x300;
	s9 =	simm.s32 $0x14;
	s13 =	sld [smem:$0x7E6]  }
0x50: {  	[tilespmem:s10], [sflag:$0x1] =	stream.indirect.gather [spmem:s2], $0x3E8, s3, s9, $0xb8;
	[tilespmem:$0x19368] =	vst v63  }
0x51: {  	s11 =	simm.s32 $0x5120;
	s12 =	simm.s32 $0x1  }
0x52: {  	[tilespmem:s11], [sflag:$0x2] =	stream.indirect.gather [spmem:s2], $0x3E8, s13, s9, $0xb8;
	[tilespmem:$0x19368] =	vst v63  }
0x53: {  	_ =	swait.ge [sflag:s12], $0x4E20  }
0x54: {  	[sflag:s12] =	ssyncset.done $0x0  }
0x55: {  	s13 =	simm.s32 $0x3;
	s14 =	rddreg [dreg:$0x7];
	[sflag:s12] =	ssyncadd.s32 $0xFFFFB1E0  }
0x56: {  	[hbm4b:s14+s3] =	stream.linear.scatter [tilespmem:s10], [sflag:$0x3], $0x4E20, $0x38;
	[tilespmem:$0x19368] =	vst v63  }
0x57: {  	_ =	swait.ge [sflag:s13], $0x4E20  }
0x58: {  	s15 =	sld [smem:$0x7E7]  }
0x59: {  	[sflag:s13] =	ssyncset.done $0x0  }
0x5a: {  	s14 =	simm.s32 $0x2;
	[sflag:s13] =	ssyncadd.s32 $0xFFFFB1E0  }
0x5b: {  	[tilespmem:s10], [sflag:$0x1] =	stream.indirect.gather [spmem:s2], $0x3E8, s15, s9, $0xb8;
	[tilespmem:$0x19368] =	vst v63  }
0x5c: {  	_ =	swait.ge [sflag:s14], $0x4E20  }
0x5d: {  	[sflag:s14] =	ssyncset.done $0x0  }
0x5e: {  	s15 =	simm.s32 $0x4;
	s16 =	rddreg [dreg:$0x8];
	[sflag:s14] =	ssyncadd.s32 $0xFFFFB1E0  }
0x5f: {  	[hbm4b:s16+s3] =	stream.linear.scatter [tilespmem:s11], [sflag:$0x4], $0x4E20, $0x38;
	[tilespmem:$0x19368] =	vst v63  }
0x60: {  	_ =	swait.ge [sflag:s15], $0x4E20  }
0x61: {  	s21 =	sld [smem:$0x7E8]  }
0x62: {  	[sflag:s15] =	ssyncset.done $0x0  }
0x63: {  	[sflag:s15] =	ssyncadd.s32 $0xFFFFB1E0  }
0x64: {  	[tilespmem:s11], [sflag:$0x2] =	stream.indirect.gather [spmem:s2], $0x3E8, s21, s9, $0xb8;
	[tilespmem:$0x19368] =	vst v63  }
0x65: {  	_ =	swait.ge [sflag:s12], $0x4E20  }
0x66: {  	[sflag:s12] =	ssyncset.done $0x0  }
0x67: {  	s22 =	rddreg [dreg:$0x9];
	[sflag:s12] =	ssyncadd.s32 $0xFFFFB1E0  }
0x68: {  	[hbm4b:s22+s3] =	stream.linear.scatter [tilespmem:s10], [sflag:$0x3], $0x4E20, $0x38;
	[tilespmem:$0x19368] =	vst v63  }
0x69: {  	_ =	swait.ge [sflag:s13], $0x4E20  }
0x6a: {  	s23 =	sld [smem:$0x7E9]  }
0x6b: {  	[sflag:s13] =	ssyncset.done $0x0  }
0x6c: {  	[sflag:s13] =	ssyncadd.s32 $0xFFFFB1E0  }
0x6d: {  	[tilespmem:s10], [sflag:$0x1] =	stream.indirect.gather [spmem:s2], $0x3E8, s23, s9, $0xb8;
	[tilespmem:$0x19368] =	vst v63  }
0x6e: {  	_ =	swait.ge [sflag:s14], $0x4E20  }
0x6f: {  	[sflag:s14] =	ssyncset.done $0x0  }
0x70: {  	s24 =	rddreg [dreg:$0xa];
	[sflag:s14] =	ssyncadd.s32 $0xFFFFB1E0  }
0x71: {  	[hbm4b:s24+s3] =	stream.linear.scatter [tilespmem:s11], [sflag:$0x4], $0x4E20, $0x38;
	[tilespmem:$0x19368] =	vst v63  }
0x72: {  	_ =	swait.ge [sflag:s15], $0x4E20  }
0x73: {  	s25 =	sld [smem:$0x7EA]  }
0x74: {  	[sflag:s15] =	ssyncset.done $0x0  }
0x75: {  	[sflag:s15] =	ssyncadd.s32 $0xFFFFB1E0  }
0x76: {  	[tilespmem:s11], [sflag:$0x2] =	stream.indirect.gather [spmem:s2], $0x3E8, s25, s9, $0xb8;
	[tilespmem:$0x19368] =	vst v63  }
0x77: {  	_ =	swait.ge [sflag:s12], $0x4E20  }
0x78: {  	[sflag:s12] =	ssyncset.done $0x0  }
0x79: {  	s26 =	rddreg [dreg:$0xb];
	[sflag:s12] =	ssyncadd.s32 $0xFFFFB1E0  }
0x7a: {  	[hbm4b:s26+s3] =	stream.linear.scatter [tilespmem:s10], [sflag:$0x3], $0x4E20, $0x38;
	[tilespmem:$0x19368] =	vst v63  }
0x7b: {  	_ =	swait.ge [sflag:s13], $0x4E20  }
0x7c: {  	s0 =	sld [smem:$0x7EB]  }
0x7d: {  	[sflag:s13] =	ssyncset.done $0x0  }
0x7e: {  	[sflag:s13] =	ssyncadd.s32 $0xFFFFB1E0  }
0x7f: {  	[tilespmem:s10], [sflag:$0x1] =	stream.indirect.gather [spmem:s2], $0x3E8, s0, s9, $0xb8;
	[tilespmem:$0x19368] =	vst v63  }
0x80: {  	_ =	swait.ge [sflag:s14], $0x4E20  }
0x81: {  	[sflag:s14] =	ssyncset.done $0x0  }
0x82: {  	s1 =	rddreg [dreg:$0xc];
	[sflag:s14] =	ssyncadd.s32 $0xFFFFB1E0  }
0x83: {  	[hbm4b:s1+s3] =	stream.linear.scatter [tilespmem:s11], [sflag:$0x4], $0x4E20, $0x38;
	[tilespmem:$0x19368] =	vst v63  }
0x84: {  	_ =	swait.ge [sflag:s15], $0x4E20  }
0x85: {  	s17 =	sld [smem:$0x7EC]  }
0x86: {  	[sflag:s15] =	ssyncset.done $0x0  }
0x87: {  	[sflag:s15] =	ssyncadd.s32 $0xFFFFB1E0  }
0x88: {  	[tilespmem:s11], [sflag:$0x2] =	stream.indirect.gather [spmem:s2], $0x3E8, s17, s9, $0xb8;
	[tilespmem:$0x19368] =	vst v63  }
0x89: {  	_ =	swait.ge [sflag:s12], $0x4E20  }
0x8a: {  	[sflag:s12] =	ssyncset.done $0x0  }
0x8b: {  	s18 =	rddreg [dreg:$0xd];
	[sflag:s12] =	ssyncadd.s32 $0xFFFFB1E0  }
0x8c: {  	[hbm4b:s18+s3] =	stream.linear.scatter [tilespmem:s10], [sflag:$0x3], $0x4E20, $0x38;
	[tilespmem:$0x19368] =	vst v63  }
0x8d: {  	_ =	swait.ge [sflag:s13], $0x4E20  }
0x8e: {  	s19 =	sld [smem:$0x7ED]  }
0x8f: {  	[sflag:s13] =	ssyncset.done $0x0  }
0x90: {  	[sflag:s13] =	ssyncadd.s32 $0xFFFFB1E0  }
0x91: {  	[tilespmem:s10], [sflag:$0x1] =	stream.indirect.gather [spmem:s2], $0x3E8, s19, s9, $0xb8;
	[tilespmem:$0x19368] =	vst v63  }
0x92: {  	_ =	swait.ge [sflag:s14], $0x4E20  }
0x93: {  	[sflag:s14] =	ssyncset.done $0x0  }
0x94: {  	s20 =	rddreg [dreg:$0xe];
	[sflag:s14] =	ssyncadd.s32 $0xFFFFB1E0  }
0x95: {  	[hbm4b:s20+s3] =	stream.linear.scatter [tilespmem:s11], [sflag:$0x4], $0x4E20, $0x38;
	[tilespmem:$0x19368] =	vst v63  }
0x96: {  	_ =	swait.ge [sflag:s15], $0x4E20  }
0x97: {  	s21 =	sld [smem:$0x7EE]  }
0x98: {  	[sflag:s15] =	ssyncset.done $0x0  }
0x99: {  	[sflag:s15] =	ssyncadd.s32 $0xFFFFB1E0  }
0x9a: {  	[tilespmem:s11], [sflag:$0x2] =	stream.indirect.gather [spmem:s2], $0x3E8, s21, s9, $0xb8;
	[tilespmem:$0x19368] =	vst v63  }
0x9b: {  	_ =	swait.ge [sflag:s12], $0x4E20  }
0x9c: {  	[sflag:s12] =	ssyncset.done $0x0  }
0x9d: {  	s22 =	rddreg [dreg:$0xf];
	[sflag:s12] =	ssyncadd.s32 $0xFFFFB1E0  }
0x9e: {  	[hbm4b:s22+s3] =	stream.linear.scatter [tilespmem:s10], [sflag:$0x3], $0x4E20, $0x38;
	[tilespmem:$0x19368] =	vst v63  }
0x9f: {  	_ =	swait.ge [sflag:s13], $0x4E20  }
0xa0: {  	s23 =	sld [smem:$0x7EF]  }
0xa1: {  	[sflag:s13] =	ssyncset.done $0x0  }
0xa2: {  	[sflag:s13] =	ssyncadd.s32 $0xFFFFB1E0  }
0xa3: {  	[tilespmem:s10], [sflag:$0x1] =	stream.indirect.gather [spmem:s2], $0x3E8, s23, s9, $0xb8;
	[tilespmem:$0x19368] =	vst v63  }
0xa4: {  	_ =	swait.ge [sflag:s14], $0x4E20  }
0xa5: {  	[sflag:s14] =	ssyncset.done $0x0  }
0xa6: {  	s24 =	rddreg [dreg:$0x10];
	[sflag:s14] =	ssyncadd.s32 $0xFFFFB1E0  }
0xa7: {  	[hbm4b:s24+s3] =	stream.linear.scatter [tilespmem:s11], [sflag:$0x4], $0x4E20, $0x38;
	[tilespmem:$0x19368] =	vst v63  }
0xa8: {  	_ =	swait.ge [sflag:s15], $0x4E20  }
0xa9: {  	s25 =	sld [smem:$0x7F0]  }
0xaa: {  	[sflag:s15] =	ssyncset.done $0x0  }
0xab: {  	[sflag:s15] =	ssyncadd.s32 $0xFFFFB1E0  }
0xac: {  	[tilespmem:s11], [sflag:$0x2] =	stream.indirect.gather [spmem:s2], $0x3E8, s25, s9, $0xb8;
	[tilespmem:$0x19368] =	vst v63  }
0xad: {  	_ =	swait.ge [sflag:s12], $0x4E20  }
0xae: {  	[sflag:s12] =	ssyncset.done $0x0  }
0xaf: {  	s26 =	rddreg [dreg:$0x11];
	[sflag:s12] =	ssyncadd.s32 $0xFFFFB1E0  }
0xb0: {  	[hbm4b:s26+s3] =	stream.linear.scatter [tilespmem:s10], [sflag:$0x3], $0x4E20, $0x38;
	[tilespmem:$0x19368] =	vst v63  }
0xb1: {  	_ =	swait.ge [sflag:s13], $0x4E20  }
0xb2: {  	s0 =	sld [smem:$0x7F1]  }
0xb3: {  	[sflag:s13] =	ssyncset.done $0x0  }
0xb4: {  	[sflag:s13] =	ssyncadd.s32 $0xFFFFB1E0  }
0xb5: {  	[tilespmem:s10], [sflag:$0x1] =	stream.indirect.gather [spmem:s2], $0x3E8, s0, s9, $0xb8;
	[tilespmem:$0x19368] =	vst v63  }
0xb6: {  	_ =	swait.ge [sflag:s14], $0x4E20  }
0xb7: {  	[sflag:s14] =	ssyncset.done $0x0  }
0xb8: {  	s1 =	rddreg [dreg:$0x12];
	[sflag:s14] =	ssyncadd.s32 $0xFFFFB1E0  }
0xb9: {  	[hbm4b:s1+s3] =	stream.linear.scatter [tilespmem:s11], [sflag:$0x4], $0x4E20, $0x38;
	[tilespmem:$0x19368] =	vst v63  }
0xba: {  	_ =	swait.ge [sflag:s15], $0x4E20  }
0xbb: {  	s17 =	sld [smem:$0x7F2]  }
0xbc: {  	[sflag:s15] =	ssyncset.done $0x0  }
0xbd: {  	[sflag:s15] =	ssyncadd.s32 $0xFFFFB1E0  }
0xbe: {  	[tilespmem:s11], [sflag:$0x2] =	stream.indirect.gather [spmem:s2], $0x3E8, s17, s9, $0xb8;
	[tilespmem:$0x19368] =	vst v63  }
0xbf: {  	_ =	swait.ge [sflag:s12], $0x4E20  }
0xc0: {  	[sflag:s12] =	ssyncset.done $0x0  }
0xc1: {  	s18 =	rddreg [dreg:$0x13];
	[sflag:s12] =	ssyncadd.s32 $0xFFFFB1E0  }
0xc2: {  	[hbm4b:s18+s3] =	stream.linear.scatter [tilespmem:s10], [sflag:$0x3], $0x4E20, $0x38;
	[tilespmem:$0x19368] =	vst v63  }
0xc3: {  	_ =	swait.ge [sflag:s13], $0x4E20  }
0xc4: {  	s19 =	sld [smem:$0x7F3]  }
0xc5: {  	[sflag:s13] =	ssyncset.done $0x0  }
0xc6: {  	[sflag:s13] =	ssyncadd.s32 $0xFFFFB1E0  }
0xc7: {  	[tilespmem:s10], [sflag:$0x1] =	stream.indirect.gather [spmem:s2], $0x3E8, s19, s9, $0xb8;
	[tilespmem:$0x19368] =	vst v63  }
0xc8: {  	_ =	swait.ge [sflag:s14], $0x4E20  }
0xc9: {  	[sflag:s14] =	ssyncset.done $0x0  }
0xca: {  	s20 =	rddreg [dreg:$0x14];
	[sflag:s14] =	ssyncadd.s32 $0xFFFFB1E0  }
0xcb: {  	[hbm4b:s20+s3] =	stream.linear.scatter [tilespmem:s11], [sflag:$0x4], $0x4E20, $0x38;
	[tilespmem:$0x19368] =	vst v63  }
0xcc: {  	_ =	swait.ge [sflag:s15], $0x4E20  }
0xcd: {  	s21 =	sld [smem:$0x7F4]  }
0xce: {  	[sflag:s15] =	ssyncset.done $0x0  }
0xcf: {  	[sflag:s15] =	ssyncadd.s32 $0xFFFFB1E0  }
0xd0: {  	[tilespmem:s11], [sflag:$0x2] =	stream.indirect.gather [spmem:s2], $0x3E8, s21, s9, $0xb8;
	[tilespmem:$0x19368] =	vst v63  }
0xd1: {  	_ =	swait.ge [sflag:s12], $0x4E20  }
0xd2: {  	[sflag:s12] =	ssyncset.done $0x0  }
0xd3: {  	s22 =	rddreg [dreg:$0x15];
	[sflag:s12] =	ssyncadd.s32 $0xFFFFB1E0  }
0xd4: {  	[hbm4b:s22+s3] =	stream.linear.scatter [tilespmem:s10], [sflag:$0x3], $0x4E20, $0x38;
	[tilespmem:$0x19368] =	vst v63  }
0xd5: {  	_ =	swait.ge [sflag:s13], $0x4E20  }
0xd6: {  	s23 =	sld [smem:$0x7F5]  }
0xd7: {  	[sflag:s13] =	ssyncset.done $0x0  }
0xd8: {  	[sflag:s13] =	ssyncadd.s32 $0xFFFFB1E0  }
0xd9: {  	[tilespmem:s10], [sflag:$0x1] =	stream.indirect.gather [spmem:s2], $0x3E8, s23, s9, $0xb8;
	[tilespmem:$0x19368] =	vst v63  }
0xda: {  	_ =	swait.ge [sflag:s14], $0x4E20  }
0xdb: {  	[sflag:s14] =	ssyncset.done $0x0  }
0xdc: {  	s24 =	rddreg [dreg:$0x16];
	[sflag:s14] =	ssyncadd.s32 $0xFFFFB1E0  }
0xdd: {  	[hbm4b:s24+s3] =	stream.linear.scatter [tilespmem:s11], [sflag:$0x4], $0x4E20, $0x38;
	[tilespmem:$0x19368] =	vst v63  }
0xde: {  	_ =	swait.ge [sflag:s15], $0x4E20  }
0xdf: {  	s25 =	sld [smem:$0x7F6]  }
0xe0: {  	[sflag:s15] =	ssyncset.done $0x0  }
0xe1: {  	[sflag:s15] =	ssyncadd.s32 $0xFFFFB1E0  }
0xe2: {  	[tilespmem:s11], [sflag:$0x2] =	stream.indirect.gather [spmem:s2], $0x3E8, s25, s9, $0xb8;
	[tilespmem:$0x19368] =	vst v63  }
0xe3: {  	_ =	swait.ge [sflag:s12], $0x4E20  }
0xe4: {  	[sflag:s12] =	ssyncset.done $0x0  }
0xe5: {  	s26 =	rddreg [dreg:$0x17];
	[sflag:s12] =	ssyncadd.s32 $0xFFFFB1E0  }
0xe6: {  	[hbm4b:s26+s3] =	stream.linear.scatter [tilespmem:s10], [sflag:$0x3], $0x4E20, $0x38;
	[tilespmem:$0x19368] =	vst v63  }
0xe7: {  	_ =	swait.ge [sflag:s13], $0x4E20  }
0xe8: {  	[sflag:s13] =	ssyncset.done $0x0  }
0xe9: {  	s16 =	simm.s32 $0x1B0;
	[sflag:s13] =	ssyncadd.s32 $0xFFFFB1E0  }
0xea: {  	[tilespmem:s10], [sflag:$0x1] =	stream.indirect.gather [spmem:s2], $0x3E8, s16, s9, $0xb8;
	[tilespmem:$0x19368] =	vst v63  }
0xeb: {  	_ =	swait.ge [sflag:s14], $0x4E20  }
0xec: {  	[sflag:s14] =	ssyncset.done $0x0  }
0xed: {  	s17 =	rddreg [dreg:$0x18];
	[sflag:s14] =	ssyncadd.s32 $0xFFFFB1E0  }
0xee: {  	[hbm4b:s17+s3] =	stream.linear.scatter [tilespmem:s11], [sflag:$0x4], $0x4E20, $0x38;
	[tilespmem:$0x19368] =	vst v63  }
0xef: {  	_ =	swait.ge [sflag:s15], $0x4E20  }
0xf0: {  	[sflag:s15] =	ssyncset.done $0x0  }
0xf1: {  	s17 =	simm.s32 $0x1C8;
	[sflag:s15] =	ssyncadd.s32 $0xFFFFB1E0  }
0xf2: {  	[tilespmem:s11], [sflag:$0x2] =	stream.indirect.gather [spmem:s2], $0x3E8, s17, s9, $0xb8;
	[tilespmem:$0x19368] =	vst v63  }
0xf3: {  	_ =	swait.ge [sflag:s12], $0x4E20  }
0xf4: {  	[sflag:s12] =	ssyncset.done $0x0  }
0xf5: {  	s18 =	rddreg [dreg:$0x19];
	[sflag:s12] =	ssyncadd.s32 $0xFFFFB1E0  }
0xf6: {  	[hbm4b:s18+s3] =	stream.linear.scatter [tilespmem:s10], [sflag:$0x3], $0x4E20, $0x38;
	[tilespmem:$0x19368] =	vst v63  }
0xf7: {  	_ =	swait.ge [sflag:s13], $0x4E20  }
0xf8: {  	[sflag:s13] =	ssyncset.done $0x0  }
0xf9: {  	s18 =	simm.s32 $0x1E0;
	[sflag:s13] =	ssyncadd.s32 $0xFFFFB1E0  }
0xfa: {  	[tilespmem:s10], [sflag:$0x1] =	stream.indirect.gather [spmem:s2], $0x3E8, s18, s9, $0xb8;
	[tilespmem:$0x19368] =	vst v63  }
0xfb: {  	_ =	swait.ge [sflag:s14], $0x4E20  }
0xfc: {  	[sflag:s14] =	ssyncset.done $0x0  }
0xfd: {  	s19 =	rddreg [dreg:$0x1a];
	[sflag:s14] =	ssyncadd.s32 $0xFFFFB1E0  }
0xfe: {  	[hbm4b:s19+s3] =	stream.linear.scatter [tilespmem:s11], [sflag:$0x4], $0x4E20, $0x38;
	[tilespmem:$0x19368] =	vst v63  }
0xff: {  	_ =	swait.ge [sflag:s15], $0x4E20  }
0x100: {  	[sflag:s15] =	ssyncset.done $0x0  }
0x101: {  	s19 =	simm.s32 $0x1F8;
	[sflag:s15] =	ssyncadd.s32 $0xFFFFB1E0  }
0x102: {  	[tilespmem:s11], [sflag:$0x2] =	stream.indirect.gather [spmem:s2], $0x3E8, s19, s9, $0xb8;
	[tilespmem:$0x19368] =	vst v63  }
0x103: {  	_ =	swait.ge [sflag:s12], $0x4E20  }
0x104: {  	[sflag:s12] =	ssyncset.done $0x0  }
0x105: {  	s20 =	rddreg [dreg:$0x1b];
	[sflag:s12] =	ssyncadd.s32 $0xFFFFB1E0  }
0x106: {  	[hbm4b:s20+s3] =	stream.linear.scatter [tilespmem:s10], [sflag:$0x3], $0x4E20, $0x38;
	[tilespmem:$0x19368] =	vst v63  }
0x107: {  	_ =	swait.ge [sflag:s13], $0x4E20  }
0x108: {  	[sflag:s13] =	ssyncset.done $0x0  }
0x109: {  	s20 =	simm.s32 $0x210;
	[sflag:s13] =	ssyncadd.s32 $0xFFFFB1E0  }
0x10a: {  	[tilespmem:s10], [sflag:$0x1] =	stream.indirect.gather [spmem:s2], $0x3E8, s20, s9, $0xb8;
	[tilespmem:$0x19368] =	vst v63  }
0x10b: {  	_ =	swait.ge [sflag:s14], $0x4E20  }
0x10c: {  	[sflag:s14] =	ssyncset.done $0x0  }
0x10d: {  	s21 =	rddreg [dreg:$0x1c];
	[sflag:s14] =	ssyncadd.s32 $0xFFFFB1E0  }
0x10e: {  	[hbm4b:s21+s3] =	stream.linear.scatter [tilespmem:s11], [sflag:$0x4], $0x4E20, $0x38;
	[tilespmem:$0x19368] =	vst v63  }
0x10f: {  	_ =	swait.ge [sflag:s15], $0x4E20  }
0x110: {  	[sflag:s15] =	ssyncset.done $0x0  }
0x111: {  	s21 =	simm.s32 $0x228;
	[sflag:s15] =	ssyncadd.s32 $0xFFFFB1E0  }
0x112: {  	[tilespmem:s11], [sflag:$0x2] =	stream.indirect.gather [spmem:s2], $0x3E8, s21, s9, $0xb8;
	[tilespmem:$0x19368] =	vst v63  }
0x113: {  	_ =	swait.ge [sflag:s12], $0x4E20  }
0x114: {  	[sflag:s12] =	ssyncset.done $0x0  }
0x115: {  	s22 =	rddreg [dreg:$0x1d];
	[sflag:s12] =	ssyncadd.s32 $0xFFFFB1E0  }
0x116: {  	[hbm4b:s22+s3] =	stream.linear.scatter [tilespmem:s10], [sflag:$0x3], $0x4E20, $0x38;
	[tilespmem:$0x19368] =	vst v63  }
0x117: {  	_ =	swait.ge [sflag:s13], $0x4E20  }
0x118: {  	[sflag:s13] =	ssyncset.done $0x0  }
0x119: {  	s22 =	simm.s32 $0x240;
	[sflag:s13] =	ssyncadd.s32 $0xFFFFB1E0  }
0x11a: {  	[tilespmem:s10], [sflag:$0x1] =	stream.indirect.gather [spmem:s2], $0x3E8, s22, s9, $0xb8;
	[tilespmem:$0x19368] =	vst v63  }
0x11b: {  	_ =	swait.ge [sflag:s14], $0x4E20  }
0x11c: {  	[sflag:s14] =	ssyncset.done $0x0  }
0x11d: {  	s23 =	rddreg [dreg:$0x1e];
	[sflag:s14] =	ssyncadd.s32 $0xFFFFB1E0  }
0x11e: {  	[hbm4b:s23+s3] =	stream.linear.scatter [tilespmem:s11], [sflag:$0x4], $0x4E20, $0x38;
	[tilespmem:$0x19368] =	vst v63  }
0x11f: {  	_ =	swait.ge [sflag:s15], $0x4E20  }
0x120: {  	[sflag:s15] =	ssyncset.done $0x0  }
0x121: {  	s23 =	simm.s32 $0x258;
	[sflag:s15] =	ssyncadd.s32 $0xFFFFB1E0  }
0x122: {  	[tilespmem:s11], [sflag:$0x2] =	stream.indirect.gather [spmem:s2], $0x3E8, s23, s9, $0xb8;
	[tilespmem:$0x19368] =	vst v63  }
0x123: {  	_ =	swait.ge [sflag:s12], $0x4E20  }
0x124: {  	[sflag:s12] =	ssyncset.done $0x0  }
0x125: {  	s24 =	rddreg [dreg:$0x1f];
	[sflag:s12] =	ssyncadd.s32 $0xFFFFB1E0  }
0x126: {  	[hbm4b:s24+s3] =	stream.linear.scatter [tilespmem:s10], [sflag:$0x3], $0x4E20, $0x38;
	[tilespmem:$0x19368] =	vst v63  }
0x127: {  	_ =	swait.ge [sflag:s13], $0x4E20  }
0x128: {  	[sflag:s13] =	ssyncset.done $0x0  }
0x129: {  	s24 =	simm.s32 $0x270;
	[sflag:s13] =	ssyncadd.s32 $0xFFFFB1E0  }
0x12a: {  	[tilespmem:s10], [sflag:$0x1] =	stream.indirect.gather [spmem:s2], $0x3E8, s24, s9, $0xb8;
	[tilespmem:$0x19368] =	vst v63  }
0x12b: {  	_ =	swait.ge [sflag:s14], $0x4E20  }
0x12c: {  	s25 =	sld [smem:$0x7F7]  }
0x12d: {  	[sflag:s14] =	ssyncset.done $0x0  }
0x12e: {  	[sflag:s14] =	ssyncadd.s32 $0xFFFFB1E0  }
0x12f: {  	[hbm4b:s25+s3] =	stream.linear.scatter [tilespmem:s11], [sflag:$0x4], $0x4E20, $0x38;
	[tilespmem:$0x19368] =	vst v63  }
0x130: {  	_ =	swait.ge [sflag:s15], $0x4E20  }
0x131: {  	[sflag:s15] =	ssyncset.done $0x0  }
0x132: {  	s25 =	simm.s32 $0x288;
	[sflag:s15] =	ssyncadd.s32 $0xFFFFB1E0  }
0x133: {  	[tilespmem:s11], [sflag:$0x2] =	stream.indirect.gather [spmem:s2], $0x3E8, s25, s9, $0xb8;
	[tilespmem:$0x19368] =	vst v63  }
0x134: {  	_ =	swait.ge [sflag:s12], $0x4E20  }
0x135: {  	s26 =	sld [smem:$0x7F8]  }
0x136: {  	[sflag:s12] =	ssyncset.done $0x0  }
0x137: {  	[sflag:s12] =	ssyncadd.s32 $0xFFFFB1E0  }
0x138: {  	[hbm4b:s26+s3] =	stream.linear.scatter [tilespmem:s10], [sflag:$0x3], $0x4E20, $0x38;
	[tilespmem:$0x19368] =	vst v63  }
0x139: {  	_ =	swait.ge [sflag:s13], $0x4E20  }
0x13a: {  	[sflag:s13] =	ssyncset.done $0x0  }
0x13b: {  	s26 =	simm.s32 $0x2A0;
	[sflag:s13] =	ssyncadd.s32 $0xFFFFB1E0  }
0x13c: {  	[tilespmem:s10], [sflag:$0x1] =	stream.indirect.gather [spmem:s2], $0x3E8, s26, s9, $0xb8;
	[tilespmem:$0x19368] =	vst v63  }
0x13d: {  	_ =	swait.ge [sflag:s14], $0x4E20  }
0x13e: {  	s28 =	sld [smem:$0x7F9]  }
0x13f: {  	[sflag:s14] =	ssyncset.done $0x0  }
0x140: {  	[sflag:s14] =	ssyncadd.s32 $0xFFFFB1E0  }
0x141: {  	[hbm4b:s28+s3] =	stream.linear.scatter [tilespmem:s11], [sflag:$0x4], $0x4E20, $0x38;
	[tilespmem:$0x19368] =	vst v63  }
0x142: {  	_ =	swait.ge [sflag:s15], $0x4E20  }
0x143: {  	[sflag:s15] =	ssyncset.done $0x0  }
0x144: {  	s28 =	simm.s32 $0x2B8;
	[sflag:s15] =	ssyncadd.s32 $0xFFFFB1E0  }
0x145: {  	[tilespmem:s11], [sflag:$0x2] =	stream.indirect.gather [spmem:s2], $0x3E8, s28, s9, $0xb8;
	[tilespmem:$0x19368] =	vst v63  }
0x146: {  	_ =	swait.ge [sflag:s12], $0x4E20  }
0x147: {  	s29 =	sld [smem:$0x7FA]  }
0x148: {  	[sflag:s12] =	ssyncset.done $0x0  }
0x149: {  	[sflag:s12] =	ssyncadd.s32 $0xFFFFB1E0  }
0x14a: {  	[hbm4b:s29+s3] =	stream.linear.scatter [tilespmem:s10], [sflag:$0x3], $0x4E20, $0x38;
	[tilespmem:$0x19368] =	vst v63  }
0x14b: {  	_ =	swait.ge [sflag:s13], $0x4E20  }
0x14c: {  	[sflag:s13] =	ssyncset.done $0x0  }
0x14d: {  	s29 =	simm.s32 $0x2D0;
	[sflag:s13] =	ssyncadd.s32 $0xFFFFB1E0  }
0x14e: {  	[tilespmem:s10], [sflag:$0x1] =	stream.indirect.gather [spmem:s2], $0x3E8, s29, s9, $0xb8;
	[tilespmem:$0x19368] =	vst v63  }
0x14f: {  	_ =	swait.ge [sflag:s14], $0x4E20  }
0x150: {  	s30 =	sld [smem:$0x7FB]  }
0x151: {  	[sflag:s14] =	ssyncset.done $0x0  }
0x152: {  	[sflag:s14] =	ssyncadd.s32 $0xFFFFB1E0  }
0x153: {  	[hbm4b:s30+s3] =	stream.linear.scatter [tilespmem:s11], [sflag:$0x4], $0x4E20, $0x38;
	[tilespmem:$0x19368] =	vst v63  }
0x154: {  	_ =	swait.ge [sflag:s15], $0x4E20  }
0x155: {  	[sflag:s15] =	ssyncset.done $0x0  }
0x156: {  	s30 =	simm.s32 $0x2E8;
	[sflag:s15] =	ssyncadd.s32 $0xFFFFB1E0  }
0x157: {  	[tilespmem:s11], [sflag:$0x2] =	stream.indirect.gather [spmem:s2], $0x3E8, s30, s9, $0xb8;
	[tilespmem:$0x19368] =	vst v63  }
0x158: {  	_ =	swait.ge [sflag:s12], $0x4E20  }
0x159: {  	s0 =	sld [smem:$0x7FC]  }
0x15a: {  	[sflag:s12] =	ssyncset.done $0x0  }
0x15b: {  	[sflag:s12] =	ssyncadd.s32 $0xFFFFB1E0  }
0x15c: {  	[hbm4b:s0+s3] =	stream.linear.scatter [tilespmem:s10], [sflag:$0x3], $0x4E20, $0x38;
	[tilespmem:$0x19368] =	vst v63  }
0x15d: {  	s1 =	ssub.s32 $0x2, s31;
	_ =	swait.ge [sflag:s14], $0x4E20  }
0x15e: {  	s0 =	sshrl.u32 s1, $0x1;
	s31 =	sld [smem:$0x7FD]  }
0x15f: {  	s0 =	ssub.s32 s1, s0;
	[sflag:s14] =	ssyncset.done $0x0  }
0x160: {  	s0 =	smax.u32 s0, $0x1;
	[sflag:s14] =	ssyncadd.s32 $0xFFFFB1E0  }
0x161: {  	[hbm4b:s31+s3] =	stream.linear.scatter [tilespmem:s11], [sflag:$0x4], $0x4E20, $0x38;
	[tilespmem:$0x19368] =	vst v63  }
0x162: {  	s31 =	sadd.s32 $0xFFFFFFFF, s0  }
0x163: {  	p1 =	sne.s32 s31, $0x0  }
.Ltmp0:
0x164: {  	_ = 	snop;
	(pc) =	sbr.rel @!p1 .LBB2_2-.Ltmp0, $4  }
0x165: {  	_ =	swait.ge [sflag:s13], $0x4E20  }
0x166: {  	[sflag:s13] =	ssyncset.done $0x0  }
0x167: {  	[sflag:s13] =	ssyncadd.s32 $0xFFFFB1E0  }
0x168: {  	_ =	swait.ge [sflag:s15], $0x4E20  }
.LBB2_1:
0x169: {  	s0 =	sld [smem:$0x7E4]  }
0x16a: {  	[sflag:s15] =	ssyncset.done $0x0  }
0x16b: {  	s1 =	rddreg [dreg:$0x5];
	[sflag:s15] =	ssyncadd.s32 $0xFFFFB1E0  }
0x16c: {  	[spmem:s0], [sflag:s4] =	dma.local @p0 [hbm:s1], $0x1388  }
0x16d: {  	_ =	swait.ge @p0 [sflag:s5], $0x1388  }
0x16e: {  	s1 =	sld [smem:$0x7E5]  }
0x16f: {  	[sflag:s5] =	ssyncset.done @p0 $0x0  }
0x170: {  	s0 =	rddreg [dreg:$0x4];
	[sflag:s5] =	ssyncadd.s32 @p0 $0xFFFFEC78  }
0x171: {  	[spmem:s1], [sflag:s6] =	dma.local @!p0 [hbm:s0], $0x1F40  }
0x172: {  	_ =	swait.ge @!p0 [sflag:s7], $0x1F40  }
0x173: {  	[sflag:s7] =	ssyncset.done @!p0 $0x0  }
0x174: {  	s1 =	rddreg [dreg:$0x6];
	[sflag:s7] =	ssyncadd.s32 @!p0 $0xFFFFE0C0  }
0x175: {  	[tilespmem:s3], [sflag:$0x5] =	stream.linear.gather [hbm4b:s1+s3], $0x300, $0x38;
	[tilespmem:$0x19368] =	vst v63  }
0x176: {  	_ =	swait.ge [sflag:s8], $0x300  }
0x177: {  	[sflag:s8] =	ssyncset.done $0x0  }
0x178: {  	[sflag:s8] =	ssyncadd.s32 $0xFFFFFD00  }
0x179: {  	[bflag:$0x0] =	sbarrier.arrive $0xFFFF  }
0x17a: {  	s1 =	sld [smem:$0x7E6]  }
0x17b: {  	[tilespmem:s10], [sflag:$0x1] =	stream.indirect.gather [spmem:s2], $0x3E8, s3, s9, $0xb8;
	[tilespmem:$0x19368] =	vst v63  }
0x17c: {  	_ = 	snop  }
0x17d: {  	[tilespmem:s11], [sflag:$0x2] =	stream.indirect.gather [spmem:s2], $0x3E8, s1, s9, $0xb8;
	[tilespmem:$0x19368] =	vst v63  }
0x17e: {  	_ =	swait.ge [sflag:s12], $0x4E20  }
0x17f: {  	[sflag:s12] =	ssyncset.done $0x0  }
0x180: {  	s1 =	rddreg [dreg:$0x7];
	[sflag:s12] =	ssyncadd.s32 $0xFFFFB1E0  }
0x181: {  	[hbm4b:s1+s3] =	stream.linear.scatter [tilespmem:s10], [sflag:$0x3], $0x4E20, $0x38;
	[tilespmem:$0x19368] =	vst v63  }
0x182: {  	_ =	swait.ge [sflag:s13], $0x4E20  }
0x183: {  	s1 =	sld [smem:$0x7E7]  }
0x184: {  	[sflag:s13] =	ssyncset.done $0x0  }
0x185: {  	[sflag:s13] =	ssyncadd.s32 $0xFFFFB1E0  }
0x186: {  	[tilespmem:s10], [sflag:$0x1] =	stream.indirect.gather [spmem:s2], $0x3E8, s1, s9, $0xb8;
	[tilespmem:$0x19368] =	vst v63  }
0x187: {  	_ =	swait.ge [sflag:s14], $0x4E20  }
0x188: {  	[sflag:s14] =	ssyncset.done $0x0  }
0x189: {  	s1 =	rddreg [dreg:$0x8];
	[sflag:s14] =	ssyncadd.s32 $0xFFFFB1E0  }
0x18a: {  	[hbm4b:s1+s3] =	stream.linear.scatter [tilespmem:s11], [sflag:$0x4], $0x4E20, $0x38;
	[tilespmem:$0x19368] =	vst v63  }
0x18b: {  	_ =	swait.ge [sflag:s15], $0x4E20  }
0x18c: {  	s1 =	sld [smem:$0x7E8]  }
0x18d: {  	[sflag:s15] =	ssyncset.done $0x0  }
0x18e: {  	[sflag:s15] =	ssyncadd.s32 $0xFFFFB1E0  }
0x18f: {  	[tilespmem:s11], [sflag:$0x2] =	stream.indirect.gather [spmem:s2], $0x3E8, s1, s9, $0xb8;
	[tilespmem:$0x19368] =	vst v63  }
0x190: {  	_ =	swait.ge [sflag:s12], $0x4E20  }
0x191: {  	[sflag:s12] =	ssyncset.done $0x0  }
0x192: {  	s1 =	rddreg [dreg:$0x9];
	[sflag:s12] =	ssyncadd.s32 $0xFFFFB1E0  }
0x193: {  	[hbm4b:s1+s3] =	stream.linear.scatter [tilespmem:s10], [sflag:$0x3], $0x4E20, $0x38;
	[tilespmem:$0x19368] =	vst v63  }
0x194: {  	_ =	swait.ge [sflag:s13], $0x4E20  }
0x195: {  	s1 =	sld [smem:$0x7E9]  }
0x196: {  	[sflag:s13] =	ssyncset.done $0x0  }
0x197: {  	[sflag:s13] =	ssyncadd.s32 $0xFFFFB1E0  }
0x198: {  	[tilespmem:s10], [sflag:$0x1] =	stream.indirect.gather [spmem:s2], $0x3E8, s1, s9, $0xb8;
	[tilespmem:$0x19368] =	vst v63  }
0x199: {  	_ =	swait.ge [sflag:s14], $0x4E20  }
0x19a: {  	[sflag:s14] =	ssyncset.done $0x0  }
0x19b: {  	s1 =	rddreg [dreg:$0xa];
	[sflag:s14] =	ssyncadd.s32 $0xFFFFB1E0  }
0x19c: {  	[hbm4b:s1+s3] =	stream.linear.scatter [tilespmem:s11], [sflag:$0x4], $0x4E20, $0x38;
	[tilespmem:$0x19368] =	vst v63  }
0x19d: {  	_ =	swait.ge [sflag:s15], $0x4E20  }
0x19e: {  	s1 =	sld [smem:$0x7EA]  }
0x19f: {  	[sflag:s15] =	ssyncset.done $0x0  }
0x1a0: {  	[sflag:s15] =	ssyncadd.s32 $0xFFFFB1E0  }
0x1a1: {  	[tilespmem:s11], [sflag:$0x2] =	stream.indirect.gather [spmem:s2], $0x3E8, s1, s9, $0xb8;
	[tilespmem:$0x19368] =	vst v63  }
0x1a2: {  	_ =	swait.ge [sflag:s12], $0x4E20  }
0x1a3: {  	[sflag:s12] =	ssyncset.done $0x0  }
0x1a4: {  	s1 =	rddreg [dreg:$0xb];
	[sflag:s12] =	ssyncadd.s32 $0xFFFFB1E0  }
0x1a5: {  	[hbm4b:s1+s3] =	stream.linear.scatter [tilespmem:s10], [sflag:$0x3], $0x4E20, $0x38;
	[tilespmem:$0x19368] =	vst v63  }
0x1a6: {  	_ =	swait.ge [sflag:s13], $0x4E20  }
0x1a7: {  	s1 =	sld [smem:$0x7EB]  }
0x1a8: {  	[sflag:s13] =	ssyncset.done $0x0  }
0x1a9: {  	[sflag:s13] =	ssyncadd.s32 $0xFFFFB1E0  }
0x1aa: {  	[tilespmem:s10], [sflag:$0x1] =	stream.indirect.gather [spmem:s2], $0x3E8, s1, s9, $0xb8;
	[tilespmem:$0x19368] =	vst v63  }
0x1ab: {  	_ =	swait.ge [sflag:s14], $0x4E20  }
0x1ac: {  	[sflag:s14] =	ssyncset.done $0x0  }
0x1ad: {  	s1 =	rddreg [dreg:$0xc];
	[sflag:s14] =	ssyncadd.s32 $0xFFFFB1E0  }
0x1ae: {  	[hbm4b:s1+s3] =	stream.linear.scatter [tilespmem:s11], [sflag:$0x4], $0x4E20, $0x38;
	[tilespmem:$0x19368] =	vst v63  }
0x1af: {  	_ =	swait.ge [sflag:s15], $0x4E20  }
0x1b0: {  	s1 =	sld [smem:$0x7EC]  }
0x1b1: {  	[sflag:s15] =	ssyncset.done $0x0  }
0x1b2: {  	[sflag:s15] =	ssyncadd.s32 $0xFFFFB1E0  }
0x1b3: {  	[tilespmem:s11], [sflag:$0x2] =	stream.indirect.gather [spmem:s2], $0x3E8, s1, s9, $0xb8;
	[tilespmem:$0x19368] =	vst v63  }
0x1b4: {  	_ =	swait.ge [sflag:s12], $0x4E20  }
0x1b5: {  	[sflag:s12] =	ssyncset.done $0x0  }
0x1b6: {  	s1 =	rddreg [dreg:$0xd];
	[sflag:s12] =	ssyncadd.s32 $0xFFFFB1E0  }
0x1b7: {  	[hbm4b:s1+s3] =	stream.linear.scatter [tilespmem:s10], [sflag:$0x3], $0x4E20, $0x38;
	[tilespmem:$0x19368] =	vst v63  }
0x1b8: {  	_ =	swait.ge [sflag:s13], $0x4E20  }
0x1b9: {  	s1 =	sld [smem:$0x7ED]  }
0x1ba: {  	[sflag:s13] =	ssyncset.done $0x0  }
0x1bb: {  	[sflag:s13] =	ssyncadd.s32 $0xFFFFB1E0  }
0x1bc: {  	[tilespmem:s10], [sflag:$0x1] =	stream.indirect.gather [spmem:s2], $0x3E8, s1, s9, $0xb8;
	[tilespmem:$0x19368] =	vst v63  }
0x1bd: {  	_ =	swait.ge [sflag:s14], $0x4E20  }
0x1be: {  	[sflag:s14] =	ssyncset.done $0x0  }
0x1bf: {  	s1 =	rddreg [dreg:$0xe];
	[sflag:s14] =	ssyncadd.s32 $0xFFFFB1E0  }
0x1c0: {  	[hbm4b:s1+s3] =	stream.linear.scatter [tilespmem:s11], [sflag:$0x4], $0x4E20, $0x38;
	[tilespmem:$0x19368] =	vst v63  }
0x1c1: {  	_ =	swait.ge [sflag:s15], $0x4E20  }
0x1c2: {  	s1 =	sld [smem:$0x7EE]  }
0x1c3: {  	[sflag:s15] =	ssyncset.done $0x0  }
0x1c4: {  	[sflag:s15] =	ssyncadd.s32 $0xFFFFB1E0  }
0x1c5: {  	[tilespmem:s11], [sflag:$0x2] =	stream.indirect.gather [spmem:s2], $0x3E8, s1, s9, $0xb8;
	[tilespmem:$0x19368] =	vst v63  }
0x1c6: {  	_ =	swait.ge [sflag:s12], $0x4E20  }
0x1c7: {  	[sflag:s12] =	ssyncset.done $0x0  }
0x1c8: {  	s1 =	rddreg [dreg:$0xf];
	[sflag:s12] =	ssyncadd.s32 $0xFFFFB1E0  }
0x1c9: {  	[hbm4b:s1+s3] =	stream.linear.scatter [tilespmem:s10], [sflag:$0x3], $0x4E20, $0x38;
	[tilespmem:$0x19368] =	vst v63  }
0x1ca: {  	_ =	swait.ge [sflag:s13], $0x4E20  }
0x1cb: {  	s1 =	sld [smem:$0x7EF]  }
0x1cc: {  	[sflag:s13] =	ssyncset.done $0x0  }
0x1cd: {  	[sflag:s13] =	ssyncadd.s32 $0xFFFFB1E0  }
0x1ce: {  	[tilespmem:s10], [sflag:$0x1] =	stream.indirect.gather [spmem:s2], $0x3E8, s1, s9, $0xb8;
	[tilespmem:$0x19368] =	vst v63  }
0x1cf: {  	_ =	swait.ge [sflag:s14], $0x4E20  }
0x1d0: {  	[sflag:s14] =	ssyncset.done $0x0  }
0x1d1: {  	s1 =	rddreg [dreg:$0x10];
	[sflag:s14] =	ssyncadd.s32 $0xFFFFB1E0  }
0x1d2: {  	[hbm4b:s1+s3] =	stream.linear.scatter [tilespmem:s11], [sflag:$0x4], $0x4E20, $0x38;
	[tilespmem:$0x19368] =	vst v63  }
0x1d3: {  	_ =	swait.ge [sflag:s15], $0x4E20  }
0x1d4: {  	s1 =	sld [smem:$0x7F0]  }
0x1d5: {  	[sflag:s15] =	ssyncset.done $0x0  }
0x1d6: {  	[sflag:s15] =	ssyncadd.s32 $0xFFFFB1E0  }
0x1d7: {  	[tilespmem:s11], [sflag:$0x2] =	stream.indirect.gather [spmem:s2], $0x3E8, s1, s9, $0xb8;
	[tilespmem:$0x19368] =	vst v63  }
0x1d8: {  	_ =	swait.ge [sflag:s12], $0x4E20  }
0x1d9: {  	[sflag:s12] =	ssyncset.done $0x0  }
0x1da: {  	s1 =	rddreg [dreg:$0x11];
	[sflag:s12] =	ssyncadd.s32 $0xFFFFB1E0  }
0x1db: {  	[hbm4b:s1+s3] =	stream.linear.scatter [tilespmem:s10], [sflag:$0x3], $0x4E20, $0x38;
	[tilespmem:$0x19368] =	vst v63  }
0x1dc: {  	_ =	swait.ge [sflag:s13], $0x4E20  }
0x1dd: {  	s1 =	sld [smem:$0x7F1]  }
0x1de: {  	[sflag:s13] =	ssyncset.done $0x0  }
0x1df: {  	[sflag:s13] =	ssyncadd.s32 $0xFFFFB1E0  }
0x1e0: {  	[tilespmem:s10], [sflag:$0x1] =	stream.indirect.gather [spmem:s2], $0x3E8, s1, s9, $0xb8;
	[tilespmem:$0x19368] =	vst v63  }
0x1e1: {  	_ =	swait.ge [sflag:s14], $0x4E20  }
0x1e2: {  	[sflag:s14] =	ssyncset.done $0x0  }
0x1e3: {  	s1 =	rddreg [dreg:$0x12];
	[sflag:s14] =	ssyncadd.s32 $0xFFFFB1E0  }
0x1e4: {  	[hbm4b:s1+s3] =	stream.linear.scatter [tilespmem:s11], [sflag:$0x4], $0x4E20, $0x38;
	[tilespmem:$0x19368] =	vst v63  }
0x1e5: {  	_ =	swait.ge [sflag:s15], $0x4E20  }
0x1e6: {  	s1 =	sld [smem:$0x7F2]  }
0x1e7: {  	[sflag:s15] =	ssyncset.done $0x0  }
0x1e8: {  	[sflag:s15] =	ssyncadd.s32 $0xFFFFB1E0  }
0x1e9: {  	[tilespmem:s11], [sflag:$0x2] =	stream.indirect.gather [spmem:s2], $0x3E8, s1, s9, $0xb8;
	[tilespmem:$0x19368] =	vst v63  }
0x1ea: {  	_ =	swait.ge [sflag:s12], $0x4E20  }
0x1eb: {  	[sflag:s12] =	ssyncset.done $0x0  }
0x1ec: {  	s1 =	rddreg [dreg:$0x13];
	[sflag:s12] =	ssyncadd.s32 $0xFFFFB1E0  }
0x1ed: {  	[hbm4b:s1+s3] =	stream.linear.scatter [tilespmem:s10], [sflag:$0x3], $0x4E20, $0x38;
	[tilespmem:$0x19368] =	vst v63  }
0x1ee: {  	_ =	swait.ge [sflag:s13], $0x4E20  }
0x1ef: {  	s1 =	sld [smem:$0x7F3]  }
0x1f0: {  	[sflag:s13] =	ssyncset.done $0x0  }
0x1f1: {  	[sflag:s13] =	ssyncadd.s32 $0xFFFFB1E0  }
0x1f2: {  	[tilespmem:s10], [sflag:$0x1] =	stream.indirect.gather [spmem:s2], $0x3E8, s1, s9, $0xb8;
	[tilespmem:$0x19368] =	vst v63  }
0x1f3: {  	_ =	swait.ge [sflag:s14], $0x4E20  }
0x1f4: {  	[sflag:s14] =	ssyncset.done $0x0  }
0x1f5: {  	s1 =	rddreg [dreg:$0x14];
	[sflag:s14] =	ssyncadd.s32 $0xFFFFB1E0  }
0x1f6: {  	[hbm4b:s1+s3] =	stream.linear.scatter [tilespmem:s11], [sflag:$0x4], $0x4E20, $0x38;
	[tilespmem:$0x19368] =	vst v63  }
0x1f7: {  	_ =	swait.ge [sflag:s15], $0x4E20  }
0x1f8: {  	s1 =	sld [smem:$0x7F4]  }
0x1f9: {  	[sflag:s15] =	ssyncset.done $0x0  }
0x1fa: {  	[sflag:s15] =	ssyncadd.s32 $0xFFFFB1E0  }
0x1fb: {  	[tilespmem:s11], [sflag:$0x2] =	stream.indirect.gather [spmem:s2], $0x3E8, s1, s9, $0xb8;
	[tilespmem:$0x19368] =	vst v63  }
0x1fc: {  	_ =	swait.ge [sflag:s12], $0x4E20  }
0x1fd: {  	[sflag:s12] =	ssyncset.done $0x0  }
0x1fe: {  	s1 =	rddreg [dreg:$0x15];
	[sflag:s12] =	ssyncadd.s32 $0xFFFFB1E0  }
0x1ff: {  	[hbm4b:s1+s3] =	stream.linear.scatter [tilespmem:s10], [sflag:$0x3], $0x4E20, $0x38;
	[tilespmem:$0x19368] =	vst v63  }
0x200: {  	_ =	swait.ge [sflag:s13], $0x4E20  }
0x201: {  	s1 =	sld [smem:$0x7F5]  }
0x202: {  	[sflag:s13] =	ssyncset.done $0x0  }
0x203: {  	[sflag:s13] =	ssyncadd.s32 $0xFFFFB1E0  }
0x204: {  	[tilespmem:s10], [sflag:$0x1] =	stream.indirect.gather [spmem:s2], $0x3E8, s1, s9, $0xb8;
	[tilespmem:$0x19368] =	vst v63  }
0x205: {  	_ =	swait.ge [sflag:s14], $0x4E20  }
0x206: {  	[sflag:s14] =	ssyncset.done $0x0  }
0x207: {  	s1 =	rddreg [dreg:$0x16];
	[sflag:s14] =	ssyncadd.s32 $0xFFFFB1E0  }
0x208: {  	[hbm4b:s1+s3] =	stream.linear.scatter [tilespmem:s11], [sflag:$0x4], $0x4E20, $0x38;
	[tilespmem:$0x19368] =	vst v63  }
0x209: {  	_ =	swait.ge [sflag:s15], $0x4E20  }
0x20a: {  	s1 =	sld [smem:$0x7F6]  }
0x20b: {  	[sflag:s15] =	ssyncset.done $0x0  }
0x20c: {  	[sflag:s15] =	ssyncadd.s32 $0xFFFFB1E0  }
0x20d: {  	[tilespmem:s11], [sflag:$0x2] =	stream.indirect.gather [spmem:s2], $0x3E8, s1, s9, $0xb8;
	[tilespmem:$0x19368] =	vst v63  }
0x20e: {  	_ =	swait.ge [sflag:s12], $0x4E20  }
0x20f: {  	[sflag:s12] =	ssyncset.done $0x0  }
0x210: {  	s1 =	rddreg [dreg:$0x17];
	[sflag:s12] =	ssyncadd.s32 $0xFFFFB1E0  }
0x211: {  	[hbm4b:s1+s3] =	stream.linear.scatter [tilespmem:s10], [sflag:$0x3], $0x4E20, $0x38;
	[tilespmem:$0x19368] =	vst v63  }
0x212: {  	_ =	swait.ge [sflag:s13], $0x4E20  }
0x213: {  	[sflag:s13] =	ssyncset.done $0x0  }
0x214: {  	[sflag:s13] =	ssyncadd.s32 $0xFFFFB1E0  }
0x215: {  	[tilespmem:s10], [sflag:$0x1] =	stream.indirect.gather [spmem:s2], $0x3E8, s16, s9, $0xb8;
	[tilespmem:$0x19368] =	vst v63  }
0x216: {  	_ =	swait.ge [sflag:s14], $0x4E20  }
0x217: {  	[sflag:s14] =	ssyncset.done $0x0  }
0x218: {  	s1 =	rddreg [dreg:$0x18];
	[sflag:s14] =	ssyncadd.s32 $0xFFFFB1E0  }
0x219: {  	[hbm4b:s1+s3] =	stream.linear.scatter [tilespmem:s11], [sflag:$0x4], $0x4E20, $0x38;
	[tilespmem:$0x19368] =	vst v63  }
0x21a: {  	_ =	swait.ge [sflag:s15], $0x4E20  }
0x21b: {  	[sflag:s15] =	ssyncset.done $0x0  }
0x21c: {  	[sflag:s15] =	ssyncadd.s32 $0xFFFFB1E0  }
0x21d: {  	[tilespmem:s11], [sflag:$0x2] =	stream.indirect.gather [spmem:s2], $0x3E8, s17, s9, $0xb8;
	[tilespmem:$0x19368] =	vst v63  }
0x21e: {  	_ =	swait.ge [sflag:s12], $0x4E20  }
0x21f: {  	[sflag:s12] =	ssyncset.done $0x0  }
0x220: {  	s1 =	rddreg [dreg:$0x19];
	[sflag:s12] =	ssyncadd.s32 $0xFFFFB1E0  }
0x221: {  	[hbm4b:s1+s3] =	stream.linear.scatter [tilespmem:s10], [sflag:$0x3], $0x4E20, $0x38;
	[tilespmem:$0x19368] =	vst v63  }
0x222: {  	_ =	swait.ge [sflag:s13], $0x4E20  }
0x223: {  	[sflag:s13] =	ssyncset.done $0x0  }
0x224: {  	[sflag:s13] =	ssyncadd.s32 $0xFFFFB1E0  }
0x225: {  	[tilespmem:s10], [sflag:$0x1] =	stream.indirect.gather [spmem:s2], $0x3E8, s18, s9, $0xb8;
	[tilespmem:$0x19368] =	vst v63  }
0x226: {  	_ =	swait.ge [sflag:s14], $0x4E20  }
0x227: {  	[sflag:s14] =	ssyncset.done $0x0  }
0x228: {  	s1 =	rddreg [dreg:$0x1a];
	[sflag:s14] =	ssyncadd.s32 $0xFFFFB1E0  }
0x229: {  	[hbm4b:s1+s3] =	stream.linear.scatter [tilespmem:s11], [sflag:$0x4], $0x4E20, $0x38;
	[tilespmem:$0x19368] =	vst v63  }
0x22a: {  	_ =	swait.ge [sflag:s15], $0x4E20  }
0x22b: {  	[sflag:s15] =	ssyncset.done $0x0  }
0x22c: {  	[sflag:s15] =	ssyncadd.s32 $0xFFFFB1E0  }
0x22d: {  	[tilespmem:s11], [sflag:$0x2] =	stream.indirect.gather [spmem:s2], $0x3E8, s19, s9, $0xb8;
	[tilespmem:$0x19368] =	vst v63  }
0x22e: {  	_ =	swait.ge [sflag:s12], $0x4E20  }
0x22f: {  	[sflag:s12] =	ssyncset.done $0x0  }
0x230: {  	s1 =	rddreg [dreg:$0x1b];
	[sflag:s12] =	ssyncadd.s32 $0xFFFFB1E0  }
0x231: {  	[hbm4b:s1+s3] =	stream.linear.scatter [tilespmem:s10], [sflag:$0x3], $0x4E20, $0x38;
	[tilespmem:$0x19368] =	vst v63  }
0x232: {  	_ =	swait.ge [sflag:s13], $0x4E20  }
0x233: {  	[sflag:s13] =	ssyncset.done $0x0  }
0x234: {  	[sflag:s13] =	ssyncadd.s32 $0xFFFFB1E0  }
0x235: {  	[tilespmem:s10], [sflag:$0x1] =	stream.indirect.gather [spmem:s2], $0x3E8, s20, s9, $0xb8;
	[tilespmem:$0x19368] =	vst v63  }
0x236: {  	_ =	swait.ge [sflag:s14], $0x4E20  }
0x237: {  	[sflag:s14] =	ssyncset.done $0x0  }
0x238: {  	s1 =	rddreg [dreg:$0x1c];
	[sflag:s14] =	ssyncadd.s32 $0xFFFFB1E0  }
0x239: {  	[hbm4b:s1+s3] =	stream.linear.scatter [tilespmem:s11], [sflag:$0x4], $0x4E20, $0x38;
	[tilespmem:$0x19368] =	vst v63  }
0x23a: {  	_ =	swait.ge [sflag:s15], $0x4E20  }
0x23b: {  	[sflag:s15] =	ssyncset.done $0x0  }
0x23c: {  	[sflag:s15] =	ssyncadd.s32 $0xFFFFB1E0  }
0x23d: {  	[tilespmem:s11], [sflag:$0x2] =	stream.indirect.gather [spmem:s2], $0x3E8, s21, s9, $0xb8;
	[tilespmem:$0x19368] =	vst v63  }
0x23e: {  	_ =	swait.ge [sflag:s12], $0x4E20  }
0x23f: {  	[sflag:s12] =	ssyncset.done $0x0  }
0x240: {  	s1 =	rddreg [dreg:$0x1d];
	[sflag:s12] =	ssyncadd.s32 $0xFFFFB1E0  }
0x241: {  	[hbm4b:s1+s3] =	stream.linear.scatter [tilespmem:s10], [sflag:$0x3], $0x4E20, $0x38;
	[tilespmem:$0x19368] =	vst v63  }
0x242: {  	_ =	swait.ge [sflag:s13], $0x4E20  }
0x243: {  	[sflag:s13] =	ssyncset.done $0x0  }
0x244: {  	[sflag:s13] =	ssyncadd.s32 $0xFFFFB1E0  }
0x245: {  	[tilespmem:s10], [sflag:$0x1] =	stream.indirect.gather [spmem:s2], $0x3E8, s22, s9, $0xb8;
	[tilespmem:$0x19368] =	vst v63  }
0x246: {  	_ =	swait.ge [sflag:s14], $0x4E20  }
0x247: {  	[sflag:s14] =	ssyncset.done $0x0  }
0x248: {  	s1 =	rddreg [dreg:$0x1e];
	[sflag:s14] =	ssyncadd.s32 $0xFFFFB1E0  }
0x249: {  	[hbm4b:s1+s3] =	stream.linear.scatter [tilespmem:s11], [sflag:$0x4], $0x4E20, $0x38;
	[tilespmem:$0x19368] =	vst v63  }
0x24a: {  	_ =	swait.ge [sflag:s15], $0x4E20  }
0x24b: {  	[sflag:s15] =	ssyncset.done $0x0  }
0x24c: {  	[sflag:s15] =	ssyncadd.s32 $0xFFFFB1E0  }
0x24d: {  	[tilespmem:s11], [sflag:$0x2] =	stream.indirect.gather [spmem:s2], $0x3E8, s23, s9, $0xb8;
	[tilespmem:$0x19368] =	vst v63  }
0x24e: {  	_ =	swait.ge [sflag:s12], $0x4E20  }
0x24f: {  	[sflag:s12] =	ssyncset.done $0x0  }
0x250: {  	s1 =	rddreg [dreg:$0x1f];
	[sflag:s12] =	ssyncadd.s32 $0xFFFFB1E0  }
0x251: {  	[hbm4b:s1+s3] =	stream.linear.scatter [tilespmem:s10], [sflag:$0x3], $0x4E20, $0x38;
	[tilespmem:$0x19368] =	vst v63  }
0x252: {  	_ =	swait.ge [sflag:s13], $0x4E20  }
0x253: {  	[sflag:s13] =	ssyncset.done $0x0  }
0x254: {  	[sflag:s13] =	ssyncadd.s32 $0xFFFFB1E0  }
0x255: {  	[tilespmem:s10], [sflag:$0x1] =	stream.indirect.gather [spmem:s2], $0x3E8, s24, s9, $0xb8;
	[tilespmem:$0x19368] =	vst v63  }
0x256: {  	_ =	swait.ge [sflag:s14], $0x4E20  }
0x257: {  	s1 =	sld [smem:$0x7F7]  }
0x258: {  	[sflag:s14] =	ssyncset.done $0x0  }
0x259: {  	[sflag:s14] =	ssyncadd.s32 $0xFFFFB1E0  }
0x25a: {  	[hbm4b:s1+s3] =	stream.linear.scatter [tilespmem:s11], [sflag:$0x4], $0x4E20, $0x38;
	[tilespmem:$0x19368] =	vst v63  }
0x25b: {  	_ =	swait.ge [sflag:s15], $0x4E20  }
0x25c: {  	[sflag:s15] =	ssyncset.done $0x0  }
0x25d: {  	[sflag:s15] =	ssyncadd.s32 $0xFFFFB1E0  }
0x25e: {  	[tilespmem:s11], [sflag:$0x2] =	stream.indirect.gather [spmem:s2], $0x3E8, s25, s9, $0xb8;
	[tilespmem:$0x19368] =	vst v63  }
0x25f: {  	_ =	swait.ge [sflag:s12], $0x4E20  }
0x260: {  	s1 =	sld [smem:$0x7F8]  }
0x261: {  	[sflag:s12] =	ssyncset.done $0x0  }
0x262: {  	[sflag:s12] =	ssyncadd.s32 $0xFFFFB1E0  }
0x263: {  	[hbm4b:s1+s3] =	stream.linear.scatter [tilespmem:s10], [sflag:$0x3], $0x4E20, $0x38;
	[tilespmem:$0x19368] =	vst v63  }
0x264: {  	_ =	swait.ge [sflag:s13], $0x4E20  }
0x265: {  	[sflag:s13] =	ssyncset.done $0x0  }
0x266: {  	[sflag:s13] =	ssyncadd.s32 $0xFFFFB1E0  }
0x267: {  	[tilespmem:s10], [sflag:$0x1] =	stream.indirect.gather [spmem:s2], $0x3E8, s26, s9, $0xb8;
	[tilespmem:$0x19368] =	vst v63  }
0x268: {  	_ =	swait.ge [sflag:s14], $0x4E20  }
0x269: {  	s1 =	sld [smem:$0x7F9]  }
0x26a: {  	[sflag:s14] =	ssyncset.done $0x0  }
0x26b: {  	[sflag:s14] =	ssyncadd.s32 $0xFFFFB1E0  }
0x26c: {  	[hbm4b:s1+s3] =	stream.linear.scatter [tilespmem:s11], [sflag:$0x4], $0x4E20, $0x38;
	[tilespmem:$0x19368] =	vst v63  }
0x26d: {  	_ =	swait.ge [sflag:s15], $0x4E20  }
0x26e: {  	[sflag:s15] =	ssyncset.done $0x0  }
0x26f: {  	[sflag:s15] =	ssyncadd.s32 $0xFFFFB1E0  }
0x270: {  	[tilespmem:s11], [sflag:$0x2] =	stream.indirect.gather [spmem:s2], $0x3E8, s28, s9, $0xb8;
	[tilespmem:$0x19368] =	vst v63  }
0x271: {  	_ =	swait.ge [sflag:s12], $0x4E20  }
0x272: {  	s1 =	sld [smem:$0x7FA]  }
0x273: {  	[sflag:s12] =	ssyncset.done $0x0  }
0x274: {  	[sflag:s12] =	ssyncadd.s32 $0xFFFFB1E0  }
0x275: {  	[hbm4b:s1+s3] =	stream.linear.scatter [tilespmem:s10], [sflag:$0x3], $0x4E20, $0x38;
	[tilespmem:$0x19368] =	vst v63  }
0x276: {  	_ =	swait.ge [sflag:s13], $0x4E20  }
0x277: {  	[sflag:s13] =	ssyncset.done $0x0  }
0x278: {  	[sflag:s13] =	ssyncadd.s32 $0xFFFFB1E0  }
0x279: {  	[tilespmem:s10], [sflag:$0x1] =	stream.indirect.gather [spmem:s2], $0x3E8, s29, s9, $0xb8;
	[tilespmem:$0x19368] =	vst v63  }
0x27a: {  	_ =	swait.ge [sflag:s14], $0x4E20  }
0x27b: {  	s1 =	sld [smem:$0x7FB]  }
0x27c: {  	[sflag:s14] =	ssyncset.done $0x0  }
0x27d: {  	[sflag:s14] =	ssyncadd.s32 $0xFFFFB1E0  }
0x27e: {  	[hbm4b:s1+s3] =	stream.linear.scatter [tilespmem:s11], [sflag:$0x4], $0x4E20, $0x38;
	[tilespmem:$0x19368] =	vst v63  }
0x27f: {  	_ =	swait.ge [sflag:s15], $0x4E20  }
0x280: {  	[sflag:s15] =	ssyncset.done $0x0  }
0x281: {  	[sflag:s15] =	ssyncadd.s32 $0xFFFFB1E0  }
0x282: {  	[tilespmem:s11], [sflag:$0x2] =	stream.indirect.gather [spmem:s2], $0x3E8, s30, s9, $0xb8;
	[tilespmem:$0x19368] =	vst v63  }
0x283: {  	_ =	swait.ge [sflag:s12], $0x4E20  }
0x284: {  	s1 =	sld [smem:$0x7FC]  }
0x285: {  	[sflag:s12] =	ssyncset.done $0x0  }
0x286: {  	[sflag:s12] =	ssyncadd.s32 $0xFFFFB1E0  }
0x287: {  	[hbm4b:s1+s3] =	stream.linear.scatter [tilespmem:s10], [sflag:$0x3], $0x4E20, $0x38;
	[tilespmem:$0x19368] =	vst v63  }
0x288: {  	_ =	swait.ge [sflag:s14], $0x4E20  }
0x289: {  	s1 =	sld [smem:$0x7FD]  }
0x28a: {  	s31 =	sadd.s32 $0xFFFFFFFF, s31;
	[sflag:s14] =	ssyncset.done $0x0  }
0x28b: {  	p1 =	sne.s32 s31, $0x0;
	[sflag:s14] =	ssyncadd.s32 $0xFFFFB1E0  }
0x28c: {  	[hbm4b:s1+s3] =	stream.linear.scatter [tilespmem:s11], [sflag:$0x4], $0x4E20, $0x38;
	[tilespmem:$0x19368] =	vst v63  }
.Ltmp1:
0x28d: {  	_ = 	snop;
	(pc) =	sbr.rel @p1 .LBB2_1-.Ltmp1, $4  }
0x28e: {  	_ =	swait.ge [sflag:s13], $0x4E20  }
0x28f: {  	[sflag:s13] =	ssyncset.done $0x0  }
0x290: {  	[sflag:s13] =	ssyncadd.s32 $0xFFFFB1E0  }
0x291: {  	_ =	swait.ge [sflag:s15], $0x4E20  }
.LBB2_2:
0x292: {  	[sflag:s15] =	ssyncset.done $0x0  }
0x293: {  	[sflag:s15] =	ssyncadd.s32 $0xFFFFB1E0  }
0x294: {  	_ =	sfence.sel $0x180000  }
0x295: {  	[bflag:$0x0] =	sbarrier.arrive $0xFFFF  }
0x296: {  	_ =	strace $0x90000047  }
0x297: {  	s0 =	stileid.u32;
	[bflag:$0x2] =	sbarrier.arrive $0xFFFF  }
0x298: {  	p0 =	sne.s32 s0, $0x0;
	s0 =	rddreg [dreg:$0x3]  }
0x299: {  	s0 =	sadd.s32 @!p0 $0x100000, s0  }
0x29a: {  	[sflag:s0] =	ssyncadd.tile.s32 @!p0 $0x1;
	_ =	shalt  }
.Lfunc_end2:
_tile_overlayer_lowered:
.L_overlay_start_2:
0x29b: {  	(tag) =	ssettag $0x2  }
0x29c: {  	s0 =	rddreg [dreg:$0x0];
	s2 =	stileid.u32  }
0x29d: {  	s1 =	rddreg [dreg:$0x1];
	p0 =	sne.s32 s2, $0x0  }
0x29e: {  	s3 =	rddreg [dreg:$0x2];
	[bflag:$0x3] =	sbarrier.arrive $0xFFFF;
	s2 =	simm.s32 @!p0 $0x1C05  }
0x29f: {  	[timem:s3], [sflag:s2] =	dma.local @!p0 [hbm:s0], s1  }
0x2a0: {  	s0 =	simm.s32 @!p0 $0x5  }
0x2a1: {  	_ =	swait.ge @!p0 [sflag:s0], s1  }
0x2a2: {  	s1 =	ssub.s32 @!p0 $0x0, s1;
	[sflag:s0] =	ssyncset.done @!p0 $0x0  }
0x2a3: {  	[sflag:s0] =	ssyncadd.s32 @!p0 s1  }
0x2a4: {  	[bflag:$0x3] =	sbarrier.arrive $0xFFFF  }
0x2a5: {  	_ =	shalt  }

// kernel: sparse-core-data-format-call.cloned.1.call-start
scs
called_computation_lowered:
.L_overlay_start_0:
0x0: {  	s2 =	sld [smem:$0x3FD9]  }
0x1: {  	s3 =	sld [smem:$0x3FFE];
	_ =	sdelay $0x1  }
0x2: {  	s1 =	srdreg.scid  }
0x3: {  	s0 =	sand.u32 $0x1, s1  }
0x4: {  	s18 =	sshll.u32 s0, $0xA;
	s2 =	sadd.s32 s3, s2  }
0x5: {  	s2 =	sadd.s32 s2, s18  }
0x6: {  	[smem:$0x3FC6] =	sst s2  }
0x7: {  	_ = 	snop  }
0x8: {  	s2 =	sld [smem:$0x3FD0];
	(tm) =	ssettm $0x1  }
0x9: {  	s19 =	sld [smem:$0x3FFB];
	_ =	sdelay $0x3  }
0xa: {  	_ =	strace s19  }
0xb: {  	s3 =	sld [smem:$0x3FFC];
	_ =	sdelay $0x3  }
0xc: {  	_ =	strace s3  }
0xd: {  	s3 =	sld [smem:$0x3FFD];
	_ =	sdelay $0x3  }
0xe: {  	_ =	strace s3  }
0xf: {  	_ =	strace $0x8FFFFFFF  }
0x10: {  	s20 =	sld [smem:$0x3FDB];
	_ =	sdelay $0x1  }
0x11: {  	s4 =	simm.s32 $_scs_section_size  }
0x12: {  	s5 =	simm.s32 $_size__tile_overlayer_lowered;
	s6 =	simm.s32 $_tile_overlayer_lowered  }
0x13: {  	s23 =	simm.s32 $0x1BFF;
	s22 =	sshll.u32 s6, $0x1;
	s3 =	sadd.s32 s4, s20  }
0x14: {  	s7 =	simm.s32 $0x0;
	s21 =	sshll.u32 s5, $0x1;
	s5 =	sadd.s32 s22, s3  }
0x15: {  	[timem:s7], [sflag:s23] =	dma.local [hbm:s5], s21  }
0x16: {  	_ =	swait.ge [sflag:s23], s21  }
0x17: {  	s4 =	ssub.s32 $0x0, s21;
	[sflag:s23] =	ssyncset.done $0x0  }
0x18: {  	[sflag:s23] =	ssyncadd.s32 s4;
	_ =	sdelay $0x1  }
0x19: {  	s24 =	simm.s32 $0x1B8B  }
0x1a: {  	_ =	swait.ge [sflag:s24], $0x1  }
0x1b: {  	[sflag:s24] =	ssyncset.done $0x0  }
0x1c: {  	s26 =	simm.s32 $0x1B8E;
	s25 =	sld [smem:$0x3FFE];
	[sflag:s24] =	ssyncadd.s32 $0xFFFFFFFF  }
0x1d: {  	s27 =	simm.s32 $execute0_lowered;
	[smem:$0x3FD2] =	sst s26  }
0x1e: {  	s5 =	sshll.u32 s27, $0x1;
	_ =	strace $0x80000049;
	[dreg:$0x1] =	wrdreg $0xFFFFFFFF  }
0x1f: {  	s28 =	simm.s32 $_size_execute0_lowered;
	s3 =	sadd.s32 s3, s5;
	[dreg:$0x0] =	wrdreg $0x0  }
0x20: {  	s5 =	sshll.u32 s28, $0x1;
	[dreg:$0x2] =	wrdreg s3  }
0x21: {  	[dreg:$0x3] =	wrdreg s5  }
0x22: {  	[dreg:$0x4] =	wrdreg $0xC0  }
0x23: {  	_ =	task [dreg:s7], $0x5FFFF  }
0x24: {  	[dreg:$0x1] =	wrdreg $0xFFFFFFFF  }
0x25: {  	[dreg:$0x0] =	wrdreg $0x60  }
0x26: {  	[dreg:$0x2] =	wrdreg s25  }
0x27: {  	[dreg:$0x3] =	wrdreg s2  }
0x28: {  	[dreg:$0x4] =	wrdreg $0x9  }
0x29: {  	_ =	task.clear_ibuf [dreg:s7], $0x5FFFF;
	_ =	strace $0x90000049  }
0x2a: {  	s29 =	simm.s32 $0x9;
	_ =	strace $0x8000004B  }
0x2b: {  	_ =	swait.ge [sflag:s29], $0x1  }
0x2c: {  	[sflag:s29] =	ssyncadd.s32 $0xFFFFFFFF  }
0x2d: {  	_ =	strace $0x9000004B  }
0x2e: {  	_ =	sfence  }
0x2f: {  	s30 =	sld [smem:$0x0];
	_ =	sdelay $0x2  }
0x30: {  	s31 =	sshll.u32 s1, $0xD;
	s1 =	sshrl.u32 s1, $0x2  }
0x31: {  	s3 =	sand.u32 $0x4000, s31;
	s1 =	sadd.s32 s1, s30  }
0x32: {  	s0 =	sor.u32 s3, s0;
	s1 =	sshll.u32 s1, $0x11  }
0x33: {  	s0 =	sor.u32 s1, s0  }
0x34: {  	s0 =	sadd.s32 $0x8F2B, s0  }
0x35: {  	[sflag:s0] =	ssyncadd.remote.s32 $0x1  }
0x36: {  	_ =	sfence.sel $0xFFFF  }
0x37: {  	[dreg:$0x0] =	wrdreg $0xFFFFFFFF;
	(pc) =	sbr.abs _section_cstart, $3  }
0x38: {  	[dreg:$0x1] =	wrdreg $0xFFFFFFFF  }
0x39: {  	_ =	task.clear_ibuf [dreg:s7], $0x2FFFF;
	_ =	strace $0x9FFFFFFF  }
0x3a: {  	(tm) =	ssettm $0x7FFFFFFF  }
0x3b: {  	_ =	shalt  }
tec
execute0_lowered:
.L_overlay_start_1:
0x0: {  	(tag) =	ssettag $0x1  }
0x1: {  	s4 =	rddreg [dreg:$0x0]  }
0x2: {  	s0 =	stileid.u32;
	s2 =	rddreg [dreg:$0x1]  }
0x3: {  	s7 =	srdreg.scid;
	s31 =	simm.s32 $0x2;
	s17 =	simm.s32 $0x0  }
0x4: {  	s9 =	simm.s32 $0x2000;
	s19 =	simm.s32 $0x0;
	s18 =	simm.s32 $0x0  }
0x5: {  	s10 =	simm.s32 $0x0;
	s11 =	simm.s32 $0x0;
	s1 =	sshll.u32 s0, $0x7  }
0x6: {  	s12 =	simm.s32 $0x0;
	s14 =	simm.s32 $0x0;
	s3 =	sand.u32 $0x380, s1  }
0x7: {  	s16 =	simm.s32 $0x0;
	s4 =	sadd.s32 $0x800, s4;
	s5 =	ssub.s32 $0x400, s3  }
0x8: {  	s8 =	sshll.u32 s0, $0x4;
	s7 =	sshll.u32 s7, $0x8;
	s6 =	sand.u32 $0x380, s5  }
0x9: {  	s1 =	rddreg [dreg:$0x2];
	p0 =	sne.s32 s6, $0x0;
	s6 =	simm.s32 $0x1  }
.Ltmp0:
0xa: {  	s5 =	sshrl.u32 s5, $0xA;
	s6 =	simm.s32 @!p0 $0x0;
	(pc) =	sbr.rel .LBB1_1-.Ltmp0, $4  }
0xb: {  	_ =	strace $0x8000004A;
	s7 =	sor.u32 s8, s7;
	s6 =	sadd.s32 s6, s5  }
0xc: {  	s7 =	sand.u32 $0x180, s7;
	s5 =	simm.s32 $0x1;
	s6 =	smul.u32 $0x28, s6  }
0xd: {  	s15 =	smov.u32 s3;
	s13 =	smov.u32 s7;
	[sflag:s5] =	ssyncpa.u1 $0x0  }
0xe: {  	p0 =	por $0x0, $0x0;
	[sflag:s31] =	ssyncpa.u1 $0x0;
	s8 =	sor.u32 $0x1, s6  }
.LBB1_4:
0xf: {  	s25 =	sshll.u32 s10, $0xA;
	s24 =	sshra.s32 s24, $0x2;
	s26 =	sshll.u32 s12, $0x3  }
0x10: {  	p1 =	sgt.s32 s11, $0x13;
	s27 =	smov.u32 s11;
	s28 =	sshra.s32 s11, $0x1F  }
0x11: {  	p2 =	sgt.s32 s12, $0x380;
	s31 =	sshra.s32 s12, $0x1F;
	s25 =	sand.u32 $0xFFFFE000, s25  }
0x12: {  	s26 =	sand.u32 $0xFFFFFC00, s26;
	s27 =	simm.s32 @!p1 $0x13;
	s28 =	sand.u32 s28, s11  }
0x13: {  	[tilespmem:s22+$0x2040 ss:$0x81] =	vst.msk $0xffff, v4;
	s23 =	sadd.s32 s24, s23;
	s29 =	sadd.s32 s26, s25;
	s25 =	ssub.s32 s27, s28  }
0x14: {  	[tilespmem:s22+$0x2850 ss:$0x81] =	vst.msk $0xffff, v3;
	s27 =	smov.u32 s12;
	s28 =	smov.u32 s10;
	s26 =	sand.u32 s31, s12  }
0x15: {  	[tilespmem:s22+$0x3060 ss:$0x81] =	vst.msk $0xffff, v2;
	s24 =	sshrl.u32 s29, $0xA;
	s30 =	sadd.s32 $0xFFFFFFED, s25;
	s27 =	simm.s32 @!p2 $0x380  }
0x16: {  	v5 =	vld [tilespmem:s21+$0xFFFFFFD0];
	[tilespmem:s22+$0x0 ss:$0x81] =	vst.msk $0xffff, v1;
	p2 =	sgt.s32 s10, $0x368;
	s29 =	sshra.s32 s10, $0x1F;
	s22 =	ssub.s32 $0x14, s25  }
0x17: {  	v58 =	vld [tilespmem:s21+$0xFFFFFFE0];
	p1 =	sgt.s32 s30, $0x0;
	s28 =	simm.s32 @!p2 $0x368;
	s29 =	sand.u32 s29, s10  }
0x18: {  	v59 =	vld [tilespmem:s21+$0xFFFFFFF0];
	s26 =	ssub.s32 s27, s26;
	s27 =	smulhi.u32 $0x418938, s24;
	s28 =	ssub.s32 s28, s29  }
0x19: {  	v60 =	vld [tilespmem:s21+$0x0];
	s30 =	sadd.s32 $0xFFFFFC80, s26;
	s25 =	ssub.s32 $0x400, s26;
	s22 =	simm.s32 @p1 $0x0  }
0x1a: {  	v61 =	vld [tilespmem:s21+$0x10];
	[tilespmem:s23+$0x3870 ss:$0x81] =	vst.msk $0xffff, v0;
	s29 =	sand.u32 $0x78, s12;
	p2 =	sgt.s32 s30, $0x7F;
	s31 =	sadd.s32 $0xFFFFFC98, s28  }
0x1b: {  	v62 =	vld [tilespmem:s21+$0x20];
	[tilespmem:s23+$0x810 ss:$0x81] =	vst.msk $0xffff, v5;
	s27 =	smul.u32 $0x3E8, s27;
	s30 =	sshll.u32 s10, $0x7;
	s28 =	ssub.s32 $0x3E8, s28  }
0x1c: {  	v63 =	vld [tilespmem:s21+$0xFFFFFFC0];
	[tilespmem:s23+$0x1020 ss:$0x81] =	vst.msk $0xffff, v58;
	s25 =	simm.s32 @p2 $0x0;
	p1 =	sgt.s32 s31, $0x7F;
	s31 =	smul.u32 $0x1F400, s11  }
0x1d: {  	[tilespmem:s23+$0x1830 ss:$0x81] =	vst.msk $0xffff, v59;
	s21 =	sand.u32 $0x380, s30;
	s22 =	smul.u32 s25, s22;
	s28 =	simm.s32 @p1 $0x0  }
0x1e: {  	[tilespmem:s23+$0x2040 ss:$0x81] =	vst.msk $0xffff, v60;
	s21 =	sor.u32 s29, s21;
	s24 =	ssub.s32 s24, s27;
	s29 =	sand.u32 $0x7, s12  }
0x1f: {  	[tilespmem:s23+$0x2850 ss:$0x81] =	vst.msk $0xffff, v61;
	s21 =	sshrl.u32 s21, $0x3;
	s25 =	sadd.s32 s2, s31;
	s22 =	smul.u32 s28, s22  }
0x20: {  	[tilespmem:s23+$0x3060 ss:$0x81] =	vst.msk $0xffff, v62;
	s24 =	sshll.u32 s24, $0x7;
	s30 =	sshll.u32 s29, $0x12;
	s21 =	sadd.s32 s21, s25  }
0x21: {  	[tilespmem:s23+$0x0 ss:$0x81] =	vst.msk $0xffff, v63;
	s31 =	sor.u32 $0x400, s30;
	s21 =	sadd.s32 s24, s21;
	s22 =	sand.u32 $0x3FFFFFFF, s22  }
0x22: {  	[hbm4b:s21+s31] =	stream.strided.scatter [tilespmem:s20], [sflag:$0x2], s22, s9, s31, $0x20;
	[tilespmem:$0x10100] =	vst v63  }
.LBB1_5:
0x23: {  	p1 =	slt.u32 s16, $0x2  }
0x24: {  	p2 =	sgt.s32 @!p1 s19, $0x13  }
0x25: {  	s20 =	smov.u32 s19;
	s21 =	sshra.s32 @!p1 s19, $0x1F;
	p2 =	por !p2, p1  }
0x26: {  	s19 =	sand.u32 @!p1 s21, s19;
	s20 =	simm.s32 @p2 $0x13  }
0x27: {  	p3 =	sgt.s32 @!p1 s17, $0x368;
	s19 =	ssub.s32 @!p1 s20, s19  }
0x28: {  	p4 =	sgt.s32 @!p1 s18, $0x380;
	s22 =	sshra.s32 @!p1 s18, $0x1F;
	s20 =	sadd.s32 @!p1 $0xFFFFFFED, s19  }
0x29: {  	s21 =	smov.u32 s17;
	p2 =	sgt.s32 @!p1 s20, $0x0;
	s20 =	sshra.s32 @!p1 s17, $0x1F  }
0x2a: {  	p4 =	por !p4, p1;
	s17 =	sand.u32 @!p1 s20, s17;
	s20 =	smov.u32 s18  }
0x2b: {  	p3 =	por !p3, p1;
	s18 =	sand.u32 @!p1 s22, s18;
	s20 =	simm.s32 @p4 $0x380  }
0x2c: {  	s21 =	simm.s32 @p3 $0x368;
	s19 =	ssub.s32 @!p1 $0x14, s19;
	s18 =	ssub.s32 @!p1 s20, s18  }
0x2d: {  	p2 =	por !p2, p1;
	s17 =	ssub.s32 @!p1 s21, s17;
	s21 =	sadd.s32 @!p1 $0xFFFFFC80, s18  }
0x2e: {  	s19 =	simm.s32 @!p2 $0x0;
	p3 =	sgt.s32 @!p1 s21, $0x7F  }
0x2f: {  	s20 =	sadd.s32 @!p1 $0xFFFFFC98, s17;
	s18 =	ssub.s32 @!p1 $0x400, s18;
	p3 =	por !p3, p1  }
0x30: {  	p2 =	sgt.s32 @!p1 s20, $0x7F;
	s20 =	sadd.s32 $0x200, s13;
	s18 =	simm.s32 @!p3 $0x0  }
0x31: {  	p3 =	sgt.s32 s20, $0x3E7;
	s18 =	smul.u32 @!p1 s18, s19;
	s19 =	simm.s32 $0x1  }
0x32: {  	s17 =	ssub.s32 @!p1 $0x3E8, s17;
	p2 =	por !p2, p1;
	s19 =	simm.s32 @!p3 $0x0  }
0x33: {  	s22 =	smov.u32 s15;
	s17 =	simm.s32 @!p2 $0x0;
	s21 =	sadd.s32 s19, s14  }
0x34: {  	s17 =	smul.u32 @!p1 s17, s18;
	s18 =	sadd.s32 $0x400, s15;
	p2 =	sgt.s32 s21, $0x13  }
0x35: {  	p0 =	por !p0, !p0;
	s23 =	simm.s32 @!p1 $0x2;
	s22 =	smov.u32 @p2 s18  }
0x36: {  	s20 =	smov.u32 @p3 s7;
	s21 =	simm.s32 @p2 $0x0;
	p2 =	sgt.s32 s22, $0x3FF  }
0x37: {  	s19 =	smov.u32 s11;
	s22 =	smov.u32 @p2 s3;
	p2 =	sne.s32 s16, s8  }
.Ltmp1:
0x38: {  	s11 =	smov.u32 s14;
	s17 =	sand.u32 @!p1 $0x3FFFFFFF, s17;
	(pc) =	sbr.rel @!p2 .LBB1_6-.Ltmp1, $4  }
0x39: {  	s18 =	smov.u32 s12;
	s12 =	smov.u32 s15;
	_ =	swait.ge @!p1 [sflag:s23], s17  }
0x3a: {  	s24 =	ssub.s32 @!p1 $0x0, s17;
	s17 =	smov.u32 s10;
	s10 =	smov.u32 s13  }
0x3b: {  	s13 =	smov.u32 s20;
	s14 =	smov.u32 s21;
	[sflag:s23] =	ssyncset.done @!p1 $0x0  }
0x3c: {  	s16 =	sadd.s32 $0x1, s16;
	[sflag:s23] =	ssyncadd.s32 @!p1 s24;
	s15 =	smov.u32 s22  }
.LBB1_1:
0x3d: {  	p1 =	sge.u32 s16, s6  }
0x3e: {  	s20 =	sshll.u32 @!p1 s14, $0xA  }
0x3f: {  	s21 =	sshll.u32 @!p1 s13, $0x3;
	s20 =	sand.u32 @!p1 $0xFFFFE000, s20  }
0x40: {  	s20 =	sadd.s32 @!p1 s20, s21  }
0x41: {  	s20 =	sshrl.u32 @!p1 s20, $0xA  }
0x42: {  	s21 =	smulhi.u32 @!p1 $0xAAAAAAB, s20  }
0x43: {  	s22 =	sshll.u32 @!p1 s14, $0x7;
	s24 =	smul.u32 @!p1 $0xC00, s15  }
0x44: {  	s23 =	sand.u32 @!p1 $0x78, s13;
	s22 =	sand.u32 @!p1 $0x380, s22;
	s21 =	smul.u32 @!p1 $0x18, s21  }
0x45: {  	s31 =	sadd.s32 $0xFFFFFFFF, s16;
	s22 =	sor.u32 @!p1 s23, s22;
	s23 =	sadd.s32 @!p1 s4, s24  }
0x46: {  	s22 =	sshrl.u32 @!p1 s22, $0x3;
	s20 =	ssub.s32 @!p1 s20, s21;
	s21 =	sxor.u32 @!p1 $0xFFFFFFFF, s16  }
0x47: {  	s22 =	sadd.s32 @!p1 s22, s23;
	s23 =	sand.u32 @!p1 $0x7, s13;
	s21 =	sshll.u32 @!p1 s21, $0xE  }
0x48: {  	s23 =	sshll.u32 @!p1 s23, $0x12;
	s20 =	sshll.u32 @!p1 s20, $0x7;
	s21 =	sand.u32 @!p1 $0x4000, s21  }
0x49: {  	s20 =	sadd.s32 @!p1 s20, s22;
	s22 =	sor.u32 @!p1 $0x80, s23;
	s23 =	simm.s32 @!p1 $0x6000  }
0x4a: {  	[tilespmem:s21], [sflag:$0x1] =	stream.strided.gather @!p1 [hbm4b:s20+s22], $0x4000, s23, s22, $0x38;
	[tilespmem:$0x10100] =	vst v63  }
0x4b: {  	p1 =	sge.u32 s31, s6  }
.Ltmp2:
0x4c: {  	_ = 	snop;
	(pc) =	sbr.rel @p1 .LBB1_5-.Ltmp2, $1  }
0x4d: {  	_ =	sdelay $0x3  }
0x4e: {  	s20 =	simm.s32 $0x1  }
0x4f: {  	_ =	swait.ge [sflag:s5], $0x4000;
	s20 =	simm.s32 @!p0 $0x0  }
0x50: {  	[sflag:s5] =	ssyncset.done $0x0;
	s21 =	sshll.u32 s20, $0xE  }
0x51: {  	[sflag:s5] =	ssyncadd.s32 $0xFFFFC000;
	s21 =	sor.u32 $0x40, s21  }
0x52: {  	s20 =	smul.u32 $0x10200, s20;
	v0 =	vld [tilespmem:s21+$0x30]  }
0x53: {  	v1 =	vld [tilespmem:s21+$0xFFFFFFD0]  }
0x54: {  	s20 =	sshrl.u32 s20, $0x2;
	v5 =	vld [tilespmem:s21+$0xFFFFFFE0]  }
0x55: {  	v6 =	vld [tilespmem:s21+$0xFFFFFFF0];
	s23 =	sor.u32 $0x8000, s20  }
0x56: {  	s31 =	sand.u32 $0x1, s16;
	v4 =	vld [tilespmem:s21+$0x0];
	s22 =	sadd.s32 $0x0, s23  }
0x57: {  	v3 =	vld [tilespmem:s21+$0x10];
	s20 =	smul.u32 $0x10200, s31;
	[tilespmem:s22+$0x3870 ss:$0x81] =	vst.msk $0xffff, v0  }
0x58: {  	v2 =	vld [tilespmem:s21+$0x20];
	[tilespmem:s22+$0x810 ss:$0x81] =	vst.msk $0xffff, v1  }
0x59: {  	s20 =	sshrl.u32 s20, $0x2;
	v1 =	vld [tilespmem:s21+$0xFFFFFFC0];
	[tilespmem:s22+$0x1020 ss:$0x81] =	vst.msk $0xffff, v5;
	s21 =	sadd.s32 $0x80, s21  }
0x5a: {  	s24 =	simm.s32 $0x4;
	s25 =	simm.s32 $0x8;
	s20 =	sor.u32 $0x8000, s20;
	[tilespmem:s22+$0x1830 ss:$0x81] =	vst.msk $0xffff, v6;
	v0 =	vld [tilespmem:s21+$0x30]  }
.LBB1_3:
0x5b: {  	p1 =	sne.s32 s25, $0x1FC;
	v5 =	vld [tilespmem:s21+$0xFFFFFFD0];
	[tilespmem:s22+$0x2040 ss:$0x81] =	vst.msk $0xffff, v4  }
0x5c: {  	v6 =	vld [tilespmem:s21+$0xFFFFFFE0];
	[tilespmem:s22+$0x2850 ss:$0x81] =	vst.msk $0xffff, v3  }
0x5d: {  	s26 =	sshra.s32 s24, $0x2;
	s24 =	smov.u32 s25;
	v7 =	vld [tilespmem:s21+$0xFFFFFFF0];
	[tilespmem:s22+$0x3060 ss:$0x81] =	vst.msk $0xffff, v2  }
.Ltmp3:
0x5e: {  	v4 =	vld [tilespmem:s21+$0x0];
	[tilespmem:s22+$0x0 ss:$0x81] =	vst.msk $0xffff, v1;
	s22 =	sadd.s32 s26, s23;
	(pc) =	sbr.rel @p1 .LBB1_3-.Ltmp3, $4  }
0x5f: {  	v3 =	vld [tilespmem:s21+$0x10];
	[tilespmem:s22+$0x3870 ss:$0x81] =	vst.msk $0xffff, v0  }
0x60: {  	[tilespmem:s22+$0x810 ss:$0x81] =	vst.msk $0xffff, v5;
	v2 =	vld [tilespmem:s21+$0x20]  }
0x61: {  	v1 =	vld [tilespmem:s21+$0xFFFFFFC0];
	[tilespmem:s22+$0x1020 ss:$0x81] =	vst.msk $0xffff, v6;
	s21 =	sadd.s32 $0x80, s21  }
0x62: {  	s25 =	sadd.s32 $0x4, s25;
	v0 =	vld [tilespmem:s21+$0x30];
	[tilespmem:s22+$0x1830 ss:$0x81] =	vst.msk $0xffff, v7  }
.Ltmp4:
0x63: {  	_ = 	snop;
	(pc) =	sbr.rel .LBB1_4-.Ltmp4, $1  }
0x64: {  	_ =	sdelay $0x3  }
.LBB1_6:
0x65: {  	_ =	sfence.sel $0x180000  }
0x66: {  	s2 =	simm.s32 $0x1;
	[bflag:$0x0] =	sbarrier.arrive $0xFFFF  }
0x67: {  	s31 =	simm.s32 $0x2;
	[sflag:s2] =	ssyncpa.u1 $0x1  }
0x68: {  	[sflag:s31] =	ssyncpa.u1 $0x1  }
0x69: {  	p0 =	sne.s32 s0, $0x0;
	_ =	strace $0x9000004A  }
0x6a: {  	s0 =	sadd.s32 @!p0 $0x100000, s1;
	[bflag:$0x2] =	sbarrier.arrive $0xFFFF  }
0x6b: {  	[sflag:s0] =	ssyncadd.tile.s32 @!p0 $0x1;
	_ =	shalt  }
.Lfunc_end1:
_tile_overlayer_lowered:
.L_overlay_start_2:
0x6c: {  	(tag) =	ssettag $0x2  }
0x6d: {  	s0 =	rddreg [dreg:$0x0];
	s2 =	stileid.u32  }
0x6e: {  	s1 =	rddreg [dreg:$0x1];
	p0 =	sne.s32 s2, $0x0  }
0x6f: {  	s3 =	rddreg [dreg:$0x2];
	[bflag:$0x3] =	sbarrier.arrive $0xFFFF;
	s2 =	simm.s32 @!p0 $0x1C01  }
0x70: {  	[timem:s3], [sflag:s2] =	dma.local @!p0 [hbm:s0], s1  }
0x71: {  	s0 =	simm.s32 @!p0 $0x1  }
0x72: {  	_ =	swait.ge @!p0 [sflag:s0], s1  }
0x73: {  	s1 =	ssub.s32 @!p0 $0x0, s1;
	[sflag:s0] =	ssyncset.done @!p0 $0x0  }
0x74: {  	[sflag:s0] =	ssyncadd.s32 @!p0 s1  }
0x75: {  	[bflag:$0x3] =	sbarrier.arrive $0xFFFF  }
0x76: {  	_ =	shalt  }

</sc_bundles>
